<compile_context>
chip_gen: v7x
topology: tpu7x:2x2x1
jax: 0.10.2.dev20260603
libtpu: 0.0.44.dev20260713+nightly
codegen_flags: <defaults>
</compile_context>

<pallas_src>
import functools

import jax
import jax.numpy as jnp
from jax import lax
from jax.experimental import pallas as pl
from jax.experimental.pallas import tpu as pltpu
from jax.experimental.pallas import tpu_sc as plsc

N = 10000
NP = 10240
E = 320000
CH = 128
NCH = 80
EPT = NCH * CH
NT = 32
PE = NT * EPT
TCH = PE // CH
RPT = NP // 16
BR = 1024

_mesh = plsc.VectorSubcoreMesh(core_axis_name="c", subcore_axis_name="s")


def _make_agg(F):

    @functools.partial(
        pl.kernel,
        mesh=_mesh,
        out_type=jax.ShapeDtypeStruct((2 * NP, F), jnp.float32),
        scratch_types=[
            pltpu.VMEM((NCH // 2, CH), jnp.int32),
            pltpu.VMEM((NCH // 2, CH), jnp.int32),
            pltpu.VMEM((CH, F), jnp.float32),
            pltpu.VMEM((CH, F), jnp.float32),
            pltpu.VMEM_SHARED((NP, F), jnp.float32),
            pltpu.SemaphoreType.DMA,
            pltpu.SemaphoreType.DMA,
        ],
    )
    def agg(src_hbm, dst_hbm, h_hbm, zz_hbm, out_hbm,
            idx_s, idx_d, rows0, rows1, acc, sem0, sem1):
        cid = lax.axis_index("c")
        sid = lax.axis_index("s")
        tid = cid * 16 + sid
        pltpu.sync_copy(zz_hbm, rows0)
        for k in range(RPT // CH):
            pltpu.sync_copy(rows0, acc.at[pl.ds(sid * RPT + k * CH, CH)])
        plsc.subcore_barrier()

        rows = (rows0, rows1)
        sems = (sem0, sem1)
        HC = NCH // 2

        def gwait(b):
            pltpu.make_async_copy(h_hbm.at[pl.ds(0, CH)], rows[b], sems[b]).wait()

        def half(h, carry):
            pltpu.sync_copy(src_hbm.at[pl.ds(tid * NCH + h * HC, HC)], idx_s)
            pltpu.sync_copy(dst_hbm.at[pl.ds(tid * NCH + h * HC, HC)], idx_d)
            for b in range(2):
                pltpu.async_copy(h_hbm.at[idx_s.at[b]], rows[b], sems[b])

            def body(i, c):
                j0 = i * 2
                for b in range(2):
                    gwait(b)
                    pltpu.sync_copy(rows[b], acc.at[idx_d.at[j0 + b]], add=True)
                    nxt = jnp.minimum(j0 + 2 + b, HC - 1)
                    pltpu.async_copy(h_hbm.at[idx_s.at[nxt]], rows[b], sems[b])
                return c

            lax.fori_loop(0, HC // 2, body, 0)
            for b in range(2):
                gwait(b)
            return carry

        lax.fori_loop(0, 2, half, 0)
        plsc.subcore_barrier()
        for k in range(RPT // CH):
            r0 = sid * RPT + k * CH
            pltpu.sync_copy(acc.at[pl.ds(r0, CH)], rows0)
            pltpu.sync_copy(rows0, out_hbm.at[pl.ds(cid * NP + r0, CH)])

    return agg


_agg = _make_agg(128)


@functools.partial(
    pl.kernel,
    mesh=_mesh,
    out_type=(
        jax.ShapeDtypeStruct((2 * NP,), jnp.float32),
        jax.ShapeDtypeStruct((2 * NP,), jnp.float32),
    ),
    scratch_types=[
        pltpu.VMEM((NCH, CH), jnp.int32),
        pltpu.VMEM((NCH, CH), jnp.int32),
        pltpu.VMEM((CH,), jnp.float32),
        pltpu.VMEM((RPT,), jnp.float32),
        pltpu.VMEM_SHARED((NP,), jnp.float32),
        pltpu.VMEM_SHARED((NP,), jnp.float32),
    ],
)
def _deg(src_hbm, dst_hbm, ones_hbm, zz_hbm, out_o, out_i,
         idx_s, idx_d, ones_v, tmp, acc_o, acc_i):
    cid = lax.axis_index("c")
    sid = lax.axis_index("s")
    tid = cid * 16 + sid
    pltpu.sync_copy(ones_hbm, ones_v)
    pltpu.sync_copy(zz_hbm, tmp)
    pltpu.sync_copy(tmp, acc_o.at[pl.ds(sid * RPT, RPT)])
    pltpu.sync_copy(tmp, acc_i.at[pl.ds(sid * RPT, RPT)])
    pltpu.sync_copy(src_hbm.at[pl.ds(tid * NCH, NCH)], idx_s)
    pltpu.sync_copy(dst_hbm.at[pl.ds(tid * NCH, NCH)], idx_d)
    plsc.subcore_barrier()

    def body(j, carry):
        pltpu.sync_copy(ones_v, acc_o.at[idx_s.at[j]], add=True)
        pltpu.sync_copy(ones_v, acc_i.at[idx_d.at[j]], add=True)
        return carry

    lax.fori_loop(0, NCH, body, 0)
    plsc.subcore_barrier()
    pltpu.sync_copy(acc_o.at[pl.ds(sid * RPT, RPT)], tmp)
    pltpu.sync_copy(tmp, out_o.at[pl.ds(cid * NP + sid * RPT, RPT)])
    pltpu.sync_copy(acc_i.at[pl.ds(sid * RPT, RPT)], tmp)
    pltpu.sync_copy(tmp, out_i.at[pl.ds(cid * NP + sid * RPT, RPT)])


def _elu(v):
    return jnp.where(v > 0, v, jnp.exp(jnp.minimum(v, 0.0)) - 1.0)


def _norm(d_ref):
    d = d_ref[0] + d_ref[1]
    return lax.rsqrt(jnp.maximum(d, 1.0))


def _tc1_body(x_ref, w_ref, do_ref, o_ref):
    ns = _norm(do_ref)
    o_ref[...] = jnp.dot(x_ref[...] * ns, w_ref[...],
                         preferred_element_type=jnp.float32)


def _tc2_body(a_ref, b_ref, di_ref, do_ref, o_ref):
    nd = _norm(di_ref)
    ns = _norm(do_ref)
    a = a_ref[0] + a_ref[1]
    o_ref[...] = _elu(a * nd + b_ref[...]) * ns


def _tc3_body(a_ref, w2_ref, b2_ref, w3_ref, di_ref, do_ref, o_ref):
    nd = _norm(di_ref)
    ns = _norm(do_ref)
    a = a_ref[0] + a_ref[1]
    h = _elu(jnp.dot(a * nd, w2_ref[...], preferred_element_type=jnp.float32)
             + b2_ref[...])
    o_ref[...] = jnp.dot(h * ns, w3_ref[...], preferred_element_type=jnp.float32)


def _tc4_body(a_ref, b_ref, di_ref, o_ref):
    nd = _norm(di_ref)
    a = a_ref[0] + a_ref[1]
    v = a * nd + b_ref[...]
    o_ref[...] = 1.0 / (1.0 + jnp.exp(-v))


def _deg_spec():
    return pl.BlockSpec((2, BR, 1), lambda i: (0, i, 0))


def _resh2(a):
    return a.reshape(2, NP, a.shape[-1])


def kernel(edge_index, x, W1, b1, W2, b2, W3, b3):
    src = edge_index[0].astype(jnp.int32)
    dst = edge_index[1].astype(jnp.int32)
    pad_e = PE - E
    pad_row = N + jnp.arange(pad_e, dtype=jnp.int32) % (NP - N)
    srcp = jnp.concatenate([src, pad_row]).reshape(TCH, CH)
    dstp = jnp.concatenate([dst, pad_row]).reshape(TCH, CH)
    xp = jnp.pad(x, ((0, NP - N), (0, 0)))
    W1p = jnp.pad(W1, ((0, 0), (0, 28)))
    b1p = jnp.pad(b1, (0, 28)).reshape(1, 128)
    W2p = jnp.pad(W2, ((0, 28), (0, 0)))
    b2r = b2.reshape(1, 200)
    b3r = b3.reshape(1, 128)
    ones_c = jnp.ones((CH,), jnp.float32)
    zz_r = jnp.zeros((RPT,), jnp.float32)
    zz128 = jnp.zeros((CH, 128), jnp.float32)

    deg_o, deg_i = _deg(srcp, dstp, ones_c, zz_r)
    deg_o = deg_o.reshape(2, NP, 1)
    deg_i = deg_i.reshape(2, NP, 1)

    t1 = pl.pallas_call(
        _tc1_body,
        grid=(NP // BR,),
        in_specs=[
            pl.BlockSpec((BR, 128), lambda i: (i, 0)),
            pl.BlockSpec((128, 128), lambda i: (0, 0)),
            _deg_spec(),
        ],
        out_specs=pl.BlockSpec((BR, 128), lambda i: (i, 0)),
        out_shape=jax.ShapeDtypeStruct((NP, 128), jnp.float32),
    )(xp, W1p, deg_o)

    a1 = _resh2(_agg(srcp, dstp, t1, zz128))

    u2 = pl.pallas_call(
        _tc2_body,
        grid=(NP // BR,),
        in_specs=[
            pl.BlockSpec((2, BR, 128), lambda i: (0, i, 0)),
            pl.BlockSpec((1, 128), lambda i: (0, 0)),
            _deg_spec(),
            _deg_spec(),
        ],
        out_specs=pl.BlockSpec((BR, 128), lambda i: (i, 0)),
        out_shape=jax.ShapeDtypeStruct((NP, 128), jnp.float32),
    )(a1, b1p, deg_i, deg_o)

    a2 = _resh2(_agg(srcp, dstp, u2, zz128))

    t3 = pl.pallas_call(
        _tc3_body,
        grid=(NP // BR,),
        in_specs=[
            pl.BlockSpec((2, BR, 128), lambda i: (0, i, 0)),
            pl.BlockSpec((128, 200), lambda i: (0, 0)),
            pl.BlockSpec((1, 200), lambda i: (0, 0)),
            pl.BlockSpec((200, 128), lambda i: (0, 0)),
            _deg_spec(),
            _deg_spec(),
        ],
        out_specs=pl.BlockSpec((BR, 128), lambda i: (i, 0)),
        out_shape=jax.ShapeDtypeStruct((NP, 128), jnp.float32),
    )(a2, W2p, b2r, W3, deg_i, deg_o)

    a3 = _resh2(_agg(srcp, dstp, t3, zz128))

    out = pl.pallas_call(
        _tc4_body,
        grid=(NP // BR,),
        in_specs=[
            pl.BlockSpec((2, BR, 128), lambda i: (0, i, 0)),
            pl.BlockSpec((1, 128), lambda i: (0, 0)),
            _deg_spec(),
        ],
        out_specs=pl.BlockSpec((BR, 128), lambda i: (i, 0)),
        out_shape=jax.ShapeDtypeStruct((NP, 128), jnp.float32),
    )(a3, b3r, deg_i)

    return out[:N]

# --- scband reference (transcript-rebuilt; emitter-appended) ---
"""Pipeline reference for scband-graph-conv-net-61907658605025 (READ-ONLY COPY).

The authoritative reference and input builder live on the scoring server;
editing this copy changes nothing except your own understanding.
"""

import jax, jax.numpy as jnp
import numpy as np

N_NODES = 10000
N_EDGES = 320000


def _gcn_layer(x, src, dst, W, b, n_nodes):
    # DGL GraphConv with norm='both':
    # h = D_out^{-1/2} on src side, sum-aggregate, D_in^{-1/2} on dst side, then linear.
    ones = jnp.ones((src.shape[0],), dtype=x.dtype)
    deg_out = jnp.zeros((n_nodes,), dtype=x.dtype).at[src].add(ones)
    deg_in = jnp.zeros((n_nodes,), dtype=x.dtype).at[dst].add(ones)
    norm_src = 1.0 / jnp.sqrt(jnp.clip(deg_out, 1.0))
    norm_dst = 1.0 / jnp.sqrt(jnp.clip(deg_in, 1.0))
    h = x * norm_src[:, None]
    msgs = h[src]  # gather over edges
    agg = jnp.zeros((n_nodes, h.shape[1]), dtype=x.dtype).at[dst].add(msgs)  # scatter-add
    agg = agg * norm_dst[:, None]
    return agg @ W + b


def setup_inputs(seed: int = 0) -> dict:
    key = jax.random.key(seed)
    k1, k2, k3, k4, k5 = jax.random.split(key, 5)
    edge_index = jax.random.randint(k1, (2, N_EDGES), 0, N_NODES, dtype=jnp.int64)
    x = jax.random.normal(k2, (N_NODES, 128), dtype=jnp.float32)
    W1 = jax.random.normal(k3, (128, 100), dtype=jnp.float32) * (1.0 / np.sqrt(128))
    b1 = jnp.zeros((100,), dtype=jnp.float32)
    W2 = jax.random.normal(k4, (100, 200), dtype=jnp.float32) * (1.0 / np.sqrt(100))
    b2 = jnp.zeros((200,), dtype=jnp.float32)
    W3 = jax.random.normal(k5, (200, 128), dtype=jnp.float32) * (1.0 / np.sqrt(200))
    b3 = jnp.zeros((128,), dtype=jnp.float32)
    return {"edge_index": edge_index, "x": x, "W1": W1, "b1": b1, "W2": W2, "b2": b2, "W3": W3, "b3": b3}


def reference(edge_index, x, W1, b1, W2, b2, W3, b3):
    src = edge_index[0]
    dst = edge_index[1]
    n = x.shape[0]
    h = _gcn_layer(x, src, dst, W1, b1, n)
    h = jax.nn.elu(h)
    h = _gcn_layer(h, src, dst, W2, b2, n)
    h = jax.nn.elu(h)
    h = _gcn_layer(h, src, dst, W3, b3, n)
    h = jax.nn.sigmoid(h)
    return h

if __name__ == "__main__":
    import jax
    _d = setup_inputs()
    print(jax.jit(kernel)(*tuple(_d.values())))

</pallas_src>

<mosaic_0001>
#map = affine_map<(d0, d1) -> (0, 0)>
module attributes {stable_mosaic.version = 14 : i64} {
  func.func @agg(%arg0: i32, %arg1: i32, %arg2: memref<2560x128xi32, #tpu.memory_space<hbm>>, %arg3: memref<2560x128xi32, #tpu.memory_space<hbm>>, %arg4: memref<10240x128xf32, #tpu.memory_space<hbm>>, %arg5: memref<128x128xf32, #tpu.memory_space<hbm>>, %arg6: memref<20480x128xf32, #tpu.memory_space<hbm>>, %arg7: memref<40x128xi32, #tpu.memory_space<vmem>>, %arg8: memref<40x128xi32, #tpu.memory_space<vmem>>, %arg9: memref<128x128xf32, #tpu.memory_space<vmem>>, %arg10: memref<128x128xf32, #tpu.memory_space<vmem>>, %arg11: memref<10240x128xf32, #tpu.memory_space<vmem_shared>>, %arg12: memref<!tpu.dma_semaphore, #tpu.memory_space<semaphore_mem>>, %arg13: memref<!tpu.dma_semaphore, #tpu.memory_space<semaphore_mem>>) attributes {dimension_semantics = [#tpu.dimension_semantics<core_parallel>, #tpu.dimension_semantics<subcore_parallel>], iteration_bounds = array<i64: 2, 16>, scalar_prefetch = 0 : i64, scratch_operands = 7 : i64, tpu.core_type = #tpu.core_type<sc_vector_subcore>, window_params = [{transform_indices = #map}, {transform_indices = #map}, {transform_indices = #map}, {transform_indices = #map}, {transform_indices = #map}]} {
    %mul3A = arith.constant 16 : i32
    %mul3A_0 = arith.muli %arg0, %mul3A : i32
    %add3A = arith.addi %mul3A_0, %arg1 : i32
    "tpu.region"() ({
      %run_scoped3A = tpu.sem_alloc : memref<!tpu.dma_semaphore, #tpu.memory_space<semaphore_mem>>
      tpu.enqueue_dma source(%arg5 : memref<128x128xf32, #tpu.memory_space<hbm>>) target(%arg9 : memref<128x128xf32, #tpu.memory_space<vmem>>) target_semaphore(%run_scoped3A : memref<!tpu.dma_semaphore, #tpu.memory_space<semaphore_mem>>)
      tpu.wait_dma2 semaphore(%run_scoped3A : memref<!tpu.dma_semaphore, #tpu.memory_space<semaphore_mem>>) src(%arg5 : memref<128x128xf32, #tpu.memory_space<hbm>>) dst(%arg9 : memref<128x128xf32, #tpu.memory_space<vmem>>)
      tpu.yield
    }) : () -> ()
    %mul3A_1 = arith.constant 640 : i32
    %mul3A_2 = arith.muli %arg1, %mul3A_1 : i32
    %add3A_3 = arith.constant 0 : i32
    %add3A_4 = arith.addi %mul3A_2, %add3A_3 : i32
    "tpu.region"() ({
      %run_scoped3A = tpu.sem_alloc : memref<!tpu.dma_semaphore, #tpu.memory_space<semaphore_mem>>
      %dma_start3A = arith.constant 0 : i32
      %dma_start3A_62 = tpu.memref_slice %arg11[%add3A_4, %dma_start3A] : memref<10240x128xf32, #tpu.memory_space<vmem_shared>> -> memref<128x128xf32, #tpu.memory_space<vmem_shared>>
      %dma_start3A_63 = arith.constant 0 : i32
      %dma_start3A_64 = tpu.memref_slice %arg11[%add3A_4, %dma_start3A_63] : memref<10240x128xf32, #tpu.memory_space<vmem_shared>> -> memref<128x128xf32, #tpu.memory_space<vmem_shared>>
      tpu.enqueue_dma source(%arg9 : memref<128x128xf32, #tpu.memory_space<vmem>>) target(%dma_start3A_64 : memref<128x128xf32, #tpu.memory_space<vmem_shared>>) target_semaphore(%run_scoped3A : memref<!tpu.dma_semaphore, #tpu.memory_space<semaphore_mem>>)
      %dma_wait3A = arith.constant 0 : i32
      %dma_wait3A_65 = tpu.memref_slice %arg11[%add3A_4, %dma_wait3A] : memref<10240x128xf32, #tpu.memory_space<vmem_shared>> -> memref<128x128xf32, #tpu.memory_space<vmem_shared>>
      %dma_wait3A_66 = arith.constant 0 : i32
      %dma_wait3A_67 = tpu.memref_slice %arg11[%add3A_4, %dma_wait3A_66] : memref<10240x128xf32, #tpu.memory_space<vmem_shared>> -> memref<128x128xf32, #tpu.memory_space<vmem_shared>>
      tpu.wait_dma2 semaphore(%run_scoped3A : memref<!tpu.dma_semaphore, #tpu.memory_space<semaphore_mem>>) src(%arg9 : memref<128x128xf32, #tpu.memory_space<vmem>>) dst(%dma_wait3A_67 : memref<128x128xf32, #tpu.memory_space<vmem_shared>>)
      tpu.yield
    }) : () -> ()
    %mul3A_5 = arith.constant 640 : i32
    %mul3A_6 = arith.muli %arg1, %mul3A_5 : i32
    %add3A_7 = arith.constant 128 : i32
    %add3A_8 = arith.addi %mul3A_6, %add3A_7 : i32
    "tpu.region"() ({
      %run_scoped3A = tpu.sem_alloc : memref<!tpu.dma_semaphore, #tpu.memory_space<semaphore_mem>>
      %dma_start3A = arith.constant 0 : i32
      %dma_start3A_62 = tpu.memref_slice %arg11[%add3A_8, %dma_start3A] : memref<10240x128xf32, #tpu.memory_space<vmem_shared>> -> memref<128x128xf32, #tpu.memory_space<vmem_shared>>
      %dma_start3A_63 = arith.constant 0 : i32
      %dma_start3A_64 = tpu.memref_slice %arg11[%add3A_8, %dma_start3A_63] : memref<10240x128xf32, #tpu.memory_space<vmem_shared>> -> memref<128x128xf32, #tpu.memory_space<vmem_shared>>
      tpu.enqueue_dma source(%arg9 : memref<128x128xf32, #tpu.memory_space<vmem>>) target(%dma_start3A_64 : memref<128x128xf32, #tpu.memory_space<vmem_shared>>) target_semaphore(%run_scoped3A : memref<!tpu.dma_semaphore, #tpu.memory_space<semaphore_mem>>)
      %dma_wait3A = arith.constant 0 : i32
      %dma_wait3A_65 = tpu.memref_slice %arg11[%add3A_8, %dma_wait3A] : memref<10240x128xf32, #tpu.memory_space<vmem_shared>> -> memref<128x128xf32, #tpu.memory_space<vmem_shared>>
      %dma_wait3A_66 = arith.constant 0 : i32
      %dma_wait3A_67 = tpu.memref_slice %arg11[%add3A_8, %dma_wait3A_66] : memref<10240x128xf32, #tpu.memory_space<vmem_shared>> -> memref<128x128xf32, #tpu.memory_space<vmem_shared>>
      tpu.wait_dma2 semaphore(%run_scoped3A : memref<!tpu.dma_semaphore, #tpu.memory_space<semaphore_mem>>) src(%arg9 : memref<128x128xf32, #tpu.memory_space<vmem>>) dst(%dma_wait3A_67 : memref<128x128xf32, #tpu.memory_space<vmem_shared>>)
      tpu.yield
    }) : () -> ()
    %mul3A_9 = arith.constant 640 : i32
    %mul3A_10 = arith.muli %arg1, %mul3A_9 : i32
    %add3A_11 = arith.constant 256 : i32
    %add3A_12 = arith.addi %mul3A_10, %add3A_11 : i32
    "tpu.region"() ({
      %run_scoped3A = tpu.sem_alloc : memref<!tpu.dma_semaphore, #tpu.memory_space<semaphore_mem>>
      %dma_start3A = arith.constant 0 : i32
      %dma_start3A_62 = tpu.memref_slice %arg11[%add3A_12, %dma_start3A] : memref<10240x128xf32, #tpu.memory_space<vmem_shared>> -> memref<128x128xf32, #tpu.memory_space<vmem_shared>>
      %dma_start3A_63 = arith.constant 0 : i32
      %dma_start3A_64 = tpu.memref_slice %arg11[%add3A_12, %dma_start3A_63] : memref<10240x128xf32, #tpu.memory_space<vmem_shared>> -> memref<128x128xf32, #tpu.memory_space<vmem_shared>>
      tpu.enqueue_dma source(%arg9 : memref<128x128xf32, #tpu.memory_space<vmem>>) target(%dma_start3A_64 : memref<128x128xf32, #tpu.memory_space<vmem_shared>>) target_semaphore(%run_scoped3A : memref<!tpu.dma_semaphore, #tpu.memory_space<semaphore_mem>>)
      %dma_wait3A = arith.constant 0 : i32
      %dma_wait3A_65 = tpu.memref_slice %arg11[%add3A_12, %dma_wait3A] : memref<10240x128xf32, #tpu.memory_space<vmem_shared>> -> memref<128x128xf32, #tpu.memory_space<vmem_shared>>
      %dma_wait3A_66 = arith.constant 0 : i32
      %dma_wait3A_67 = tpu.memref_slice %arg11[%add3A_12, %dma_wait3A_66] : memref<10240x128xf32, #tpu.memory_space<vmem_shared>> -> memref<128x128xf32, #tpu.memory_space<vmem_shared>>
      tpu.wait_dma2 semaphore(%run_scoped3A : memref<!tpu.dma_semaphore, #tpu.memory_space<semaphore_mem>>) src(%arg9 : memref<128x128xf32, #tpu.memory_space<vmem>>) dst(%dma_wait3A_67 : memref<128x128xf32, #tpu.memory_space<vmem_shared>>)
      tpu.yield
    }) : () -> ()
    %mul3A_13 = arith.constant 640 : i32
    %mul3A_14 = arith.muli %arg1, %mul3A_13 : i32
    %add3A_15 = arith.constant 384 : i32
    %add3A_16 = arith.addi %mul3A_14, %add3A_15 : i32
    "tpu.region"() ({
      %run_scoped3A = tpu.sem_alloc : memref<!tpu.dma_semaphore, #tpu.memory_space<semaphore_mem>>
      %dma_start3A = arith.constant 0 : i32
      %dma_start3A_62 = tpu.memref_slice %arg11[%add3A_16, %dma_start3A] : memref<10240x128xf32, #tpu.memory_space<vmem_shared>> -> memref<128x128xf32, #tpu.memory_space<vmem_shared>>
      %dma_start3A_63 = arith.constant 0 : i32
      %dma_start3A_64 = tpu.memref_slice %arg11[%add3A_16, %dma_start3A_63] : memref<10240x128xf32, #tpu.memory_space<vmem_shared>> -> memref<128x128xf32, #tpu.memory_space<vmem_shared>>
      tpu.enqueue_dma source(%arg9 : memref<128x128xf32, #tpu.memory_space<vmem>>) target(%dma_start3A_64 : memref<128x128xf32, #tpu.memory_space<vmem_shared>>) target_semaphore(%run_scoped3A : memref<!tpu.dma_semaphore, #tpu.memory_space<semaphore_mem>>)
      %dma_wait3A = arith.constant 0 : i32
      %dma_wait3A_65 = tpu.memref_slice %arg11[%add3A_16, %dma_wait3A] : memref<10240x128xf32, #tpu.memory_space<vmem_shared>> -> memref<128x128xf32, #tpu.memory_space<vmem_shared>>
      %dma_wait3A_66 = arith.constant 0 : i32
      %dma_wait3A_67 = tpu.memref_slice %arg11[%add3A_16, %dma_wait3A_66] : memref<10240x128xf32, #tpu.memory_space<vmem_shared>> -> memref<128x128xf32, #tpu.memory_space<vmem_shared>>
      tpu.wait_dma2 semaphore(%run_scoped3A : memref<!tpu.dma_semaphore, #tpu.memory_space<semaphore_mem>>) src(%arg9 : memref<128x128xf32, #tpu.memory_space<vmem>>) dst(%dma_wait3A_67 : memref<128x128xf32, #tpu.memory_space<vmem_shared>>)
      tpu.yield
    }) : () -> ()
    %mul3A_17 = arith.constant 640 : i32
    %mul3A_18 = arith.muli %arg1, %mul3A_17 : i32
    %add3A_19 = arith.constant 512 : i32
    %add3A_20 = arith.addi %mul3A_18, %add3A_19 : i32
    "tpu.region"() ({
      %run_scoped3A = tpu.sem_alloc : memref<!tpu.dma_semaphore, #tpu.memory_space<semaphore_mem>>
      %dma_start3A = arith.constant 0 : i32
      %dma_start3A_62 = tpu.memref_slice %arg11[%add3A_20, %dma_start3A] : memref<10240x128xf32, #tpu.memory_space<vmem_shared>> -> memref<128x128xf32, #tpu.memory_space<vmem_shared>>
      %dma_start3A_63 = arith.constant 0 : i32
      %dma_start3A_64 = tpu.memref_slice %arg11[%add3A_20, %dma_start3A_63] : memref<10240x128xf32, #tpu.memory_space<vmem_shared>> -> memref<128x128xf32, #tpu.memory_space<vmem_shared>>
      tpu.enqueue_dma source(%arg9 : memref<128x128xf32, #tpu.memory_space<vmem>>) target(%dma_start3A_64 : memref<128x128xf32, #tpu.memory_space<vmem_shared>>) target_semaphore(%run_scoped3A : memref<!tpu.dma_semaphore, #tpu.memory_space<semaphore_mem>>)
      %dma_wait3A = arith.constant 0 : i32
      %dma_wait3A_65 = tpu.memref_slice %arg11[%add3A_20, %dma_wait3A] : memref<10240x128xf32, #tpu.memory_space<vmem_shared>> -> memref<128x128xf32, #tpu.memory_space<vmem_shared>>
      %dma_wait3A_66 = arith.constant 0 : i32
      %dma_wait3A_67 = tpu.memref_slice %arg11[%add3A_20, %dma_wait3A_66] : memref<10240x128xf32, #tpu.memory_space<vmem_shared>> -> memref<128x128xf32, #tpu.memory_space<vmem_shared>>
      tpu.wait_dma2 semaphore(%run_scoped3A : memref<!tpu.dma_semaphore, #tpu.memory_space<semaphore_mem>>) src(%arg9 : memref<128x128xf32, #tpu.memory_space<vmem>>) dst(%dma_wait3A_67 : memref<128x128xf32, #tpu.memory_space<vmem_shared>>)
      tpu.yield
    }) : () -> ()
    %barrier3A = arith.constant 0 : index
    tpu.barrier barrier_id(%barrier3A)
    %scan3A = arith.constant 0 : i32
    %scan3A_21 = arith.constant 0 : i32
    %scan3A_22 = arith.constant 2 : i32
    %scan3A_23 = arith.addi %scan3A_21, %scan3A_22 : i32
    %scan3A_24 = arith.constant 1 : i32
    scf.for %scan3A_62 = %scan3A_21 to %scan3A_23 step %scan3A_24  : i32 {
      %mul3A_63 = arith.constant 80 : i32
      %mul3A_64 = arith.muli %add3A, %mul3A_63 : i32
      %mul3A_65 = arith.constant 40 : i32
      %mul3A_66 = arith.muli %scan3A_62, %mul3A_65 : i32
      %add3A_67 = arith.addi %mul3A_64, %mul3A_66 : i32
      "tpu.region"() ({
        %run_scoped3A = tpu.sem_alloc : memref<!tpu.dma_semaphore, #tpu.memory_space<semaphore_mem>>
        %dma_start3A_103 = arith.constant 0 : i32
        %dma_start3A_104 = tpu.memref_slice %arg2[%add3A_67, %dma_start3A_103] : memref<2560x128xi32, #tpu.memory_space<hbm>> -> memref<40x128xi32, #tpu.memory_space<hbm>>
        %dma_start3A_105 = arith.constant 0 : i32
        %dma_start3A_106 = tpu.memref_slice %arg2[%add3A_67, %dma_start3A_105] : memref<2560x128xi32, #tpu.memory_space<hbm>> -> memref<40x128xi32, #tpu.memory_space<hbm>>
        tpu.enqueue_dma source(%dma_start3A_106 : memref<40x128xi32, #tpu.memory_space<hbm>>) target(%arg7 : memref<40x128xi32, #tpu.memory_space<vmem>>) target_semaphore(%run_scoped3A : memref<!tpu.dma_semaphore, #tpu.memory_space<semaphore_mem>>)
        %dma_wait3A_107 = arith.constant 0 : i32
        %dma_wait3A_108 = tpu.memref_slice %arg2[%add3A_67, %dma_wait3A_107] : memref<2560x128xi32, #tpu.memory_space<hbm>> -> memref<40x128xi32, #tpu.memory_space<hbm>>
        %dma_wait3A_109 = arith.constant 0 : i32
        %dma_wait3A_110 = tpu.memref_slice %arg2[%add3A_67, %dma_wait3A_109] : memref<2560x128xi32, #tpu.memory_space<hbm>> -> memref<40x128xi32, #tpu.memory_space<hbm>>
        tpu.wait_dma2 semaphore(%run_scoped3A : memref<!tpu.dma_semaphore, #tpu.memory_space<semaphore_mem>>) src(%dma_wait3A_110 : memref<40x128xi32, #tpu.memory_space<hbm>>) dst(%arg7 : memref<40x128xi32, #tpu.memory_space<vmem>>)
        tpu.yield
      }) : () -> ()
      %mul3A_68 = arith.constant 80 : i32
      %mul3A_69 = arith.muli %add3A, %mul3A_68 : i32
      %mul3A_70 = arith.constant 40 : i32
      %mul3A_71 = arith.muli %scan3A_62, %mul3A_70 : i32
      %add3A_72 = arith.addi %mul3A_69, %mul3A_71 : i32
      "tpu.region"() ({
        %run_scoped3A = tpu.sem_alloc : memref<!tpu.dma_semaphore, #tpu.memory_space<semaphore_mem>>
        %dma_start3A_103 = arith.constant 0 : i32
        %dma_start3A_104 = tpu.memref_slice %arg3[%add3A_72, %dma_start3A_103] : memref<2560x128xi32, #tpu.memory_space<hbm>> -> memref<40x128xi32, #tpu.memory_space<hbm>>
        %dma_start3A_105 = arith.constant 0 : i32
        %dma_start3A_106 = tpu.memref_slice %arg3[%add3A_72, %dma_start3A_105] : memref<2560x128xi32, #tpu.memory_space<hbm>> -> memref<40x128xi32, #tpu.memory_space<hbm>>
        tpu.enqueue_dma source(%dma_start3A_106 : memref<40x128xi32, #tpu.memory_space<hbm>>) target(%arg8 : memref<40x128xi32, #tpu.memory_space<vmem>>) target_semaphore(%run_scoped3A : memref<!tpu.dma_semaphore, #tpu.memory_space<semaphore_mem>>)
        %dma_wait3A_107 = arith.constant 0 : i32
        %dma_wait3A_108 = tpu.memref_slice %arg3[%add3A_72, %dma_wait3A_107] : memref<2560x128xi32, #tpu.memory_space<hbm>> -> memref<40x128xi32, #tpu.memory_space<hbm>>
        %dma_wait3A_109 = arith.constant 0 : i32
        %dma_wait3A_110 = tpu.memref_slice %arg3[%add3A_72, %dma_wait3A_109] : memref<2560x128xi32, #tpu.memory_space<hbm>> -> memref<40x128xi32, #tpu.memory_space<hbm>>
        tpu.wait_dma2 semaphore(%run_scoped3A : memref<!tpu.dma_semaphore, #tpu.memory_space<semaphore_mem>>) src(%dma_wait3A_110 : memref<40x128xi32, #tpu.memory_space<hbm>>) dst(%arg8 : memref<40x128xi32, #tpu.memory_space<vmem>>)
        tpu.yield
      }) : () -> ()
      %dma_start3A = arith.constant 0 : i32
      %dma_start3A_73 = arith.constant 0 : i32
      %dma_start3A_74 = tpu.memref_slice %arg7[%dma_start3A, %dma_start3A_73] : memref<40x128xi32, #tpu.memory_space<vmem>> -> memref<1x128xi32, #tpu.memory_space<vmem>>
      %dma_start3A_75 = tpu.memref_squeeze %dma_start3A_74 : memref<1x128xi32, #tpu.memory_space<vmem>> -> memref<128xi32, #tpu.memory_space<vmem>>
      %dma_start3A_76 = arith.constant 0 : i32
      %dma_start3A_77 = arith.constant 0 : i32
      %dma_start3A_78 = tpu.memref_slice %arg4[%dma_start3A_76, %dma_start3A_77] : memref<10240x128xf32, #tpu.memory_space<hbm>> -> memref<10240x128xf32, #tpu.memory_space<hbm>>
      tpu.enqueue_indirect_dma source(%dma_start3A_78 : memref<10240x128xf32, #tpu.memory_space<hbm>>) target(%arg9 : memref<128x128xf32, #tpu.memory_space<vmem>>) offsets(%dma_start3A_75 : memref<128xi32, #tpu.memory_space<vmem>>) semaphore(%arg12 : memref<!tpu.dma_semaphore, #tpu.memory_space<semaphore_mem>>)
      %dma_start3A_79 = arith.constant 1 : i32
      %dma_start3A_80 = arith.constant 0 : i32
      %dma_start3A_81 = tpu.memref_slice %arg7[%dma_start3A_79, %dma_start3A_80] : memref<40x128xi32, #tpu.memory_space<vmem>> -> memref<1x128xi32, #tpu.memory_space<vmem>>
      %dma_start3A_82 = tpu.memref_squeeze %dma_start3A_81 : memref<1x128xi32, #tpu.memory_space<vmem>> -> memref<128xi32, #tpu.memory_space<vmem>>
      %dma_start3A_83 = arith.constant 0 : i32
      %dma_start3A_84 = arith.constant 0 : i32
      %dma_start3A_85 = tpu.memref_slice %arg4[%dma_start3A_83, %dma_start3A_84] : memref<10240x128xf32, #tpu.memory_space<hbm>> -> memref<10240x128xf32, #tpu.memory_space<hbm>>
      tpu.enqueue_indirect_dma source(%dma_start3A_85 : memref<10240x128xf32, #tpu.memory_space<hbm>>) target(%arg10 : memref<128x128xf32, #tpu.memory_space<vmem>>) offsets(%dma_start3A_82 : memref<128xi32, #tpu.memory_space<vmem>>) semaphore(%arg13 : memref<!tpu.dma_semaphore, #tpu.memory_space<semaphore_mem>>)
      %scan3A_86 = arith.constant 0 : i32
      %scan3A_87 = arith.constant 0 : i32
      %scan3A_88 = arith.constant 20 : i32
      %scan3A_89 = arith.addi %scan3A_87, %scan3A_88 : i32
      %scan3A_90 = arith.constant 1 : i32
      scf.for %scan3A_103 = %scan3A_87 to %scan3A_89 step %scan3A_90  : i32 {
        %mul3A_104 = arith.constant 2 : i32
        %mul3A_105 = arith.muli %scan3A_103, %mul3A_104 : i32
        %dma_wait3A_106 = arith.constant 0 : i32
        %dma_wait3A_107 = arith.constant 0 : i32
        %dma_wait3A_108 = tpu.memref_slice %arg4[%dma_wait3A_106, %dma_wait3A_107] : memref<10240x128xf32, #tpu.memory_space<hbm>> -> memref<128x128xf32, #tpu.memory_space<hbm>>
        %dma_wait3A_109 = arith.constant 0 : i32
        %dma_wait3A_110 = arith.constant 0 : i32
        %dma_wait3A_111 = tpu.memref_slice %arg4[%dma_wait3A_109, %dma_wait3A_110] : memref<10240x128xf32, #tpu.memory_space<hbm>> -> memref<128x128xf32, #tpu.memory_space<hbm>>
        tpu.wait_dma2 semaphore(%arg12 : memref<!tpu.dma_semaphore, #tpu.memory_space<semaphore_mem>>) src(%dma_wait3A_111 : memref<128x128xf32, #tpu.memory_space<hbm>>) dst(%arg9 : memref<128x128xf32, #tpu.memory_space<vmem>>)
        %add3A_112 = arith.constant 0 : i32
        %add3A_113 = arith.addi %mul3A_105, %add3A_112 : i32
        "tpu.region"() ({
          %run_scoped3A = tpu.sem_alloc : memref<!tpu.dma_semaphore, #tpu.memory_space<semaphore_mem>>
          %dma_start3A_145 = arith.constant 0 : i32
          %dma_start3A_146 = tpu.memref_slice %arg8[%add3A_113, %dma_start3A_145] : memref<40x128xi32, #tpu.memory_space<vmem>> -> memref<1x128xi32, #tpu.memory_space<vmem>>
          %dma_start3A_147 = tpu.memref_squeeze %dma_start3A_146 : memref<1x128xi32, #tpu.memory_space<vmem>> -> memref<128xi32, #tpu.memory_space<vmem>>
          %dma_start3A_148 = arith.constant 0 : i32
          %dma_start3A_149 = arith.constant 0 : i32
          %dma_start3A_150 = tpu.memref_slice %arg11[%dma_start3A_148, %dma_start3A_149] : memref<10240x128xf32, #tpu.memory_space<vmem_shared>> -> memref<10240x128xf32, #tpu.memory_space<vmem_shared>>
          tpu.enqueue_indirect_dma source(%arg9 : memref<128x128xf32, #tpu.memory_space<vmem>>) target(%dma_start3A_150 : memref<10240x128xf32, #tpu.memory_space<vmem_shared>>) offsets(%dma_start3A_147 : memref<128xi32, #tpu.memory_space<vmem>>) semaphore(%run_scoped3A : memref<!tpu.dma_semaphore, #tpu.memory_space<semaphore_mem>>) {add = true}
          %dma_wait3A_151 = arith.constant 0 : i32
          %dma_wait3A_152 = tpu.memref_slice %arg8[%add3A_113, %dma_wait3A_151] : memref<40x128xi32, #tpu.memory_space<vmem>> -> memref<1x128xi32, #tpu.memory_space<vmem>>
          %dma_wait3A_153 = tpu.memref_squeeze %dma_wait3A_152 : memref<1x128xi32, #tpu.memory_space<vmem>> -> memref<128xi32, #tpu.memory_space<vmem>>
          %dma_wait3A_154 = arith.constant 0 : i32
          %dma_wait3A_155 = arith.constant 0 : i32
          %dma_wait3A_156 = tpu.memref_slice %arg11[%dma_wait3A_154, %dma_wait3A_155] : memref<10240x128xf32, #tpu.memory_space<vmem_shared>> -> memref<10240x128xf32, #tpu.memory_space<vmem_shared>>
          tpu.wait_indirect_dma semaphore(%run_scoped3A : memref<!tpu.dma_semaphore, #tpu.memory_space<semaphore_mem>>) src(%arg9 : memref<128x128xf32, #tpu.memory_space<vmem>>) dst(%dma_wait3A_156 : memref<10240x128xf32, #tpu.memory_space<vmem_shared>>)
          tpu.yield
        }) : () -> ()
        %add3A_114 = arith.constant 2 : i32
        %add3A_115 = arith.addi %mul3A_105, %add3A_114 : i32
        %add3A_116 = arith.constant 0 : i32
        %add3A_117 = arith.addi %add3A_115, %add3A_116 : i32
        %min3A = arith.constant 39 : i32
        %min3A_118 = arith.minsi %add3A_117, %min3A : i32
        %dma_start3A_119 = arith.constant 0 : i32
        %dma_start3A_120 = tpu.memref_slice %arg7[%min3A_118, %dma_start3A_119] : memref<40x128xi32, #tpu.memory_space<vmem>> -> memref<1x128xi32, #tpu.memory_space<vmem>>
        %dma_start3A_121 = tpu.memref_squeeze %dma_start3A_120 : memref<1x128xi32, #tpu.memory_space<vmem>> -> memref<128xi32, #tpu.memory_space<vmem>>
        %dma_start3A_122 = arith.constant 0 : i32
        %dma_start3A_123 = arith.constant 0 : i32
        %dma_start3A_124 = tpu.memref_slice %arg4[%dma_start3A_122, %dma_start3A_123] : memref<10240x128xf32, #tpu.memory_space<hbm>> -> memref<10240x128xf32, #tpu.memory_space<hbm>>
        tpu.enqueue_indirect_dma source(%dma_start3A_124 : memref<10240x128xf32, #tpu.memory_space<hbm>>) target(%arg9 : memref<128x128xf32, #tpu.memory_space<vmem>>) offsets(%dma_start3A_121 : memref<128xi32, #tpu.memory_space<vmem>>) semaphore(%arg12 : memref<!tpu.dma_semaphore, #tpu.memory_space<semaphore_mem>>)
        %dma_wait3A_125 = arith.constant 0 : i32
        %dma_wait3A_126 = arith.constant 0 : i32
        %dma_wait3A_127 = tpu.memref_slice %arg4[%dma_wait3A_125, %dma_wait3A_126] : memref<10240x128xf32, #tpu.memory_space<hbm>> -> memref<128x128xf32, #tpu.memory_space<hbm>>
        %dma_wait3A_128 = arith.constant 0 : i32
        %dma_wait3A_129 = arith.constant 0 : i32
        %dma_wait3A_130 = tpu.memref_slice %arg4[%dma_wait3A_128, %dma_wait3A_129] : memref<10240x128xf32, #tpu.memory_space<hbm>> -> memref<128x128xf32, #tpu.memory_space<hbm>>
        tpu.wait_dma2 semaphore(%arg13 : memref<!tpu.dma_semaphore, #tpu.memory_space<semaphore_mem>>) src(%dma_wait3A_130 : memref<128x128xf32, #tpu.memory_space<hbm>>) dst(%arg10 : memref<128x128xf32, #tpu.memory_space<vmem>>)
        %add3A_131 = arith.constant 1 : i32
        %add3A_132 = arith.addi %mul3A_105, %add3A_131 : i32
        "tpu.region"() ({
          %run_scoped3A = tpu.sem_alloc : memref<!tpu.dma_semaphore, #tpu.memory_space<semaphore_mem>>
          %dma_start3A_145 = arith.constant 0 : i32
          %dma_start3A_146 = tpu.memref_slice %arg8[%add3A_132, %dma_start3A_145] : memref<40x128xi32, #tpu.memory_space<vmem>> -> memref<1x128xi32, #tpu.memory_space<vmem>>
          %dma_start3A_147 = tpu.memref_squeeze %dma_start3A_146 : memref<1x128xi32, #tpu.memory_space<vmem>> -> memref<128xi32, #tpu.memory_space<vmem>>
          %dma_start3A_148 = arith.constant 0 : i32
          %dma_start3A_149 = arith.constant 0 : i32
          %dma_start3A_150 = tpu.memref_slice %arg11[%dma_start3A_148, %dma_start3A_149] : memref<10240x128xf32, #tpu.memory_space<vmem_shared>> -> memref<10240x128xf32, #tpu.memory_space<vmem_shared>>
          tpu.enqueue_indirect_dma source(%arg10 : memref<128x128xf32, #tpu.memory_space<vmem>>) target(%dma_start3A_150 : memref<10240x128xf32, #tpu.memory_space<vmem_shared>>) offsets(%dma_start3A_147 : memref<128xi32, #tpu.memory_space<vmem>>) semaphore(%run_scoped3A : memref<!tpu.dma_semaphore, #tpu.memory_space<semaphore_mem>>) {add = true}
          %dma_wait3A_151 = arith.constant 0 : i32
          %dma_wait3A_152 = tpu.memref_slice %arg8[%add3A_132, %dma_wait3A_151] : memref<40x128xi32, #tpu.memory_space<vmem>> -> memref<1x128xi32, #tpu.memory_space<vmem>>
          %dma_wait3A_153 = tpu.memref_squeeze %dma_wait3A_152 : memref<1x128xi32, #tpu.memory_space<vmem>> -> memref<128xi32, #tpu.memory_space<vmem>>
          %dma_wait3A_154 = arith.constant 0 : i32
          %dma_wait3A_155 = arith.constant 0 : i32
          %dma_wait3A_156 = tpu.memref_slice %arg11[%dma_wait3A_154, %dma_wait3A_155] : memref<10240x128xf32, #tpu.memory_space<vmem_shared>> -> memref<10240x128xf32, #tpu.memory_space<vmem_shared>>
          tpu.wait_indirect_dma semaphore(%run_scoped3A : memref<!tpu.dma_semaphore, #tpu.memory_space<semaphore_mem>>) src(%arg10 : memref<128x128xf32, #tpu.memory_space<vmem>>) dst(%dma_wait3A_156 : memref<10240x128xf32, #tpu.memory_space<vmem_shared>>)
          tpu.yield
        }) : () -> ()
        %add3A_133 = arith.constant 2 : i32
        %add3A_134 = arith.addi %mul3A_105, %add3A_133 : i32
        %add3A_135 = arith.constant 1 : i32
        %add3A_136 = arith.addi %add3A_134, %add3A_135 : i32
        %min3A_137 = arith.constant 39 : i32
        %min3A_138 = arith.minsi %add3A_136, %min3A_137 : i32
        %dma_start3A_139 = arith.constant 0 : i32
        %dma_start3A_140 = tpu.memref_slice %arg7[%min3A_138, %dma_start3A_139] : memref<40x128xi32, #tpu.memory_space<vmem>> -> memref<1x128xi32, #tpu.memory_space<vmem>>
        %dma_start3A_141 = tpu.memref_squeeze %dma_start3A_140 : memref<1x128xi32, #tpu.memory_space<vmem>> -> memref<128xi32, #tpu.memory_space<vmem>>
        %dma_start3A_142 = arith.constant 0 : i32
        %dma_start3A_143 = arith.constant 0 : i32
        %dma_start3A_144 = tpu.memref_slice %arg4[%dma_start3A_142, %dma_start3A_143] : memref<10240x128xf32, #tpu.memory_space<hbm>> -> memref<10240x128xf32, #tpu.memory_space<hbm>>
        tpu.enqueue_indirect_dma source(%dma_start3A_144 : memref<10240x128xf32, #tpu.memory_space<hbm>>) target(%arg10 : memref<128x128xf32, #tpu.memory_space<vmem>>) offsets(%dma_start3A_141 : memref<128xi32, #tpu.memory_space<vmem>>) semaphore(%arg13 : memref<!tpu.dma_semaphore, #tpu.memory_space<semaphore_mem>>)
      }
      %scan3A_91 = arith.constant 20 : i32
      %dma_wait3A = arith.constant 0 : i32
      %dma_wait3A_92 = arith.constant 0 : i32
      %dma_wait3A_93 = tpu.memref_slice %arg4[%dma_wait3A, %dma_wait3A_92] : memref<10240x128xf32, #tpu.memory_space<hbm>> -> memref<128x128xf32, #tpu.memory_space<hbm>>
      %dma_wait3A_94 = arith.constant 0 : i32
      %dma_wait3A_95 = arith.constant 0 : i32
      %dma_wait3A_96 = tpu.memref_slice %arg4[%dma_wait3A_94, %dma_wait3A_95] : memref<10240x128xf32, #tpu.memory_space<hbm>> -> memref<128x128xf32, #tpu.memory_space<hbm>>
      tpu.wait_dma2 semaphore(%arg12 : memref<!tpu.dma_semaphore, #tpu.memory_space<semaphore_mem>>) src(%dma_wait3A_96 : memref<128x128xf32, #tpu.memory_space<hbm>>) dst(%arg9 : memref<128x128xf32, #tpu.memory_space<vmem>>)
      %dma_wait3A_97 = arith.constant 0 : i32
      %dma_wait3A_98 = arith.constant 0 : i32
      %dma_wait3A_99 = tpu.memref_slice %arg4[%dma_wait3A_97, %dma_wait3A_98] : memref<10240x128xf32, #tpu.memory_space<hbm>> -> memref<128x128xf32, #tpu.memory_space<hbm>>
      %dma_wait3A_100 = arith.constant 0 : i32
      %dma_wait3A_101 = arith.constant 0 : i32
      %dma_wait3A_102 = tpu.memref_slice %arg4[%dma_wait3A_100, %dma_wait3A_101] : memref<10240x128xf32, #tpu.memory_space<hbm>> -> memref<128x128xf32, #tpu.memory_space<hbm>>
      tpu.wait_dma2 semaphore(%arg13 : memref<!tpu.dma_semaphore, #tpu.memory_space<semaphore_mem>>) src(%dma_wait3A_102 : memref<128x128xf32, #tpu.memory_space<hbm>>) dst(%arg10 : memref<128x128xf32, #tpu.memory_space<vmem>>)
    }
    %scan3A_25 = arith.constant 2 : i32
    %barrier3A_26 = arith.constant 0 : index
    tpu.barrier barrier_id(%barrier3A_26)
    %mul3A_27 = arith.constant 640 : i32
    %mul3A_28 = arith.muli %arg1, %mul3A_27 : i32
    %add3A_29 = arith.constant 0 : i32
    %add3A_30 = arith.addi %mul3A_28, %add3A_29 : i32
    "tpu.region"() ({
      %run_scoped3A = tpu.sem_alloc : memref<!tpu.dma_semaphore, #tpu.memory_space<semaphore_mem>>
      %dma_start3A = arith.constant 0 : i32
      %dma_start3A_62 = tpu.memref_slice %arg11[%add3A_30, %dma_start3A] : memref<10240x128xf32, #tpu.memory_space<vmem_shared>> -> memref<128x128xf32, #tpu.memory_space<vmem_shared>>
      %dma_start3A_63 = arith.constant 0 : i32
      %dma_start3A_64 = tpu.memref_slice %arg11[%add3A_30, %dma_start3A_63] : memref<10240x128xf32, #tpu.memory_space<vmem_shared>> -> memref<128x128xf32, #tpu.memory_space<vmem_shared>>
      tpu.enqueue_dma source(%dma_start3A_64 : memref<128x128xf32, #tpu.memory_space<vmem_shared>>) target(%arg9 : memref<128x128xf32, #tpu.memory_space<vmem>>) target_semaphore(%run_scoped3A : memref<!tpu.dma_semaphore, #tpu.memory_space<semaphore_mem>>)
      %dma_wait3A = arith.constant 0 : i32
      %dma_wait3A_65 = tpu.memref_slice %arg11[%add3A_30, %dma_wait3A] : memref<10240x128xf32, #tpu.memory_space<vmem_shared>> -> memref<128x128xf32, #tpu.memory_space<vmem_shared>>
      %dma_wait3A_66 = arith.constant 0 : i32
      %dma_wait3A_67 = tpu.memref_slice %arg11[%add3A_30, %dma_wait3A_66] : memref<10240x128xf32, #tpu.memory_space<vmem_shared>> -> memref<128x128xf32, #tpu.memory_space<vmem_shared>>
      tpu.wait_dma2 semaphore(%run_scoped3A : memref<!tpu.dma_semaphore, #tpu.memory_space<semaphore_mem>>) src(%dma_wait3A_67 : memref<128x128xf32, #tpu.memory_space<vmem_shared>>) dst(%arg9 : memref<128x128xf32, #tpu.memory_space<vmem>>)
      tpu.yield
    }) : () -> ()
    %mul3A_31 = arith.constant 10240 : i32
    %mul3A_32 = arith.muli %arg0, %mul3A_31 : i32
    %add3A_33 = arith.addi %mul3A_32, %add3A_30 : i32
    "tpu.region"() ({
      %run_scoped3A = tpu.sem_alloc : memref<!tpu.dma_semaphore, #tpu.memory_space<semaphore_mem>>
      %dma_start3A = arith.constant 0 : i32
      %dma_start3A_62 = tpu.memref_slice %arg6[%add3A_33, %dma_start3A] : memref<20480x128xf32, #tpu.memory_space<hbm>> -> memref<128x128xf32, #tpu.memory_space<hbm>>
      %dma_start3A_63 = arith.constant 0 : i32
      %dma_start3A_64 = tpu.memref_slice %arg6[%add3A_33, %dma_start3A_63] : memref<20480x128xf32, #tpu.memory_space<hbm>> -> memref<128x128xf32, #tpu.memory_space<hbm>>
      tpu.enqueue_dma source(%arg9 : memref<128x128xf32, #tpu.memory_space<vmem>>) target(%dma_start3A_64 : memref<128x128xf32, #tpu.memory_space<hbm>>) target_semaphore(%run_scoped3A : memref<!tpu.dma_semaphore, #tpu.memory_space<semaphore_mem>>)
      %dma_wait3A = arith.constant 0 : i32
      %dma_wait3A_65 = tpu.memref_slice %arg6[%add3A_33, %dma_wait3A] : memref<20480x128xf32, #tpu.memory_space<hbm>> -> memref<128x128xf32, #tpu.memory_space<hbm>>
      %dma_wait3A_66 = arith.constant 0 : i32
      %dma_wait3A_67 = tpu.memref_slice %arg6[%add3A_33, %dma_wait3A_66] : memref<20480x128xf32, #tpu.memory_space<hbm>> -> memref<128x128xf32, #tpu.memory_space<hbm>>
      tpu.wait_dma2 semaphore(%run_scoped3A : memref<!tpu.dma_semaphore, #tpu.memory_space<semaphore_mem>>) src(%arg9 : memref<128x128xf32, #tpu.memory_space<vmem>>) dst(%dma_wait3A_67 : memref<128x128xf32, #tpu.memory_space<hbm>>)
      tpu.yield
    }) : () -> ()
    %mul3A_34 = arith.constant 640 : i32
    %mul3A_35 = arith.muli %arg1, %mul3A_34 : i32
    %add3A_36 = arith.constant 128 : i32
    %add3A_37 = arith.addi %mul3A_35, %add3A_36 : i32
    "tpu.region"() ({
      %run_scoped3A = tpu.sem_alloc : memref<!tpu.dma_semaphore, #tpu.memory_space<semaphore_mem>>
      %dma_start3A = arith.constant 0 : i32
      %dma_start3A_62 = tpu.memref_slice %arg11[%add3A_37, %dma_start3A] : memref<10240x128xf32, #tpu.memory_space<vmem_shared>> -> memref<128x128xf32, #tpu.memory_space<vmem_shared>>
      %dma_start3A_63 = arith.constant 0 : i32
      %dma_start3A_64 = tpu.memref_slice %arg11[%add3A_37, %dma_start3A_63] : memref<10240x128xf32, #tpu.memory_space<vmem_shared>> -> memref<128x128xf32, #tpu.memory_space<vmem_shared>>
      tpu.enqueue_dma source(%dma_start3A_64 : memref<128x128xf32, #tpu.memory_space<vmem_shared>>) target(%arg9 : memref<128x128xf32, #tpu.memory_space<vmem>>) target_semaphore(%run_scoped3A : memref<!tpu.dma_semaphore, #tpu.memory_space<semaphore_mem>>)
      %dma_wait3A = arith.constant 0 : i32
      %dma_wait3A_65 = tpu.memref_slice %arg11[%add3A_37, %dma_wait3A] : memref<10240x128xf32, #tpu.memory_space<vmem_shared>> -> memref<128x128xf32, #tpu.memory_space<vmem_shared>>
      %dma_wait3A_66 = arith.constant 0 : i32
      %dma_wait3A_67 = tpu.memref_slice %arg11[%add3A_37, %dma_wait3A_66] : memref<10240x128xf32, #tpu.memory_space<vmem_shared>> -> memref<128x128xf32, #tpu.memory_space<vmem_shared>>
      tpu.wait_dma2 semaphore(%run_scoped3A : memref<!tpu.dma_semaphore, #tpu.memory_space<semaphore_mem>>) src(%dma_wait3A_67 : memref<128x128xf32, #tpu.memory_space<vmem_shared>>) dst(%arg9 : memref<128x128xf32, #tpu.memory_space<vmem>>)
      tpu.yield
    }) : () -> ()
    %mul3A_38 = arith.constant 10240 : i32
    %mul3A_39 = arith.muli %arg0, %mul3A_38 : i32
    %add3A_40 = arith.addi %mul3A_39, %add3A_37 : i32
    "tpu.region"() ({
      %run_scoped3A = tpu.sem_alloc : memref<!tpu.dma_semaphore, #tpu.memory_space<semaphore_mem>>
      %dma_start3A = arith.constant 0 : i32
      %dma_start3A_62 = tpu.memref_slice %arg6[%add3A_40, %dma_start3A] : memref<20480x128xf32, #tpu.memory_space<hbm>> -> memref<128x128xf32, #tpu.memory_space<hbm>>
      %dma_start3A_63 = arith.constant 0 : i32
      %dma_start3A_64 = tpu.memref_slice %arg6[%add3A_40, %dma_start3A_63] : memref<20480x128xf32, #tpu.memory_space<hbm>> -> memref<128x128xf32, #tpu.memory_space<hbm>>
      tpu.enqueue_dma source(%arg9 : memref<128x128xf32, #tpu.memory_space<vmem>>) target(%dma_start3A_64 : memref<128x128xf32, #tpu.memory_space<hbm>>) target_semaphore(%run_scoped3A : memref<!tpu.dma_semaphore, #tpu.memory_space<semaphore_mem>>)
      %dma_wait3A = arith.constant 0 : i32
      %dma_wait3A_65 = tpu.memref_slice %arg6[%add3A_40, %dma_wait3A] : memref<20480x128xf32, #tpu.memory_space<hbm>> -> memref<128x128xf32, #tpu.memory_space<hbm>>
      %dma_wait3A_66 = arith.constant 0 : i32
      %dma_wait3A_67 = tpu.memref_slice %arg6[%add3A_40, %dma_wait3A_66] : memref<20480x128xf32, #tpu.memory_space<hbm>> -> memref<128x128xf32, #tpu.memory_space<hbm>>
      tpu.wait_dma2 semaphore(%run_scoped3A : memref<!tpu.dma_semaphore, #tpu.memory_space<semaphore_mem>>) src(%arg9 : memref<128x128xf32, #tpu.memory_space<vmem>>) dst(%dma_wait3A_67 : memref<128x128xf32, #tpu.memory_space<hbm>>)
      tpu.yield
    }) : () -> ()
    %mul3A_41 = arith.constant 640 : i32
    %mul3A_42 = arith.muli %arg1, %mul3A_41 : i32
    %add3A_43 = arith.constant 256 : i32
    %add3A_44 = arith.addi %mul3A_42, %add3A_43 : i32
    "tpu.region"() ({
      %run_scoped3A = tpu.sem_alloc : memref<!tpu.dma_semaphore, #tpu.memory_space<semaphore_mem>>
      %dma_start3A = arith.constant 0 : i32
      %dma_start3A_62 = tpu.memref_slice %arg11[%add3A_44, %dma_start3A] : memref<10240x128xf32, #tpu.memory_space<vmem_shared>> -> memref<128x128xf32, #tpu.memory_space<vmem_shared>>
      %dma_start3A_63 = arith.constant 0 : i32
      %dma_start3A_64 = tpu.memref_slice %arg11[%add3A_44, %dma_start3A_63] : memref<10240x128xf32, #tpu.memory_space<vmem_shared>> -> memref<128x128xf32, #tpu.memory_space<vmem_shared>>
      tpu.enqueue_dma source(%dma_start3A_64 : memref<128x128xf32, #tpu.memory_space<vmem_shared>>) target(%arg9 : memref<128x128xf32, #tpu.memory_space<vmem>>) target_semaphore(%run_scoped3A : memref<!tpu.dma_semaphore, #tpu.memory_space<semaphore_mem>>)
      %dma_wait3A = arith.constant 0 : i32
      %dma_wait3A_65 = tpu.memref_slice %arg11[%add3A_44, %dma_wait3A] : memref<10240x128xf32, #tpu.memory_space<vmem_shared>> -> memref<128x128xf32, #tpu.memory_space<vmem_shared>>
      %dma_wait3A_66 = arith.constant 0 : i32
      %dma_wait3A_67 = tpu.memref_slice %arg11[%add3A_44, %dma_wait3A_66] : memref<10240x128xf32, #tpu.memory_space<vmem_shared>> -> memref<128x128xf32, #tpu.memory_space<vmem_shared>>
      tpu.wait_dma2 semaphore(%run_scoped3A : memref<!tpu.dma_semaphore, #tpu.memory_space<semaphore_mem>>) src(%dma_wait3A_67 : memref<128x128xf32, #tpu.memory_space<vmem_shared>>) dst(%arg9 : memref<128x128xf32, #tpu.memory_space<vmem>>)
      tpu.yield
    }) : () -> ()
    %mul3A_45 = arith.constant 10240 : i32
    %mul3A_46 = arith.muli %arg0, %mul3A_45 : i32
    %add3A_47 = arith.addi %mul3A_46, %add3A_44 : i32
    "tpu.region"() ({
      %run_scoped3A = tpu.sem_alloc : memref<!tpu.dma_semaphore, #tpu.memory_space<semaphore_mem>>
      %dma_start3A = arith.constant 0 : i32
      %dma_start3A_62 = tpu.memref_slice %arg6[%add3A_47, %dma_start3A] : memref<20480x128xf32, #tpu.memory_space<hbm>> -> memref<128x128xf32, #tpu.memory_space<hbm>>
      %dma_start3A_63 = arith.constant 0 : i32
      %dma_start3A_64 = tpu.memref_slice %arg6[%add3A_47, %dma_start3A_63] : memref<20480x128xf32, #tpu.memory_space<hbm>> -> memref<128x128xf32, #tpu.memory_space<hbm>>
      tpu.enqueue_dma source(%arg9 : memref<128x128xf32, #tpu.memory_space<vmem>>) target(%dma_start3A_64 : memref<128x128xf32, #tpu.memory_space<hbm>>) target_semaphore(%run_scoped3A : memref<!tpu.dma_semaphore, #tpu.memory_space<semaphore_mem>>)
      %dma_wait3A = arith.constant 0 : i32
      %dma_wait3A_65 = tpu.memref_slice %arg6[%add3A_47, %dma_wait3A] : memref<20480x128xf32, #tpu.memory_space<hbm>> -> memref<128x128xf32, #tpu.memory_space<hbm>>
      %dma_wait3A_66 = arith.constant 0 : i32
      %dma_wait3A_67 = tpu.memref_slice %arg6[%add3A_47, %dma_wait3A_66] : memref<20480x128xf32, #tpu.memory_space<hbm>> -> memref<128x128xf32, #tpu.memory_space<hbm>>
      tpu.wait_dma2 semaphore(%run_scoped3A : memref<!tpu.dma_semaphore, #tpu.memory_space<semaphore_mem>>) src(%arg9 : memref<128x128xf32, #tpu.memory_space<vmem>>) dst(%dma_wait3A_67 : memref<128x128xf32, #tpu.memory_space<hbm>>)
      tpu.yield
    }) : () -> ()
    %mul3A_48 = arith.constant 640 : i32
    %mul3A_49 = arith.muli %arg1, %mul3A_48 : i32
    %add3A_50 = arith.constant 384 : i32
    %add3A_51 = arith.addi %mul3A_49, %add3A_50 : i32
    "tpu.region"() ({
      %run_scoped3A = tpu.sem_alloc : memref<!tpu.dma_semaphore, #tpu.memory_space<semaphore_mem>>
      %dma_start3A = arith.constant 0 : i32
      %dma_start3A_62 = tpu.memref_slice %arg11[%add3A_51, %dma_start3A] : memref<10240x128xf32, #tpu.memory_space<vmem_shared>> -> memref<128x128xf32, #tpu.memory_space<vmem_shared>>
      %dma_start3A_63 = arith.constant 0 : i32
      %dma_start3A_64 = tpu.memref_slice %arg11[%add3A_51, %dma_start3A_63] : memref<10240x128xf32, #tpu.memory_space<vmem_shared>> -> memref<128x128xf32, #tpu.memory_space<vmem_shared>>
      tpu.enqueue_dma source(%dma_start3A_64 : memref<128x128xf32, #tpu.memory_space<vmem_shared>>) target(%arg9 : memref<128x128xf32, #tpu.memory_space<vmem>>) target_semaphore(%run_scoped3A : memref<!tpu.dma_semaphore, #tpu.memory_space<semaphore_mem>>)
      %dma_wait3A = arith.constant 0 : i32
      %dma_wait3A_65 = tpu.memref_slice %arg11[%add3A_51, %dma_wait3A] : memref<10240x128xf32, #tpu.memory_space<vmem_shared>> -> memref<128x128xf32, #tpu.memory_space<vmem_shared>>
      %dma_wait3A_66 = arith.constant 0 : i32
      %dma_wait3A_67 = tpu.memref_slice %arg11[%add3A_51, %dma_wait3A_66] : memref<10240x128xf32, #tpu.memory_space<vmem_shared>> -> memref<128x128xf32, #tpu.memory_space<vmem_shared>>
      tpu.wait_dma2 semaphore(%run_scoped3A : memref<!tpu.dma_semaphore, #tpu.memory_space<semaphore_mem>>) src(%dma_wait3A_67 : memref<128x128xf32, #tpu.memory_space<vmem_shared>>) dst(%arg9 : memref<128x128xf32, #tpu.memory_space<vmem>>)
      tpu.yield
    }) : () -> ()
    %mul3A_52 = arith.constant 10240 : i32
    %mul3A_53 = arith.muli %arg0, %mul3A_52 : i32
    %add3A_54 = arith.addi %mul3A_53, %add3A_51 : i32
    "tpu.region"() ({
      %run_scoped3A = tpu.sem_alloc : memref<!tpu.dma_semaphore, #tpu.memory_space<semaphore_mem>>
      %dma_start3A = arith.constant 0 : i32
      %dma_start3A_62 = tpu.memref_slice %arg6[%add3A_54, %dma_start3A] : memref<20480x128xf32, #tpu.memory_space<hbm>> -> memref<128x128xf32, #tpu.memory_space<hbm>>
      %dma_start3A_63 = arith.constant 0 : i32
      %dma_start3A_64 = tpu.memref_slice %arg6[%add3A_54, %dma_start3A_63] : memref<20480x128xf32, #tpu.memory_space<hbm>> -> memref<128x128xf32, #tpu.memory_space<hbm>>
      tpu.enqueue_dma source(%arg9 : memref<128x128xf32, #tpu.memory_space<vmem>>) target(%dma_start3A_64 : memref<128x128xf32, #tpu.memory_space<hbm>>) target_semaphore(%run_scoped3A : memref<!tpu.dma_semaphore, #tpu.memory_space<semaphore_mem>>)
      %dma_wait3A = arith.constant 0 : i32
      %dma_wait3A_65 = tpu.memref_slice %arg6[%add3A_54, %dma_wait3A] : memref<20480x128xf32, #tpu.memory_space<hbm>> -> memref<128x128xf32, #tpu.memory_space<hbm>>
      %dma_wait3A_66 = arith.constant 0 : i32
      %dma_wait3A_67 = tpu.memref_slice %arg6[%add3A_54, %dma_wait3A_66] : memref<20480x128xf32, #tpu.memory_space<hbm>> -> memref<128x128xf32, #tpu.memory_space<hbm>>
      tpu.wait_dma2 semaphore(%run_scoped3A : memref<!tpu.dma_semaphore, #tpu.memory_space<semaphore_mem>>) src(%arg9 : memref<128x128xf32, #tpu.memory_space<vmem>>) dst(%dma_wait3A_67 : memref<128x128xf32, #tpu.memory_space<hbm>>)
      tpu.yield
    }) : () -> ()
    %mul3A_55 = arith.constant 640 : i32
    %mul3A_56 = arith.muli %arg1, %mul3A_55 : i32
    %add3A_57 = arith.constant 512 : i32
    %add3A_58 = arith.addi %mul3A_56, %add3A_57 : i32
    "tpu.region"() ({
      %run_scoped3A = tpu.sem_alloc : memref<!tpu.dma_semaphore, #tpu.memory_space<semaphore_mem>>
      %dma_start3A = arith.constant 0 : i32
      %dma_start3A_62 = tpu.memref_slice %arg11[%add3A_58, %dma_start3A] : memref<10240x128xf32, #tpu.memory_space<vmem_shared>> -> memref<128x128xf32, #tpu.memory_space<vmem_shared>>
      %dma_start3A_63 = arith.constant 0 : i32
      %dma_start3A_64 = tpu.memref_slice %arg11[%add3A_58, %dma_start3A_63] : memref<10240x128xf32, #tpu.memory_space<vmem_shared>> -> memref<128x128xf32, #tpu.memory_space<vmem_shared>>
      tpu.enqueue_dma source(%dma_start3A_64 : memref<128x128xf32, #tpu.memory_space<vmem_shared>>) target(%arg9 : memref<128x128xf32, #tpu.memory_space<vmem>>) target_semaphore(%run_scoped3A : memref<!tpu.dma_semaphore, #tpu.memory_space<semaphore_mem>>)
      %dma_wait3A = arith.constant 0 : i32
      %dma_wait3A_65 = tpu.memref_slice %arg11[%add3A_58, %dma_wait3A] : memref<10240x128xf32, #tpu.memory_space<vmem_shared>> -> memref<128x128xf32, #tpu.memory_space<vmem_shared>>
      %dma_wait3A_66 = arith.constant 0 : i32
      %dma_wait3A_67 = tpu.memref_slice %arg11[%add3A_58, %dma_wait3A_66] : memref<10240x128xf32, #tpu.memory_space<vmem_shared>> -> memref<128x128xf32, #tpu.memory_space<vmem_shared>>
      tpu.wait_dma2 semaphore(%run_scoped3A : memref<!tpu.dma_semaphore, #tpu.memory_space<semaphore_mem>>) src(%dma_wait3A_67 : memref<128x128xf32, #tpu.memory_space<vmem_shared>>) dst(%arg9 : memref<128x128xf32, #tpu.memory_space<vmem>>)
      tpu.yield
    }) : () -> ()
    %mul3A_59 = arith.constant 10240 : i32
    %mul3A_60 = arith.muli %arg0, %mul3A_59 : i32
    %add3A_61 = arith.addi %mul3A_60, %add3A_58 : i32
    "tpu.region"() ({
      %run_scoped3A = tpu.sem_alloc : memref<!tpu.dma_semaphore, #tpu.memory_space<semaphore_mem>>
      %dma_start3A = arith.constant 0 : i32
      %dma_start3A_62 = tpu.memref_slice %arg6[%add3A_61, %dma_start3A] : memref<20480x128xf32, #tpu.memory_space<hbm>> -> memref<128x128xf32, #tpu.memory_space<hbm>>
      %dma_start3A_63 = arith.constant 0 : i32
      %dma_start3A_64 = tpu.memref_slice %arg6[%add3A_61, %dma_start3A_63] : memref<20480x128xf32, #tpu.memory_space<hbm>> -> memref<128x128xf32, #tpu.memory_space<hbm>>
      tpu.enqueue_dma source(%arg9 : memref<128x128xf32, #tpu.memory_space<vmem>>) target(%dma_start3A_64 : memref<128x128xf32, #tpu.memory_space<hbm>>) target_semaphore(%run_scoped3A : memref<!tpu.dma_semaphore, #tpu.memory_space<semaphore_mem>>)
      %dma_wait3A = arith.constant 0 : i32
      %dma_wait3A_65 = tpu.memref_slice %arg6[%add3A_61, %dma_wait3A] : memref<20480x128xf32, #tpu.memory_space<hbm>> -> memref<128x128xf32, #tpu.memory_space<hbm>>
      %dma_wait3A_66 = arith.constant 0 : i32
      %dma_wait3A_67 = tpu.memref_slice %arg6[%add3A_61, %dma_wait3A_66] : memref<20480x128xf32, #tpu.memory_space<hbm>> -> memref<128x128xf32, #tpu.memory_space<hbm>>
      tpu.wait_dma2 semaphore(%run_scoped3A : memref<!tpu.dma_semaphore, #tpu.memory_space<semaphore_mem>>) src(%arg9 : memref<128x128xf32, #tpu.memory_space<vmem>>) dst(%dma_wait3A_67 : memref<128x128xf32, #tpu.memory_space<hbm>>)
      tpu.yield
    }) : () -> ()
    return
  }
}

#map = affine_map<(d0, d1) -> (0, 0)>
module attributes {stable_mosaic.version = 14 : i64} {
  func.func @agg(%arg0: i32, %arg1: i32, %arg2: memref<2560x128xi32, #tpu.memory_space<hbm>>, %arg3: memref<2560x128xi32, #tpu.memory_space<hbm>>, %arg4: memref<10240x128xf32, #tpu.memory_space<hbm>>, %arg5: memref<128x128xf32, #tpu.memory_space<hbm>>, %arg6: memref<20480x128xf32, #tpu.memory_space<hbm>>, %arg7: memref<40x128xi32, #tpu.memory_space<vmem>>, %arg8: memref<40x128xi32, #tpu.memory_space<vmem>>, %arg9: memref<128x128xf32, #tpu.memory_space<vmem>>, %arg10: memref<128x128xf32, #tpu.memory_space<vmem>>, %arg11: memref<10240x128xf32, #tpu.memory_space<vmem_shared>>, %arg12: memref<!tpu.dma_semaphore, #tpu.memory_space<semaphore_mem>>, %arg13: memref<!tpu.dma_semaphore, #tpu.memory_space<semaphore_mem>>) attributes {dimension_semantics = [#tpu.dimension_semantics<core_parallel>, #tpu.dimension_semantics<subcore_parallel>], iteration_bounds = array<i64: 2, 16>, scalar_prefetch = 0 : i64, scratch_operands = 7 : i64, tpu.core_type = #tpu.core_type<sc_vector_subcore>, window_params = [{transform_indices = #map}, {transform_indices = #map}, {transform_indices = #map}, {transform_indices = #map}, {transform_indices = #map}]} {
    %mul3A = arith.constant 16 : i32
    %mul3A_0 = arith.muli %arg0, %mul3A : i32
    %add3A = arith.addi %mul3A_0, %arg1 : i32
    "tpu.region"() ({
      %run_scoped3A = tpu.sem_alloc : memref<!tpu.dma_semaphore, #tpu.memory_space<semaphore_mem>>
      tpu.enqueue_dma source(%arg5 : memref<128x128xf32, #tpu.memory_space<hbm>>) target(%arg9 : memref<128x128xf32, #tpu.memory_space<vmem>>) target_semaphore(%run_scoped3A : memref<!tpu.dma_semaphore, #tpu.memory_space<semaphore_mem>>)
      tpu.wait_dma2 semaphore(%run_scoped3A : memref<!tpu.dma_semaphore, #tpu.memory_space<semaphore_mem>>) src(%arg5 : memref<128x128xf32, #tpu.memory_space<hbm>>) dst(%arg9 : memref<128x128xf32, #tpu.memory_space<vmem>>)
      tpu.yield
    }) : () -> ()
    %mul3A_1 = arith.constant 640 : i32
    %mul3A_2 = arith.muli %arg1, %mul3A_1 : i32
    %add3A_3 = arith.constant 0 : i32
    %add3A_4 = arith.addi %mul3A_2, %add3A_3 : i32
    "tpu.region"() ({
      %run_scoped3A = tpu.sem_alloc : memref<!tpu.dma_semaphore, #tpu.memory_space<semaphore_mem>>
      %dma_start3A = arith.constant 0 : i32
      %dma_start3A_62 = tpu.memref_slice %arg11[%add3A_4, %dma_start3A] : memref<10240x128xf32, #tpu.memory_space<vmem_shared>> -> memref<128x128xf32, #tpu.memory_space<vmem_shared>>
      %dma_start3A_63 = arith.constant 0 : i32
      %dma_start3A_64 = tpu.memref_slice %arg11[%add3A_4, %dma_start3A_63] : memref<10240x128xf32, #tpu.memory_space<vmem_shared>> -> memref<128x128xf32, #tpu.memory_space<vmem_shared>>
      tpu.enqueue_dma source(%arg9 : memref<128x128xf32, #tpu.memory_space<vmem>>) target(%dma_start3A_64 : memref<128x128xf32, #tpu.memory_space<vmem_shared>>) target_semaphore(%run_scoped3A : memref<!tpu.dma_semaphore, #tpu.memory_space<semaphore_mem>>)
      %dma_wait3A = arith.constant 0 : i32
      %dma_wait3A_65 = tpu.memref_slice %arg11[%add3A_4, %dma_wait3A] : memref<10240x128xf32, #tpu.memory_space<vmem_shared>> -> memref<128x128xf32, #tpu.memory_space<vmem_shared>>
      %dma_wait3A_66 = arith.constant 0 : i32
      %dma_wait3A_67 = tpu.memref_slice %arg11[%add3A_4, %dma_wait3A_66] : memref<10240x128xf32, #tpu.memory_space<vmem_shared>> -> memref<128x128xf32, #tpu.memory_space<vmem_shared>>
      tpu.wait_dma2 semaphore(%run_scoped3A : memref<!tpu.dma_semaphore, #tpu.memory_space<semaphore_mem>>) src(%arg9 : memref<128x128xf32, #tpu.memory_space<vmem>>) dst(%dma_wait3A_67 : memref<128x128xf32, #tpu.memory_space<vmem_shared>>)
      tpu.yield
    }) : () -> ()
    %mul3A_5 = arith.constant 640 : i32
    %mul3A_6 = arith.muli %arg1, %mul3A_5 : i32
    %add3A_7 = arith.constant 128 : i32
    %add3A_8 = arith.addi %mul3A_6, %add3A_7 : i32
    "tpu.region"() ({
      %run_scoped3A = tpu.sem_alloc : memref<!tpu.dma_semaphore, #tpu.memory_space<semaphore_mem>>
      %dma_start3A = arith.constant 0 : i32
      %dma_start3A_62 = tpu.memref_slice %arg11[%add3A_8, %dma_start3A] : memref<10240x128xf32, #tpu.memory_space<vmem_shared>> -> memref<128x128xf32, #tpu.memory_space<vmem_shared>>
      %dma_start3A_63 = arith.constant 0 : i32
      %dma_start3A_64 = tpu.memref_slice %arg11[%add3A_8, %dma_start3A_63] : memref<10240x128xf32, #tpu.memory_space<vmem_shared>> -> memref<128x128xf32, #tpu.memory_space<vmem_shared>>
      tpu.enqueue_dma source(%arg9 : memref<128x128xf32, #tpu.memory_space<vmem>>) target(%dma_start3A_64 : memref<128x128xf32, #tpu.memory_space<vmem_shared>>) target_semaphore(%run_scoped3A : memref<!tpu.dma_semaphore, #tpu.memory_space<semaphore_mem>>)
      %dma_wait3A = arith.constant 0 : i32
      %dma_wait3A_65 = tpu.memref_slice %arg11[%add3A_8, %dma_wait3A] : memref<10240x128xf32, #tpu.memory_space<vmem_shared>> -> memref<128x128xf32, #tpu.memory_space<vmem_shared>>
      %dma_wait3A_66 = arith.constant 0 : i32
      %dma_wait3A_67 = tpu.memref_slice %arg11[%add3A_8, %dma_wait3A_66] : memref<10240x128xf32, #tpu.memory_space<vmem_shared>> -> memref<128x128xf32, #tpu.memory_space<vmem_shared>>
      tpu.wait_dma2 semaphore(%run_scoped3A : memref<!tpu.dma_semaphore, #tpu.memory_space<semaphore_mem>>) src(%arg9 : memref<128x128xf32, #tpu.memory_space<vmem>>) dst(%dma_wait3A_67 : memref<128x128xf32, #tpu.memory_space<vmem_shared>>)
      tpu.yield
    }) : () -> ()
    %mul3A_9 = arith.constant 640 : i32
    %mul3A_10 = arith.muli %arg1, %mul3A_9 : i32
    %add3A_11 = arith.constant 256 : i32
    %add3A_12 = arith.addi %mul3A_10, %add3A_11 : i32
    "tpu.region"() ({
      %run_scoped3A = tpu.sem_alloc : memref<!tpu.dma_semaphore, #tpu.memory_space<semaphore_mem>>
      %dma_start3A = arith.constant 0 : i32
      %dma_start3A_62 = tpu.memref_slice %arg11[%add3A_12, %dma_start3A] : memref<10240x128xf32, #tpu.memory_space<vmem_shared>> -> memref<128x128xf32, #tpu.memory_space<vmem_shared>>
      %dma_start3A_63 = arith.constant 0 : i32
      %dma_start3A_64 = tpu.memref_slice %arg11[%add3A_12, %dma_start3A_63] : memref<10240x128xf32, #tpu.memory_space<vmem_shared>> -> memref<128x128xf32, #tpu.memory_space<vmem_shared>>
      tpu.enqueue_dma source(%arg9 : memref<128x128xf32, #tpu.memory_space<vmem>>) target(%dma_start3A_64 : memref<128x128xf32, #tpu.memory_space<vmem_shared>>) target_semaphore(%run_scoped3A : memref<!tpu.dma_semaphore, #tpu.memory_space<semaphore_mem>>)
      %dma_wait3A = arith.constant 0 : i32
      %dma_wait3A_65 = tpu.memref_slice %arg11[%add3A_12, %dma_wait3A] : memref<10240x128xf32, #tpu.memory_space<vmem_shared>> -> memref<128x128xf32, #tpu.memory_space<vmem_shared>>
      %dma_wait3A_66 = arith.constant 0 : i32
      %dma_wait3A_67 = tpu.memref_slice %arg11[%add3A_12, %dma_wait3A_66] : memref<10240x128xf32, #tpu.memory_space<vmem_shared>> -> memref<128x128xf32, #tpu.memory_space<vmem_shared>>
      tpu.wait_dma2 semaphore(%run_scoped3A : memref<!tpu.dma_semaphore, #tpu.memory_space<semaphore_mem>>) src(%arg9 : memref<128x128xf32, #tpu.memory_space<vmem>>) dst(%dma_wait3A_67 : memref<128x128xf32, #tpu.memory_space<vmem_shared>>)
      tpu.yield
    }) : () -> ()
    %mul3A_13 = arith.constant 640 : i32
    %mul3A_14 = arith.muli %arg1, %mul3A_13 : i32
    %add3A_15 = arith.constant 384 : i32
    %add3A_16 = arith.addi %mul3A_14, %add3A_15 : i32
    "tpu.region"() ({
      %run_scoped3A = tpu.sem_alloc : memref<!tpu.dma_semaphore, #tpu.memory_space<semaphore_mem>>
      %dma_start3A = arith.constant 0 : i32
      %dma_start3A_62 = tpu.memref_slice %arg11[%add3A_16, %dma_start3A] : memref<10240x128xf32, #tpu.memory_space<vmem_shared>> -> memref<128x128xf32, #tpu.memory_space<vmem_shared>>
      %dma_start3A_63 = arith.constant 0 : i32
      %dma_start3A_64 = tpu.memref_slice %arg11[%add3A_16, %dma_start3A_63] : memref<10240x128xf32, #tpu.memory_space<vmem_shared>> -> memref<128x128xf32, #tpu.memory_space<vmem_shared>>
      tpu.enqueue_dma source(%arg9 : memref<128x128xf32, #tpu.memory_space<vmem>>) target(%dma_start3A_64 : memref<128x128xf32, #tpu.memory_space<vmem_shared>>) target_semaphore(%run_scoped3A : memref<!tpu.dma_semaphore, #tpu.memory_space<semaphore_mem>>)
      %dma_wait3A = arith.constant 0 : i32
      %dma_wait3A_65 = tpu.memref_slice %arg11[%add3A_16, %dma_wait3A] : memref<10240x128xf32, #tpu.memory_space<vmem_shared>> -> memref<128x128xf32, #tpu.memory_space<vmem_shared>>
      %dma_wait3A_66 = arith.constant 0 : i32
      %dma_wait3A_67 = tpu.memref_slice %arg11[%add3A_16, %dma_wait3A_66] : memref<10240x128xf32, #tpu.memory_space<vmem_shared>> -> memref<128x128xf32, #tpu.memory_space<vmem_shared>>
      tpu.wait_dma2 semaphore(%run_scoped3A : memref<!tpu.dma_semaphore, #tpu.memory_space<semaphore_mem>>) src(%arg9 : memref<128x128xf32, #tpu.memory_space<vmem>>) dst(%dma_wait3A_67 : memref<128x128xf32, #tpu.memory_space<vmem_shared>>)
      tpu.yield
    }) : () -> ()
    %mul3A_17 = arith.constant 640 : i32
    %mul3A_18 = arith.muli %arg1, %mul3A_17 : i32
    %add3A_19 = arith.constant 512 : i32
    %add3A_20 = arith.addi %mul3A_18, %add3A_19 : i32
    "tpu.region"() ({
      %run_scoped3A = tpu.sem_alloc : memref<!tpu.dma_semaphore, #tpu.memory_space<semaphore_mem>>
      %dma_start3A = arith.constant 0 : i32
      %dma_start3A_62 = tpu.memref_slice %arg11[%add3A_20, %dma_start3A] : memref<10240x128xf32, #tpu.memory_space<vmem_shared>> -> memref<128x128xf32, #tpu.memory_space<vmem_shared>>
      %dma_start3A_63 = arith.constant 0 : i32
      %dma_start3A_64 = tpu.memref_slice %arg11[%add3A_20, %dma_start3A_63] : memref<10240x128xf32, #tpu.memory_space<vmem_shared>> -> memref<128x128xf32, #tpu.memory_space<vmem_shared>>
      tpu.enqueue_dma source(%arg9 : memref<128x128xf32, #tpu.memory_space<vmem>>) target(%dma_start3A_64 : memref<128x128xf32, #tpu.memory_space<vmem_shared>>) target_semaphore(%run_scoped3A : memref<!tpu.dma_semaphore, #tpu.memory_space<semaphore_mem>>)
      %dma_wait3A = arith.constant 0 : i32
      %dma_wait3A_65 = tpu.memref_slice %arg11[%add3A_20, %dma_wait3A] : memref<10240x128xf32, #tpu.memory_space<vmem_shared>> -> memref<128x128xf32, #tpu.memory_space<vmem_shared>>
      %dma_wait3A_66 = arith.constant 0 : i32
      %dma_wait3A_67 = tpu.memref_slice %arg11[%add3A_20, %dma_wait3A_66] : memref<10240x128xf32, #tpu.memory_space<vmem_shared>> -> memref<128x128xf32, #tpu.memory_space<vmem_shared>>
      tpu.wait_dma2 semaphore(%run_scoped3A : memref<!tpu.dma_semaphore, #tpu.memory_space<semaphore_mem>>) src(%arg9 : memref<128x128xf32, #tpu.memory_space<vmem>>) dst(%dma_wait3A_67 : memref<128x128xf32, #tpu.memory_space<vmem_shared>>)
      tpu.yield
    }) : () -> ()
    %barrier3A = arith.constant 0 : index
    tpu.barrier barrier_id(%barrier3A)
    %scan3A = arith.constant 0 : i32
    %scan3A_21 = arith.constant 0 : i32
    %scan3A_22 = arith.constant 2 : i32
    %scan3A_23 = arith.addi %scan3A_21, %scan3A_22 : i32
    %scan3A_24 = arith.constant 1 : i32
    scf.for %scan3A_62 = %scan3A_21 to %scan3A_23 step %scan3A_24  : i32 {
      %mul3A_63 = arith.constant 80 : i32
      %mul3A_64 = arith.muli %add3A, %mul3A_63 : i32
      %mul3A_65 = arith.constant 40 : i32
      %mul3A_66 = arith.muli %scan3A_62, %mul3A_65 : i32
      %add3A_67 = arith.addi %mul3A_64, %mul3A_66 : i32
      "tpu.region"() ({
        %run_scoped3A = tpu.sem_alloc : memref<!tpu.dma_semaphore, #tpu.memory_space<semaphore_mem>>
        %dma_start3A_103 = arith.constant 0 : i32
        %dma_start3A_104 = tpu.memref_slice %arg2[%add3A_67, %dma_start3A_103] : memref<2560x128xi32, #tpu.memory_space<hbm>> -> memref<40x128xi32, #tpu.memory_space<hbm>>
        %dma_start3A_105 = arith.constant 0 : i32
        %dma_start3A_106 = tpu.memref_slice %arg2[%add3A_67, %dma_start3A_105] : memref<2560x128xi32, #tpu.memory_space<hbm>> -> memref<40x128xi32, #tpu.memory_space<hbm>>
        tpu.enqueue_dma source(%dma_start3A_106 : memref<40x128xi32, #tpu.memory_space<hbm>>) target(%arg7 : memref<40x128xi32, #tpu.memory_space<vmem>>) target_semaphore(%run_scoped3A : memref<!tpu.dma_semaphore, #tpu.memory_space<semaphore_mem>>)
        %dma_wait3A_107 = arith.constant 0 : i32
        %dma_wait3A_108 = tpu.memref_slice %arg2[%add3A_67, %dma_wait3A_107] : memref<2560x128xi32, #tpu.memory_space<hbm>> -> memref<40x128xi32, #tpu.memory_space<hbm>>
        %dma_wait3A_109 = arith.constant 0 : i32
        %dma_wait3A_110 = tpu.memref_slice %arg2[%add3A_67, %dma_wait3A_109] : memref<2560x128xi32, #tpu.memory_space<hbm>> -> memref<40x128xi32, #tpu.memory_space<hbm>>
        tpu.wait_dma2 semaphore(%run_scoped3A : memref<!tpu.dma_semaphore, #tpu.memory_space<semaphore_mem>>) src(%dma_wait3A_110 : memref<40x128xi32, #tpu.memory_space<hbm>>) dst(%arg7 : memref<40x128xi32, #tpu.memory_space<vmem>>)
        tpu.yield
      }) : () -> ()
      %mul3A_68 = arith.constant 80 : i32
      %mul3A_69 = arith.muli %add3A, %mul3A_68 : i32
      %mul3A_70 = arith.constant 40 : i32
      %mul3A_71 = arith.muli %scan3A_62, %mul3A_70 : i32
      %add3A_72 = arith.addi %mul3A_69, %mul3A_71 : i32
      "tpu.region"() ({
        %run_scoped3A = tpu.sem_alloc : memref<!tpu.dma_semaphore, #tpu.memory_space<semaphore_mem>>
        %dma_start3A_103 = arith.constant 0 : i32
        %dma_start3A_104 = tpu.memref_slice %arg3[%add3A_72, %dma_start3A_103] : memref<2560x128xi32, #tpu.memory_space<hbm>> -> memref<40x128xi32, #tpu.memory_space<hbm>>
        %dma_start3A_105 = arith.constant 0 : i32
        %dma_start3A_106 = tpu.memref_slice %arg3[%add3A_72, %dma_start3A_105] : memref<2560x128xi32, #tpu.memory_space<hbm>> -> memref<40x128xi32, #tpu.memory_space<hbm>>
        tpu.enqueue_dma source(%dma_start3A_106 : memref<40x128xi32, #tpu.memory_space<hbm>>) target(%arg8 : memref<40x128xi32, #tpu.memory_space<vmem>>) target_semaphore(%run_scoped3A : memref<!tpu.dma_semaphore, #tpu.memory_space<semaphore_mem>>)
        %dma_wait3A_107 = arith.constant 0 : i32
        %dma_wait3A_108 = tpu.memref_slice %arg3[%add3A_72, %dma_wait3A_107] : memref<2560x128xi32, #tpu.memory_space<hbm>> -> memref<40x128xi32, #tpu.memory_space<hbm>>
        %dma_wait3A_109 = arith.constant 0 : i32
        %dma_wait3A_110 = tpu.memref_slice %arg3[%add3A_72, %dma_wait3A_109] : memref<2560x128xi32, #tpu.memory_space<hbm>> -> memref<40x128xi32, #tpu.memory_space<hbm>>
        tpu.wait_dma2 semaphore(%run_scoped3A : memref<!tpu.dma_semaphore, #tpu.memory_space<semaphore_mem>>) src(%dma_wait3A_110 : memref<40x128xi32, #tpu.memory_space<hbm>>) dst(%arg8 : memref<40x128xi32, #tpu.memory_space<vmem>>)
        tpu.yield
      }) : () -> ()
      %dma_start3A = arith.constant 0 : i32
      %dma_start3A_73 = arith.constant 0 : i32
      %dma_start3A_74 = tpu.memref_slice %arg7[%dma_start3A, %dma_start3A_73] : memref<40x128xi32, #tpu.memory_space<vmem>> -> memref<1x128xi32, #tpu.memory_space<vmem>>
      %dma_start3A_75 = tpu.memref_squeeze %dma_start3A_74 : memref<1x128xi32, #tpu.memory_space<vmem>> -> memref<128xi32, #tpu.memory_space<vmem>>
      %dma_start3A_76 = arith.constant 0 : i32
      %dma_start3A_77 = arith.constant 0 : i32
      %dma_start3A_78 = tpu.memref_slice %arg4[%dma_start3A_76, %dma_start3A_77] : memref<10240x128xf32, #tpu.memory_space<hbm>> -> memref<10240x128xf32, #tpu.memory_space<hbm>>
      tpu.enqueue_indirect_dma source(%dma_start3A_78 : memref<10240x128xf32, #tpu.memory_space<hbm>>) target(%arg9 : memref<128x128xf32, #tpu.memory_space<vmem>>) offsets(%dma_start3A_75 : memref<128xi32, #tpu.memory_space<vmem>>) semaphore(%arg12 : memref<!tpu.dma_semaphore, #tpu.memory_space<semaphore_mem>>)
      %dma_start3A_79 = arith.constant 1 : i32
      %dma_start3A_80 = arith.constant 0 : i32
      %dma_start3A_81 = tpu.memref_slice %arg7[%dma_start3A_79, %dma_start3A_80] : memref<40x128xi32, #tpu.memory_space<vmem>> -> memref<1x128xi32, #tpu.memory_space<vmem>>
      %dma_start3A_82 = tpu.memref_squeeze %dma_start3A_81 : memref<1x128xi32, #tpu.memory_space<vmem>> -> memref<128xi32, #tpu.memory_space<vmem>>
      %dma_start3A_83 = arith.constant 0 : i32
      %dma_start3A_84 = arith.constant 0 : i32
      %dma_start3A_85 = tpu.memref_slice %arg4[%dma_start3A_83, %dma_start3A_84] : memref<10240x128xf32, #tpu.memory_space<hbm>> -> memref<10240x128xf32, #tpu.memory_space<hbm>>
      tpu.enqueue_indirect_dma source(%dma_start3A_85 : memref<10240x128xf32, #tpu.memory_space<hbm>>) target(%arg10 : memref<128x128xf32, #tpu.memory_space<vmem>>) offsets(%dma_start3A_82 : memref<128xi32, #tpu.memory_space<vmem>>) semaphore(%arg13 : memref<!tpu.dma_semaphore, #tpu.memory_space<semaphore_mem>>)
      %scan3A_86 = arith.constant 0 : i32
      %scan3A_87 = arith.constant 0 : i32
      %scan3A_88 = arith.constant 20 : i32
      %scan3A_89 = arith.addi %scan3A_87, %scan3A_88 : i32
      %scan3A_90 = arith.constant 1 : i32
      scf.for %scan3A_103 = %scan3A_87 to %scan3A_89 step %scan3A_90  : i32 {
        %mul3A_104 = arith.constant 2 : i32
        %mul3A_105 = arith.muli %scan3A_103, %mul3A_104 : i32
        %dma_wait3A_106 = arith.constant 0 : i32
        %dma_wait3A_107 = arith.constant 0 : i32
        %dma_wait3A_108 = tpu.memref_slice %arg4[%dma_wait3A_106, %dma_wait3A_107] : memref<10240x128xf32, #tpu.memory_space<hbm>> -> memref<128x128xf32, #tpu.memory_space<hbm>>
        %dma_wait3A_109 = arith.constant 0 : i32
        %dma_wait3A_110 = arith.constant 0 : i32
        %dma_wait3A_111 = tpu.memref_slice %arg4[%dma_wait3A_109, %dma_wait3A_110] : memref<10240x128xf32, #tpu.memory_space<hbm>> -> memref<128x128xf32, #tpu.memory_space<hbm>>
        tpu.wait_dma2 semaphore(%arg12 : memref<!tpu.dma_semaphore, #tpu.memory_space<semaphore_mem>>) src(%dma_wait3A_111 : memref<128x128xf32, #tpu.memory_space<hbm>>) dst(%arg9 : memref<128x128xf32, #tpu.memory_space<vmem>>)
        %add3A_112 = arith.constant 0 : i32
        %add3A_113 = arith.addi %mul3A_105, %add3A_112 : i32
        "tpu.region"() ({
          %run_scoped3A = tpu.sem_alloc : memref<!tpu.dma_semaphore, #tpu.memory_space<semaphore_mem>>
          %dma_start3A_145 = arith.constant 0 : i32
          %dma_start3A_146 = tpu.memref_slice %arg8[%add3A_113, %dma_start3A_145] : memref<40x128xi32, #tpu.memory_space<vmem>> -> memref<1x128xi32, #tpu.memory_space<vmem>>
          %dma_start3A_147 = tpu.memref_squeeze %dma_start3A_146 : memref<1x128xi32, #tpu.memory_space<vmem>> -> memref<128xi32, #tpu.memory_space<vmem>>
          %dma_start3A_148 = arith.constant 0 : i32
          %dma_start3A_149 = arith.constant 0 : i32
          %dma_start3A_150 = tpu.memref_slice %arg11[%dma_start3A_148, %dma_start3A_149] : memref<10240x128xf32, #tpu.memory_space<vmem_shared>> -> memref<10240x128xf32, #tpu.memory_space<vmem_shared>>
          tpu.enqueue_indirect_dma source(%arg9 : memref<128x128xf32, #tpu.memory_space<vmem>>) target(%dma_start3A_150 : memref<10240x128xf32, #tpu.memory_space<vmem_shared>>) offsets(%dma_start3A_147 : memref<128xi32, #tpu.memory_space<vmem>>) semaphore(%run_scoped3A : memref<!tpu.dma_semaphore, #tpu.memory_space<semaphore_mem>>) {add = true}
          %dma_wait3A_151 = arith.constant 0 : i32
          %dma_wait3A_152 = tpu.memref_slice %arg8[%add3A_113, %dma_wait3A_151] : memref<40x128xi32, #tpu.memory_space<vmem>> -> memref<1x128xi32, #tpu.memory_space<vmem>>
          %dma_wait3A_153 = tpu.memref_squeeze %dma_wait3A_152 : memref<1x128xi32, #tpu.memory_space<vmem>> -> memref<128xi32, #tpu.memory_space<vmem>>
          %dma_wait3A_154 = arith.constant 0 : i32
          %dma_wait3A_155 = arith.constant 0 : i32
          %dma_wait3A_156 = tpu.memref_slice %arg11[%dma_wait3A_154, %dma_wait3A_155] : memref<10240x128xf32, #tpu.memory_space<vmem_shared>> -> memref<10240x128xf32, #tpu.memory_space<vmem_shared>>
          tpu.wait_indirect_dma semaphore(%run_scoped3A : memref<!tpu.dma_semaphore, #tpu.memory_space<semaphore_mem>>) src(%arg9 : memref<128x128xf32, #tpu.memory_space<vmem>>) dst(%dma_wait3A_156 : memref<10240x128xf32, #tpu.memory_space<vmem_shared>>)
          tpu.yield
        }) : () -> ()
        %add3A_114 = arith.constant 2 : i32
        %add3A_115 = arith.addi %mul3A_105, %add3A_114 : i32
        %add3A_116 = arith.constant 0 : i32
        %add3A_117 = arith.addi %add3A_115, %add3A_116 : i32
        %min3A = arith.constant 39 : i32
        %min3A_118 = arith.minsi %add3A_117, %min3A : i32
        %dma_start3A_119 = arith.constant 0 : i32
        %dma_start3A_120 = tpu.memref_slice %arg7[%min3A_118, %dma_start3A_119] : memref<40x128xi32, #tpu.memory_space<vmem>> -> memref<1x128xi32, #tpu.memory_space<vmem>>
        %dma_start3A_121 = tpu.memref_squeeze %dma_start3A_120 : memref<1x128xi32, #tpu.memory_space<vmem>> -> memref<128xi32, #tpu.memory_space<vmem>>
        %dma_start3A_122 = arith.constant 0 : i32
        %dma_start3A_123 = arith.constant 0 : i32
        %dma_start3A_124 = tpu.memref_slice %arg4[%dma_start3A_122, %dma_start3A_123] : memref<10240x128xf32, #tpu.memory_space<hbm>> -> memref<10240x128xf32, #tpu.memory_space<hbm>>
        tpu.enqueue_indirect_dma source(%dma_start3A_124 : memref<10240x128xf32, #tpu.memory_space<hbm>>) target(%arg9 : memref<128x128xf32, #tpu.memory_space<vmem>>) offsets(%dma_start3A_121 : memref<128xi32, #tpu.memory_space<vmem>>) semaphore(%arg12 : memref<!tpu.dma_semaphore, #tpu.memory_space<semaphore_mem>>)
        %dma_wait3A_125 = arith.constant 0 : i32
        %dma_wait3A_126 = arith.constant 0 : i32
        %dma_wait3A_127 = tpu.memref_slice %arg4[%dma_wait3A_125, %dma_wait3A_126] : memref<10240x128xf32, #tpu.memory_space<hbm>> -> memref<128x128xf32, #tpu.memory_space<hbm>>
        %dma_wait3A_128 = arith.constant 0 : i32
        %dma_wait3A_129 = arith.constant 0 : i32
        %dma_wait3A_130 = tpu.memref_slice %arg4[%dma_wait3A_128, %dma_wait3A_129] : memref<10240x128xf32, #tpu.memory_space<hbm>> -> memref<128x128xf32, #tpu.memory_space<hbm>>
        tpu.wait_dma2 semaphore(%arg13 : memref<!tpu.dma_semaphore, #tpu.memory_space<semaphore_mem>>) src(%dma_wait3A_130 : memref<128x128xf32, #tpu.memory_space<hbm>>) dst(%arg10 : memref<128x128xf32, #tpu.memory_space<vmem>>)
        %add3A_131 = arith.constant 1 : i32
        %add3A_132 = arith.addi %mul3A_105, %add3A_131 : i32
        "tpu.region"() ({
          %run_scoped3A = tpu.sem_alloc : memref<!tpu.dma_semaphore, #tpu.memory_space<semaphore_mem>>
          %dma_start3A_145 = arith.constant 0 : i32
          %dma_start3A_146 = tpu.memref_slice %arg8[%add3A_132, %dma_start3A_145] : memref<40x128xi32, #tpu.memory_space<vmem>> -> memref<1x128xi32, #tpu.memory_space<vmem>>
          %dma_start3A_147 = tpu.memref_squeeze %dma_start3A_146 : memref<1x128xi32, #tpu.memory_space<vmem>> -> memref<128xi32, #tpu.memory_space<vmem>>
          %dma_start3A_148 = arith.constant 0 : i32
          %dma_start3A_149 = arith.constant 0 : i32
          %dma_start3A_150 = tpu.memref_slice %arg11[%dma_start3A_148, %dma_start3A_149] : memref<10240x128xf32, #tpu.memory_space<vmem_shared>> -> memref<10240x128xf32, #tpu.memory_space<vmem_shared>>
          tpu.enqueue_indirect_dma source(%arg10 : memref<128x128xf32, #tpu.memory_space<vmem>>) target(%dma_start3A_150 : memref<10240x128xf32, #tpu.memory_space<vmem_shared>>) offsets(%dma_start3A_147 : memref<128xi32, #tpu.memory_space<vmem>>) semaphore(%run_scoped3A : memref<!tpu.dma_semaphore, #tpu.memory_space<semaphore_mem>>) {add = true}
          %dma_wait3A_151 = arith.constant 0 : i32
          %dma_wait3A_152 = tpu.memref_slice %arg8[%add3A_132, %dma_wait3A_151] : memref<40x128xi32, #tpu.memory_space<vmem>> -> memref<1x128xi32, #tpu.memory_space<vmem>>
          %dma_wait3A_153 = tpu.memref_squeeze %dma_wait3A_152 : memref<1x128xi32, #tpu.memory_space<vmem>> -> memref<128xi32, #tpu.memory_space<vmem>>
          %dma_wait3A_154 = arith.constant 0 : i32
          %dma_wait3A_155 = arith.constant 0 : i32
          %dma_wait3A_156 = tpu.memref_slice %arg11[%dma_wait3A_154, %dma_wait3A_155] : memref<10240x128xf32, #tpu.memory_space<vmem_shared>> -> memref<10240x128xf32, #tpu.memory_space<vmem_shared>>
          tpu.wait_indirect_dma semaphore(%run_scoped3A : memref<!tpu.dma_semaphore, #tpu.memory_space<semaphore_mem>>) src(%arg10 : memref<128x128xf32, #tpu.memory_space<vmem>>) dst(%dma_wait3A_156 : memref<10240x128xf32, #tpu.memory_space<vmem_shared>>)
          tpu.yield
        }) : () -> ()
        %add3A_133 = arith.constant 2 : i32
        %add3A_134 = arith.addi %mul3A_105, %add3A_133 : i32
        %add3A_135 = arith.constant 1 : i32
        %add3A_136 = arith.addi %add3A_134, %add3A_135 : i32
        %min3A_137 = arith.constant 39 : i32
        %min3A_138 = arith.minsi %add3A_136, %min3A_137 : i32
        %dma_start3A_139 = arith.constant 0 : i32
        %dma_start3A_140 = tpu.memref_slice %arg7[%min3A_138, %dma_start3A_139] : memref<40x128xi32, #tpu.memory_space<vmem>> -> memref<1x128xi32, #tpu.memory_space<vmem>>
        %dma_start3A_141 = tpu.memref_squeeze %dma_start3A_140 : memref<1x128xi32, #tpu.memory_space<vmem>> -> memref<128xi32, #tpu.memory_space<vmem>>
        %dma_start3A_142 = arith.constant 0 : i32
        %dma_start3A_143 = arith.constant 0 : i32
        %dma_start3A_144 = tpu.memref_slice %arg4[%dma_start3A_142, %dma_start3A_143] : memref<10240x128xf32, #tpu.memory_space<hbm>> -> memref<10240x128xf32, #tpu.memory_space<hbm>>
        tpu.enqueue_indirect_dma source(%dma_start3A_144 : memref<10240x128xf32, #tpu.memory_space<hbm>>) target(%arg10 : memref<128x128xf32, #tpu.memory_space<vmem>>) offsets(%dma_start3A_141 : memref<128xi32, #tpu.memory_space<vmem>>) semaphore(%arg13 : memref<!tpu.dma_semaphore, #tpu.memory_space<semaphore_mem>>)
      }
      %scan3A_91 = arith.constant 20 : i32
      %dma_wait3A = arith.constant 0 : i32
      %dma_wait3A_92 = arith.constant 0 : i32
      %dma_wait3A_93 = tpu.memref_slice %arg4[%dma_wait3A, %dma_wait3A_92] : memref<10240x128xf32, #tpu.memory_space<hbm>> -> memref<128x128xf32, #tpu.memory_space<hbm>>
      %dma_wait3A_94 = arith.constant 0 : i32
      %dma_wait3A_95 = arith.constant 0 : i32
      %dma_wait3A_96 = tpu.memref_slice %arg4[%dma_wait3A_94, %dma_wait3A_95] : memref<10240x128xf32, #tpu.memory_space<hbm>> -> memref<128x128xf32, #tpu.memory_space<hbm>>
      tpu.wait_dma2 semaphore(%arg12 : memref<!tpu.dma_semaphore, #tpu.memory_space<semaphore_mem>>) src(%dma_wait3A_96 : memref<128x128xf32, #tpu.memory_space<hbm>>) dst(%arg9 : memref<128x128xf32, #tpu.memory_space<vmem>>)
      %dma_wait3A_97 = arith.constant 0 : i32
      %dma_wait3A_98 = arith.constant 0 : i32
      %dma_wait3A_99 = tpu.memref_slice %arg4[%dma_wait3A_97, %dma_wait3A_98] : memref<10240x128xf32, #tpu.memory_space<hbm>> -> memref<128x128xf32, #tpu.memory_space<hbm>>
      %dma_wait3A_100 = arith.constant 0 : i32
      %dma_wait3A_101 = arith.constant 0 : i32
      %dma_wait3A_102 = tpu.memref_slice %arg4[%dma_wait3A_100, %dma_wait3A_101] : memref<10240x128xf32, #tpu.memory_space<hbm>> -> memref<128x128xf32, #tpu.memory_space<hbm>>
      tpu.wait_dma2 semaphore(%arg13 : memref<!tpu.dma_semaphore, #tpu.memory_space<semaphore_mem>>) src(%dma_wait3A_102 : memref<128x128xf32, #tpu.memory_space<hbm>>) dst(%arg10 : memref<128x128xf32, #tpu.memory_space<vmem>>)
    }
    %scan3A_25 = arith.constant 2 : i32
    %barrier3A_26 = arith.constant 0 : index
    tpu.barrier barrier_id(%barrier3A_26)
    %mul3A_27 = arith.constant 640 : i32
    %mul3A_28 = arith.muli %arg1, %mul3A_27 : i32
    %add3A_29 = arith.constant 0 : i32
    %add3A_30 = arith.addi %mul3A_28, %add3A_29 : i32
    "tpu.region"() ({
      %run_scoped3A = tpu.sem_alloc : memref<!tpu.dma_semaphore, #tpu.memory_space<semaphore_mem>>
      %dma_start3A = arith.constant 0 : i32
      %dma_start3A_62 = tpu.memref_slice %arg11[%add3A_30, %dma_start3A] : memref<10240x128xf32, #tpu.memory_space<vmem_shared>> -> memref<128x128xf32, #tpu.memory_space<vmem_shared>>
      %dma_start3A_63 = arith.constant 0 : i32
      %dma_start3A_64 = tpu.memref_slice %arg11[%add3A_30, %dma_start3A_63] : memref<10240x128xf32, #tpu.memory_space<vmem_shared>> -> memref<128x128xf32, #tpu.memory_space<vmem_shared>>
      tpu.enqueue_dma source(%dma_start3A_64 : memref<128x128xf32, #tpu.memory_space<vmem_shared>>) target(%arg9 : memref<128x128xf32, #tpu.memory_space<vmem>>) target_semaphore(%run_scoped3A : memref<!tpu.dma_semaphore, #tpu.memory_space<semaphore_mem>>)
      %dma_wait3A = arith.constant 0 : i32
      %dma_wait3A_65 = tpu.memref_slice %arg11[%add3A_30, %dma_wait3A] : memref<10240x128xf32, #tpu.memory_space<vmem_shared>> -> memref<128x128xf32, #tpu.memory_space<vmem_shared>>
      %dma_wait3A_66 = arith.constant 0 : i32
      %dma_wait3A_67 = tpu.memref_slice %arg11[%add3A_30, %dma_wait3A_66] : memref<10240x128xf32, #tpu.memory_space<vmem_shared>> -> memref<128x128xf32, #tpu.memory_space<vmem_shared>>
      tpu.wait_dma2 semaphore(%run_scoped3A : memref<!tpu.dma_semaphore, #tpu.memory_space<semaphore_mem>>) src(%dma_wait3A_67 : memref<128x128xf32, #tpu.memory_space<vmem_shared>>) dst(%arg9 : memref<128x128xf32, #tpu.memory_space<vmem>>)
      tpu.yield
    }) : () -> ()
    %mul3A_31 = arith.constant 10240 : i32
    %mul3A_32 = arith.muli %arg0, %mul3A_31 : i32
    %add3A_33 = arith.addi %mul3A_32, %add3A_30 : i32
    "tpu.region"() ({
      %run_scoped3A = tpu.sem_alloc : memref<!tpu.dma_semaphore, #tpu.memory_space<semaphore_mem>>
      %dma_start3A = arith.constant 0 : i32
      %dma_start3A_62 = tpu.memref_slice %arg6[%add3A_33, %dma_start3A] : memref<20480x128xf32, #tpu.memory_space<hbm>> -> memref<128x128xf32, #tpu.memory_space<hbm>>
      %dma_start3A_63 = arith.constant 0 : i32
      %dma_start3A_64 = tpu.memref_slice %arg6[%add3A_33, %dma_start3A_63] : memref<20480x128xf32, #tpu.memory_space<hbm>> -> memref<128x128xf32, #tpu.memory_space<hbm>>
      tpu.enqueue_dma source(%arg9 : memref<128x128xf32, #tpu.memory_space<vmem>>) target(%dma_start3A_64 : memref<128x128xf32, #tpu.memory_space<hbm>>) target_semaphore(%run_scoped3A : memref<!tpu.dma_semaphore, #tpu.memory_space<semaphore_mem>>)
      %dma_wait3A = arith.constant 0 : i32
      %dma_wait3A_65 = tpu.memref_slice %arg6[%add3A_33, %dma_wait3A] : memref<20480x128xf32, #tpu.memory_space<hbm>> -> memref<128x128xf32, #tpu.memory_space<hbm>>
      %dma_wait3A_66 = arith.constant 0 : i32
      %dma_wait3A_67 = tpu.memref_slice %arg6[%add3A_33, %dma_wait3A_66] : memref<20480x128xf32, #tpu.memory_space<hbm>> -> memref<128x128xf32, #tpu.memory_space<hbm>>
      tpu.wait_dma2 semaphore(%run_scoped3A : memref<!tpu.dma_semaphore, #tpu.memory_space<semaphore_mem>>) src(%arg9 : memref<128x128xf32, #tpu.memory_space<vmem>>) dst(%dma_wait3A_67 : memref<128x128xf32, #tpu.memory_space<hbm>>)
      tpu.yield
    }) : () -> ()
    %mul3A_34 = arith.constant 640 : i32
    %mul3A_35 = arith.muli %arg1, %mul3A_34 : i32
    %add3A_36 = arith.constant 128 : i32
    %add3A_37 = arith.addi %mul3A_35, %add3A_36 : i32
    "tpu.region"() ({
      %run_scoped3A = tpu.sem_alloc : memref<!tpu.dma_semaphore, #tpu.memory_space<semaphore_mem>>
      %dma_start3A = arith.constant 0 : i32
      %dma_start3A_62 = tpu.memref_slice %arg11[%add3A_37, %dma_start3A] : memref<10240x128xf32, #tpu.memory_space<vmem_shared>> -> memref<128x128xf32, #tpu.memory_space<vmem_shared>>
      %dma_start3A_63 = arith.constant 0 : i32
      %dma_start3A_64 = tpu.memref_slice %arg11[%add3A_37, %dma_start3A_63] : memref<10240x128xf32, #tpu.memory_space<vmem_shared>> -> memref<128x128xf32, #tpu.memory_space<vmem_shared>>
      tpu.enqueue_dma source(%dma_start3A_64 : memref<128x128xf32, #tpu.memory_space<vmem_shared>>) target(%arg9 : memref<128x128xf32, #tpu.memory_space<vmem>>) target_semaphore(%run_scoped3A : memref<!tpu.dma_semaphore, #tpu.memory_space<semaphore_mem>>)
      %dma_wait3A = arith.constant 0 : i32
      %dma_wait3A_65 = tpu.memref_slice %arg11[%add3A_37, %dma_wait3A] : memref<10240x128xf32, #tpu.memory_space<vmem_shared>> -> memref<128x128xf32, #tpu.memory_space<vmem_shared>>
      %dma_wait3A_66 = arith.constant 0 : i32
      %dma_wait3A_67 = tpu.memref_slice %arg11[%add3A_37, %dma_wait3A_66] : memref<10240x128xf32, #tpu.memory_space<vmem_shared>> -> memref<128x128xf32, #tpu.memory_space<vmem_shared>>
      tpu.wait_dma2 semaphore(%run_scoped3A : memref<!tpu.dma_semaphore, #tpu.memory_space<semaphore_mem>>) src(%dma_wait3A_67 : memref<128x128xf32, #tpu.memory_space<vmem_shared>>) dst(%arg9 : memref<128x128xf32, #tpu.memory_space<vmem>>)
      tpu.yield
    }) : () -> ()
    %mul3A_38 = arith.constant 10240 : i32
    %mul3A_39 = arith.muli %arg0, %mul3A_38 : i32
    %add3A_40 = arith.addi %mul3A_39, %add3A_37 : i32
    "tpu.region"() ({
      %run_scoped3A = tpu.sem_alloc : memref<!tpu.dma_semaphore, #tpu.memory_space<semaphore_mem>>
      %dma_start3A = arith.constant 0 : i32
      %dma_start3A_62 = tpu.memref_slice %arg6[%add3A_40, %dma_start3A] : memref<20480x128xf32, #tpu.memory_space<hbm>> -> memref<128x128xf32, #tpu.memory_space<hbm>>
      %dma_start3A_63 = arith.constant 0 : i32
      %dma_start3A_64 = tpu.memref_slice %arg6[%add3A_40, %dma_start3A_63] : memref<20480x128xf32, #tpu.memory_space<hbm>> -> memref<128x128xf32, #tpu.memory_space<hbm>>
      tpu.enqueue_dma source(%arg9 : memref<128x128xf32, #tpu.memory_space<vmem>>) target(%dma_start3A_64 : memref<128x128xf32, #tpu.memory_space<hbm>>) target_semaphore(%run_scoped3A : memref<!tpu.dma_semaphore, #tpu.memory_space<semaphore_mem>>)
      %dma_wait3A = arith.constant 0 : i32
      %dma_wait3A_65 = tpu.memref_slice %arg6[%add3A_40, %dma_wait3A] : memref<20480x128xf32, #tpu.memory_space<hbm>> -> memref<128x128xf32, #tpu.memory_space<hbm>>
      %dma_wait3A_66 = arith.constant 0 : i32
      %dma_wait3A_67 = tpu.memref_slice %arg6[%add3A_40, %dma_wait3A_66] : memref<20480x128xf32, #tpu.memory_space<hbm>> -> memref<128x128xf32, #tpu.memory_space<hbm>>
      tpu.wait_dma2 semaphore(%run_scoped3A : memref<!tpu.dma_semaphore, #tpu.memory_space<semaphore_mem>>) src(%arg9 : memref<128x128xf32, #tpu.memory_space<vmem>>) dst(%dma_wait3A_67 : memref<128x128xf32, #tpu.memory_space<hbm>>)
      tpu.yield
    }) : () -> ()
    %mul3A_41 = arith.constant 640 : i32
    %mul3A_42 = arith.muli %arg1, %mul3A_41 : i32
    %add3A_43 = arith.constant 256 : i32
    %add3A_44 = arith.addi %mul3A_42, %add3A_43 : i32
    "tpu.region"() ({
      %run_scoped3A = tpu.sem_alloc : memref<!tpu.dma_semaphore, #tpu.memory_space<semaphore_mem>>
      %dma_start3A = arith.constant 0 : i32
      %dma_start3A_62 = tpu.memref_slice %arg11[%add3A_44, %dma_start3A] : memref<10240x128xf32, #tpu.memory_space<vmem_shared>> -> memref<128x128xf32, #tpu.memory_space<vmem_shared>>
      %dma_start3A_63 = arith.constant 0 : i32
      %dma_start3A_64 = tpu.memref_slice %arg11[%add3A_44, %dma_start3A_63] : memref<10240x128xf32, #tpu.memory_space<vmem_shared>> -> memref<128x128xf32, #tpu.memory_space<vmem_shared>>
      tpu.enqueue_dma source(%dma_start3A_64 : memref<128x128xf32, #tpu.memory_space<vmem_shared>>) target(%arg9 : memref<128x128xf32, #tpu.memory_space<vmem>>) target_semaphore(%run_scoped3A : memref<!tpu.dma_semaphore, #tpu.memory_space<semaphore_mem>>)
      %dma_wait3A = arith.constant 0 : i32
      %dma_wait3A_65 = tpu.memref_slice %arg11[%add3A_44, %dma_wait3A] : memref<10240x128xf32, #tpu.memory_space<vmem_shared>> -> memref<128x128xf32, #tpu.memory_space<vmem_shared>>
      %dma_wait3A_66 = arith.constant 0 : i32
      %dma_wait3A_67 = tpu.memref_slice %arg11[%add3A_44, %dma_wait3A_66] : memref<10240x128xf32, #tpu.memory_space<vmem_shared>> -> memref<128x128xf32, #tpu.memory_space<vmem_shared>>
      tpu.wait_dma2 semaphore(%run_scoped3A : memref<!tpu.dma_semaphore, #tpu.memory_space<semaphore_mem>>) src(%dma_wait3A_67 : memref<128x128xf32, #tpu.memory_space<vmem_shared>>) dst(%arg9 : memref<128x128xf32, #tpu.memory_space<vmem>>)
      tpu.yield
    }) : () -> ()
    %mul3A_45 = arith.constant 10240 : i32
    %mul3A_46 = arith.muli %arg0, %mul3A_45 : i32
    %add3A_47 = arith.addi %mul3A_46, %add3A_44 : i32
    "tpu.region"() ({
      %run_scoped3A = tpu.sem_alloc : memref<!tpu.dma_semaphore, #tpu.memory_space<semaphore_mem>>
      %dma_start3A = arith.constant 0 : i32
      %dma_start3A_62 = tpu.memref_slice %arg6[%add3A_47, %dma_start3A] : memref<20480x128xf32, #tpu.memory_space<hbm>> -> memref<128x128xf32, #tpu.memory_space<hbm>>
      %dma_start3A_63 = arith.constant 0 : i32
      %dma_start3A_64 = tpu.memref_slice %arg6[%add3A_47, %dma_start3A_63] : memref<20480x128xf32, #tpu.memory_space<hbm>> -> memref<128x128xf32, #tpu.memory_space<hbm>>
      tpu.enqueue_dma source(%arg9 : memref<128x128xf32, #tpu.memory_space<vmem>>) target(%dma_start3A_64 : memref<128x128xf32, #tpu.memory_space<hbm>>) target_semaphore(%run_scoped3A : memref<!tpu.dma_semaphore, #tpu.memory_space<semaphore_mem>>)
      %dma_wait3A = arith.constant 0 : i32
      %dma_wait3A_65 = tpu.memref_slice %arg6[%add3A_47, %dma_wait3A] : memref<20480x128xf32, #tpu.memory_space<hbm>> -> memref<128x128xf32, #tpu.memory_space<hbm>>
      %dma_wait3A_66 = arith.constant 0 : i32
      %dma_wait3A_67 = tpu.memref_slice %arg6[%add3A_47, %dma_wait3A_66] : memref<20480x128xf32, #tpu.memory_space<hbm>> -> memref<128x128xf32, #tpu.memory_space<hbm>>
      tpu.wait_dma2 semaphore(%run_scoped3A : memref<!tpu.dma_semaphore, #tpu.memory_space<semaphore_mem>>) src(%arg9 : memref<128x128xf32, #tpu.memory_space<vmem>>) dst(%dma_wait3A_67 : memref<128x128xf32, #tpu.memory_space<hbm>>)
      tpu.yield
    }) : () -> ()
    %mul3A_48 = arith.constant 640 : i32
    %mul3A_49 = arith.muli %arg1, %mul3A_48 : i32
    %add3A_50 = arith.constant 384 : i32
    %add3A_51 = arith.addi %mul3A_49, %add3A_50 : i32
    "tpu.region"() ({
      %run_scoped3A = tpu.sem_alloc : memref<!tpu.dma_semaphore, #tpu.memory_space<semaphore_mem>>
      %dma_start3A = arith.constant 0 : i32
      %dma_start3A_62 = tpu.memref_slice %arg11[%add3A_51, %dma_start3A] : memref<10240x128xf32, #tpu.memory_space<vmem_shared>> -> memref<128x128xf32, #tpu.memory_space<vmem_shared>>
      %dma_start3A_63 = arith.constant 0 : i32
      %dma_start3A_64 = tpu.memref_slice %arg11[%add3A_51, %dma_start3A_63] : memref<10240x128xf32, #tpu.memory_space<vmem_shared>> -> memref<128x128xf32, #tpu.memory_space<vmem_shared>>
      tpu.enqueue_dma source(%dma_start3A_64 : memref<128x128xf32, #tpu.memory_space<vmem_shared>>) target(%arg9 : memref<128x128xf32, #tpu.memory_space<vmem>>) target_semaphore(%run_scoped3A : memref<!tpu.dma_semaphore, #tpu.memory_space<semaphore_mem>>)
      %dma_wait3A = arith.constant 0 : i32
      %dma_wait3A_65 = tpu.memref_slice %arg11[%add3A_51, %dma_wait3A] : memref<10240x128xf32, #tpu.memory_space<vmem_shared>> -> memref<128x128xf32, #tpu.memory_space<vmem_shared>>
      %dma_wait3A_66 = arith.constant 0 : i32
      %dma_wait3A_67 = tpu.memref_slice %arg11[%add3A_51, %dma_wait3A_66] : memref<10240x128xf32, #tpu.memory_space<vmem_shared>> -> memref<128x128xf32, #tpu.memory_space<vmem_shared>>
      tpu.wait_dma2 semaphore(%run_scoped3A : memref<!tpu.dma_semaphore, #tpu.memory_space<semaphore_mem>>) src(%dma_wait3A_67 : memref<128x128xf32, #tpu.memory_space<vmem_shared>>) dst(%arg9 : memref<128x128xf32, #tpu.memory_space<vmem>>)
      tpu.yield
    }) : () -> ()
    %mul3A_52 = arith.constant 10240 : i32
    %mul3A_53 = arith.muli %arg0, %mul3A_52 : i32
    %add3A_54 = arith.addi %mul3A_53, %add3A_51 : i32
    "tpu.region"() ({
      %run_scoped3A = tpu.sem_alloc : memref<!tpu.dma_semaphore, #tpu.memory_space<semaphore_mem>>
      %dma_start3A = arith.constant 0 : i32
      %dma_start3A_62 = tpu.memref_slice %arg6[%add3A_54, %dma_start3A] : memref<20480x128xf32, #tpu.memory_space<hbm>> -> memref<128x128xf32, #tpu.memory_space<hbm>>
      %dma_start3A_63 = arith.constant 0 : i32
      %dma_start3A_64 = tpu.memref_slice %arg6[%add3A_54, %dma_start3A_63] : memref<20480x128xf32, #tpu.memory_space<hbm>> -> memref<128x128xf32, #tpu.memory_space<hbm>>
      tpu.enqueue_dma source(%arg9 : memref<128x128xf32, #tpu.memory_space<vmem>>) target(%dma_start3A_64 : memref<128x128xf32, #tpu.memory_space<hbm>>) target_semaphore(%run_scoped3A : memref<!tpu.dma_semaphore, #tpu.memory_space<semaphore_mem>>)
      %dma_wait3A = arith.constant 0 : i32
      %dma_wait3A_65 = tpu.memref_slice %arg6[%add3A_54, %dma_wait3A] : memref<20480x128xf32, #tpu.memory_space<hbm>> -> memref<128x128xf32, #tpu.memory_space<hbm>>
      %dma_wait3A_66 = arith.constant 0 : i32
      %dma_wait3A_67 = tpu.memref_slice %arg6[%add3A_54, %dma_wait3A_66] : memref<20480x128xf32, #tpu.memory_space<hbm>> -> memref<128x128xf32, #tpu.memory_space<hbm>>
      tpu.wait_dma2 semaphore(%run_scoped3A : memref<!tpu.dma_semaphore, #tpu.memory_space<semaphore_mem>>) src(%arg9 : memref<128x128xf32, #tpu.memory_space<vmem>>) dst(%dma_wait3A_67 : memref<128x128xf32, #tpu.memory_space<hbm>>)
      tpu.yield
    }) : () -> ()
    %mul3A_55 = arith.constant 640 : i32
    %mul3A_56 = arith.muli %arg1, %mul3A_55 : i32
    %add3A_57 = arith.constant 512 : i32
    %add3A_58 = arith.addi %mul3A_56, %add3A_57 : i32
    "tpu.region"() ({
      %run_scoped3A = tpu.sem_alloc : memref<!tpu.dma_semaphore, #tpu.memory_space<semaphore_mem>>
      %dma_start3A = arith.constant 0 : i32
      %dma_start3A_62 = tpu.memref_slice %arg11[%add3A_58, %dma_start3A] : memref<10240x128xf32, #tpu.memory_space<vmem_shared>> -> memref<128x128xf32, #tpu.memory_space<vmem_shared>>
      %dma_start3A_63 = arith.constant 0 : i32
      %dma_start3A_64 = tpu.memref_slice %arg11[%add3A_58, %dma_start3A_63] : memref<10240x128xf32, #tpu.memory_space<vmem_shared>> -> memref<128x128xf32, #tpu.memory_space<vmem_shared>>
      tpu.enqueue_dma source(%dma_start3A_64 : memref<128x128xf32, #tpu.memory_space<vmem_shared>>) target(%arg9 : memref<128x128xf32, #tpu.memory_space<vmem>>) target_semaphore(%run_scoped3A : memref<!tpu.dma_semaphore, #tpu.memory_space<semaphore_mem>>)
      %dma_wait3A = arith.constant 0 : i32
      %dma_wait3A_65 = tpu.memref_slice %arg11[%add3A_58, %dma_wait3A] : memref<10240x128xf32, #tpu.memory_space<vmem_shared>> -> memref<128x128xf32, #tpu.memory_space<vmem_shared>>
      %dma_wait3A_66 = arith.constant 0 : i32
      %dma_wait3A_67 = tpu.memref_slice %arg11[%add3A_58, %dma_wait3A_66] : memref<10240x128xf32, #tpu.memory_space<vmem_shared>> -> memref<128x128xf32, #tpu.memory_space<vmem_shared>>
      tpu.wait_dma2 semaphore(%run_scoped3A : memref<!tpu.dma_semaphore, #tpu.memory_space<semaphore_mem>>) src(%dma_wait3A_67 : memref<128x128xf32, #tpu.memory_space<vmem_shared>>) dst(%arg9 : memref<128x128xf32, #tpu.memory_space<vmem>>)
      tpu.yield
    }) : () -> ()
    %mul3A_59 = arith.constant 10240 : i32
    %mul3A_60 = arith.muli %arg0, %mul3A_59 : i32
    %add3A_61 = arith.addi %mul3A_60, %add3A_58 : i32
    "tpu.region"() ({
      %run_scoped3A = tpu.sem_alloc : memref<!tpu.dma_semaphore, #tpu.memory_space<semaphore_mem>>
      %dma_start3A = arith.constant 0 : i32
      %dma_start3A_62 = tpu.memref_slice %arg6[%add3A_61, %dma_start3A] : memref<20480x128xf32, #tpu.memory_space<hbm>> -> memref<128x128xf32, #tpu.memory_space<hbm>>
      %dma_start3A_63 = arith.constant 0 : i32
      %dma_start3A_64 = tpu.memref_slice %arg6[%add3A_61, %dma_start3A_63] : memref<20480x128xf32, #tpu.memory_space<hbm>> -> memref<128x128xf32, #tpu.memory_space<hbm>>
      tpu.enqueue_dma source(%arg9 : memref<128x128xf32, #tpu.memory_space<vmem>>) target(%dma_start3A_64 : memref<128x128xf32, #tpu.memory_space<hbm>>) target_semaphore(%run_scoped3A : memref<!tpu.dma_semaphore, #tpu.memory_space<semaphore_mem>>)
      %dma_wait3A = arith.constant 0 : i32
      %dma_wait3A_65 = tpu.memref_slice %arg6[%add3A_61, %dma_wait3A] : memref<20480x128xf32, #tpu.memory_space<hbm>> -> memref<128x128xf32, #tpu.memory_space<hbm>>
      %dma_wait3A_66 = arith.constant 0 : i32
      %dma_wait3A_67 = tpu.memref_slice %arg6[%add3A_61, %dma_wait3A_66] : memref<20480x128xf32, #tpu.memory_space<hbm>> -> memref<128x128xf32, #tpu.memory_space<hbm>>
      tpu.wait_dma2 semaphore(%run_scoped3A : memref<!tpu.dma_semaphore, #tpu.memory_space<semaphore_mem>>) src(%arg9 : memref<128x128xf32, #tpu.memory_space<vmem>>) dst(%dma_wait3A_67 : memref<128x128xf32, #tpu.memory_space<hbm>>)
      tpu.yield
    }) : () -> ()
    return
  }
}

#map = affine_map<(d0, d1) -> (0, 0)>
#map1 = affine_map<(d0, d1) -> (0)>
module attributes {stable_mosaic.version = 14 : i64} {
  func.func @_deg(%arg0: i32, %arg1: i32, %arg2: memref<2560x128xi32, #tpu.memory_space<hbm>>, %arg3: memref<2560x128xi32, #tpu.memory_space<hbm>>, %arg4: memref<128xf32, #tpu.memory_space<hbm>>, %arg5: memref<640xf32, #tpu.memory_space<hbm>>, %arg6: memref<20480xf32, #tpu.memory_space<hbm>>, %arg7: memref<20480xf32, #tpu.memory_space<hbm>>, %arg8: memref<80x128xi32, #tpu.memory_space<vmem>>, %arg9: memref<80x128xi32, #tpu.memory_space<vmem>>, %arg10: memref<128xf32, #tpu.memory_space<vmem>>, %arg11: memref<640xf32, #tpu.memory_space<vmem>>, %arg12: memref<10240xf32, #tpu.memory_space<vmem_shared>>, %arg13: memref<10240xf32, #tpu.memory_space<vmem_shared>>) attributes {dimension_semantics = [#tpu.dimension_semantics<core_parallel>, #tpu.dimension_semantics<subcore_parallel>], iteration_bounds = array<i64: 2, 16>, scalar_prefetch = 0 : i64, scratch_operands = 6 : i64, tpu.core_type = #tpu.core_type<sc_vector_subcore>, window_params = [{transform_indices = #map}, {transform_indices = #map}, {transform_indices = #map1}, {transform_indices = #map1}, {transform_indices = #map1}, {transform_indices = #map1}]} {
    %mul3A = arith.constant 16 : i32
    %mul3A_0 = arith.muli %arg0, %mul3A : i32
    %add3A = arith.addi %mul3A_0, %arg1 : i32
    "tpu.region"() ({
      %run_scoped3A = tpu.sem_alloc : memref<!tpu.dma_semaphore, #tpu.memory_space<semaphore_mem>>
      tpu.enqueue_dma source(%arg4 : memref<128xf32, #tpu.memory_space<hbm>>) target(%arg10 : memref<128xf32, #tpu.memory_space<vmem>>) target_semaphore(%run_scoped3A : memref<!tpu.dma_semaphore, #tpu.memory_space<semaphore_mem>>)
      tpu.wait_dma2 semaphore(%run_scoped3A : memref<!tpu.dma_semaphore, #tpu.memory_space<semaphore_mem>>) src(%arg4 : memref<128xf32, #tpu.memory_space<hbm>>) dst(%arg10 : memref<128xf32, #tpu.memory_space<vmem>>)
      tpu.yield
    }) : () -> ()
    "tpu.region"() ({
      %run_scoped3A = tpu.sem_alloc : memref<!tpu.dma_semaphore, #tpu.memory_space<semaphore_mem>>
      tpu.enqueue_dma source(%arg5 : memref<640xf32, #tpu.memory_space<hbm>>) target(%arg11 : memref<640xf32, #tpu.memory_space<vmem>>) target_semaphore(%run_scoped3A : memref<!tpu.dma_semaphore, #tpu.memory_space<semaphore_mem>>)
      tpu.wait_dma2 semaphore(%run_scoped3A : memref<!tpu.dma_semaphore, #tpu.memory_space<semaphore_mem>>) src(%arg5 : memref<640xf32, #tpu.memory_space<hbm>>) dst(%arg11 : memref<640xf32, #tpu.memory_space<vmem>>)
      tpu.yield
    }) : () -> ()
    %mul3A_1 = arith.constant 640 : i32
    %mul3A_2 = arith.muli %arg1, %mul3A_1 : i32
    "tpu.region"() ({
      %run_scoped3A = tpu.sem_alloc : memref<!tpu.dma_semaphore, #tpu.memory_space<semaphore_mem>>
      %dma_start3A = tpu.memref_slice %arg12[%mul3A_2] : memref<10240xf32, #tpu.memory_space<vmem_shared>> -> memref<640xf32, #tpu.memory_space<vmem_shared>>
      %dma_start3A_29 = tpu.memref_slice %arg12[%mul3A_2] : memref<10240xf32, #tpu.memory_space<vmem_shared>> -> memref<640xf32, #tpu.memory_space<vmem_shared>>
      tpu.enqueue_dma source(%arg11 : memref<640xf32, #tpu.memory_space<vmem>>) target(%dma_start3A_29 : memref<640xf32, #tpu.memory_space<vmem_shared>>) target_semaphore(%run_scoped3A : memref<!tpu.dma_semaphore, #tpu.memory_space<semaphore_mem>>)
      %dma_wait3A = tpu.memref_slice %arg12[%mul3A_2] : memref<10240xf32, #tpu.memory_space<vmem_shared>> -> memref<640xf32, #tpu.memory_space<vmem_shared>>
      %dma_wait3A_30 = tpu.memref_slice %arg12[%mul3A_2] : memref<10240xf32, #tpu.memory_space<vmem_shared>> -> memref<640xf32, #tpu.memory_space<vmem_shared>>
      tpu.wait_dma2 semaphore(%run_scoped3A : memref<!tpu.dma_semaphore, #tpu.memory_space<semaphore_mem>>) src(%arg11 : memref<640xf32, #tpu.memory_space<vmem>>) dst(%dma_wait3A_30 : memref<640xf32, #tpu.memory_space<vmem_shared>>)
      tpu.yield
    }) : () -> ()
    %mul3A_3 = arith.constant 640 : i32
    %mul3A_4 = arith.muli %arg1, %mul3A_3 : i32
    "tpu.region"() ({
      %run_scoped3A = tpu.sem_alloc : memref<!tpu.dma_semaphore, #tpu.memory_space<semaphore_mem>>
      %dma_start3A = tpu.memref_slice %arg13[%mul3A_4] : memref<10240xf32, #tpu.memory_space<vmem_shared>> -> memref<640xf32, #tpu.memory_space<vmem_shared>>
      %dma_start3A_29 = tpu.memref_slice %arg13[%mul3A_4] : memref<10240xf32, #tpu.memory_space<vmem_shared>> -> memref<640xf32, #tpu.memory_space<vmem_shared>>
      tpu.enqueue_dma source(%arg11 : memref<640xf32, #tpu.memory_space<vmem>>) target(%dma_start3A_29 : memref<640xf32, #tpu.memory_space<vmem_shared>>) target_semaphore(%run_scoped3A : memref<!tpu.dma_semaphore, #tpu.memory_space<semaphore_mem>>)
      %dma_wait3A = tpu.memref_slice %arg13[%mul3A_4] : memref<10240xf32, #tpu.memory_space<vmem_shared>> -> memref<640xf32, #tpu.memory_space<vmem_shared>>
      %dma_wait3A_30 = tpu.memref_slice %arg13[%mul3A_4] : memref<10240xf32, #tpu.memory_space<vmem_shared>> -> memref<640xf32, #tpu.memory_space<vmem_shared>>
      tpu.wait_dma2 semaphore(%run_scoped3A : memref<!tpu.dma_semaphore, #tpu.memory_space<semaphore_mem>>) src(%arg11 : memref<640xf32, #tpu.memory_space<vmem>>) dst(%dma_wait3A_30 : memref<640xf32, #tpu.memory_space<vmem_shared>>)
      tpu.yield
    }) : () -> ()
    %mul3A_5 = arith.constant 80 : i32
    %mul3A_6 = arith.muli %add3A, %mul3A_5 : i32
    "tpu.region"() ({
      %run_scoped3A = tpu.sem_alloc : memref<!tpu.dma_semaphore, #tpu.memory_space<semaphore_mem>>
      %dma_start3A = arith.constant 0 : i32
      %dma_start3A_29 = tpu.memref_slice %arg2[%mul3A_6, %dma_start3A] : memref<2560x128xi32, #tpu.memory_space<hbm>> -> memref<80x128xi32, #tpu.memory_space<hbm>>
      %dma_start3A_30 = arith.constant 0 : i32
      %dma_start3A_31 = tpu.memref_slice %arg2[%mul3A_6, %dma_start3A_30] : memref<2560x128xi32, #tpu.memory_space<hbm>> -> memref<80x128xi32, #tpu.memory_space<hbm>>
      tpu.enqueue_dma source(%dma_start3A_31 : memref<80x128xi32, #tpu.memory_space<hbm>>) target(%arg8 : memref<80x128xi32, #tpu.memory_space<vmem>>) target_semaphore(%run_scoped3A : memref<!tpu.dma_semaphore, #tpu.memory_space<semaphore_mem>>)
      %dma_wait3A = arith.constant 0 : i32
      %dma_wait3A_32 = tpu.memref_slice %arg2[%mul3A_6, %dma_wait3A] : memref<2560x128xi32, #tpu.memory_space<hbm>> -> memref<80x128xi32, #tpu.memory_space<hbm>>
      %dma_wait3A_33 = arith.constant 0 : i32
      %dma_wait3A_34 = tpu.memref_slice %arg2[%mul3A_6, %dma_wait3A_33] : memref<2560x128xi32, #tpu.memory_space<hbm>> -> memref<80x128xi32, #tpu.memory_space<hbm>>
      tpu.wait_dma2 semaphore(%run_scoped3A : memref<!tpu.dma_semaphore, #tpu.memory_space<semaphore_mem>>) src(%dma_wait3A_34 : memref<80x128xi32, #tpu.memory_space<hbm>>) dst(%arg8 : memref<80x128xi32, #tpu.memory_space<vmem>>)
      tpu.yield
    }) : () -> ()
    %mul3A_7 = arith.constant 80 : i32
    %mul3A_8 = arith.muli %add3A, %mul3A_7 : i32
    "tpu.region"() ({
      %run_scoped3A = tpu.sem_alloc : memref<!tpu.dma_semaphore, #tpu.memory_space<semaphore_mem>>
      %dma_start3A = arith.constant 0 : i32
      %dma_start3A_29 = tpu.memref_slice %arg3[%mul3A_8, %dma_start3A] : memref<2560x128xi32, #tpu.memory_space<hbm>> -> memref<80x128xi32, #tpu.memory_space<hbm>>
      %dma_start3A_30 = arith.constant 0 : i32
      %dma_start3A_31 = tpu.memref_slice %arg3[%mul3A_8, %dma_start3A_30] : memref<2560x128xi32, #tpu.memory_space<hbm>> -> memref<80x128xi32, #tpu.memory_space<hbm>>
      tpu.enqueue_dma source(%dma_start3A_31 : memref<80x128xi32, #tpu.memory_space<hbm>>) target(%arg9 : memref<80x128xi32, #tpu.memory_space<vmem>>) target_semaphore(%run_scoped3A : memref<!tpu.dma_semaphore, #tpu.memory_space<semaphore_mem>>)
      %dma_wait3A = arith.constant 0 : i32
      %dma_wait3A_32 = tpu.memref_slice %arg3[%mul3A_8, %dma_wait3A] : memref<2560x128xi32, #tpu.memory_space<hbm>> -> memref<80x128xi32, #tpu.memory_space<hbm>>
      %dma_wait3A_33 = arith.constant 0 : i32
      %dma_wait3A_34 = tpu.memref_slice %arg3[%mul3A_8, %dma_wait3A_33] : memref<2560x128xi32, #tpu.memory_space<hbm>> -> memref<80x128xi32, #tpu.memory_space<hbm>>
      tpu.wait_dma2 semaphore(%run_scoped3A : memref<!tpu.dma_semaphore, #tpu.memory_space<semaphore_mem>>) src(%dma_wait3A_34 : memref<80x128xi32, #tpu.memory_space<hbm>>) dst(%arg9 : memref<80x128xi32, #tpu.memory_space<vmem>>)
      tpu.yield
    }) : () -> ()
    %barrier3A = arith.constant 0 : index
    tpu.barrier barrier_id(%barrier3A)
    %scan3A = arith.constant 0 : i32
    %scan3A_9 = arith.constant 0 : i32
    %scan3A_10 = arith.constant 80 : i32
    %scan3A_11 = arith.addi %scan3A_9, %scan3A_10 : i32
    %scan3A_12 = arith.constant 1 : i32
    scf.for %scan3A_29 = %scan3A_9 to %scan3A_11 step %scan3A_12  : i32 {
      "tpu.region"() ({
        %run_scoped3A = tpu.sem_alloc : memref<!tpu.dma_semaphore, #tpu.memory_space<semaphore_mem>>
        %dma_start3A = arith.constant 0 : i32
        %dma_start3A_30 = tpu.memref_slice %arg8[%scan3A_29, %dma_start3A] : memref<80x128xi32, #tpu.memory_space<vmem>> -> memref<1x128xi32, #tpu.memory_space<vmem>>
        %dma_start3A_31 = tpu.memref_squeeze %dma_start3A_30 : memref<1x128xi32, #tpu.memory_space<vmem>> -> memref<128xi32, #tpu.memory_space<vmem>>
        %dma_start3A_32 = arith.constant 0 : i32
        %dma_start3A_33 = tpu.memref_slice %arg12[%dma_start3A_32] : memref<10240xf32, #tpu.memory_space<vmem_shared>> -> memref<10240xf32, #tpu.memory_space<vmem_shared>>
        tpu.enqueue_indirect_dma source(%arg10 : memref<128xf32, #tpu.memory_space<vmem>>) target(%dma_start3A_33 : memref<10240xf32, #tpu.memory_space<vmem_shared>>) offsets(%dma_start3A_31 : memref<128xi32, #tpu.memory_space<vmem>>) semaphore(%run_scoped3A : memref<!tpu.dma_semaphore, #tpu.memory_space<semaphore_mem>>) {add = true}
        %dma_wait3A = arith.constant 0 : i32
        %dma_wait3A_34 = tpu.memref_slice %arg8[%scan3A_29, %dma_wait3A] : memref<80x128xi32, #tpu.memory_space<vmem>> -> memref<1x128xi32, #tpu.memory_space<vmem>>
        %dma_wait3A_35 = tpu.memref_squeeze %dma_wait3A_34 : memref<1x128xi32, #tpu.memory_space<vmem>> -> memref<128xi32, #tpu.memory_space<vmem>>
        %dma_wait3A_36 = arith.constant 0 : i32
        %dma_wait3A_37 = tpu.memref_slice %arg12[%dma_wait3A_36] : memref<10240xf32, #tpu.memory_space<vmem_shared>> -> memref<10240xf32, #tpu.memory_space<vmem_shared>>
        tpu.wait_indirect_dma semaphore(%run_scoped3A : memref<!tpu.dma_semaphore, #tpu.memory_space<semaphore_mem>>) src(%arg10 : memref<128xf32, #tpu.memory_space<vmem>>) dst(%dma_wait3A_37 : memref<10240xf32, #tpu.memory_space<vmem_shared>>)
        tpu.yield
      }) : () -> ()
      "tpu.region"() ({
        %run_scoped3A = tpu.sem_alloc : memref<!tpu.dma_semaphore, #tpu.memory_space<semaphore_mem>>
        %dma_start3A = arith.constant 0 : i32
        %dma_start3A_30 = tpu.memref_slice %arg9[%scan3A_29, %dma_start3A] : memref<80x128xi32, #tpu.memory_space<vmem>> -> memref<1x128xi32, #tpu.memory_space<vmem>>
        %dma_start3A_31 = tpu.memref_squeeze %dma_start3A_30 : memref<1x128xi32, #tpu.memory_space<vmem>> -> memref<128xi32, #tpu.memory_space<vmem>>
        %dma_start3A_32 = arith.constant 0 : i32
        %dma_start3A_33 = tpu.memref_slice %arg13[%dma_start3A_32] : memref<10240xf32, #tpu.memory_space<vmem_shared>> -> memref<10240xf32, #tpu.memory_space<vmem_shared>>
        tpu.enqueue_indirect_dma source(%arg10 : memref<128xf32, #tpu.memory_space<vmem>>) target(%dma_start3A_33 : memref<10240xf32, #tpu.memory_space<vmem_shared>>) offsets(%dma_start3A_31 : memref<128xi32, #tpu.memory_space<vmem>>) semaphore(%run_scoped3A : memref<!tpu.dma_semaphore, #tpu.memory_space<semaphore_mem>>) {add = true}
        %dma_wait3A = arith.constant 0 : i32
        %dma_wait3A_34 = tpu.memref_slice %arg9[%scan3A_29, %dma_wait3A] : memref<80x128xi32, #tpu.memory_space<vmem>> -> memref<1x128xi32, #tpu.memory_space<vmem>>
        %dma_wait3A_35 = tpu.memref_squeeze %dma_wait3A_34 : memref<1x128xi32, #tpu.memory_space<vmem>> -> memref<128xi32, #tpu.memory_space<vmem>>
        %dma_wait3A_36 = arith.constant 0 : i32
        %dma_wait3A_37 = tpu.memref_slice %arg13[%dma_wait3A_36] : memref<10240xf32, #tpu.memory_space<vmem_shared>> -> memref<10240xf32, #tpu.memory_space<vmem_shared>>
        tpu.wait_indirect_dma semaphore(%run_scoped3A : memref<!tpu.dma_semaphore, #tpu.memory_space<semaphore_mem>>) src(%arg10 : memref<128xf32, #tpu.memory_space<vmem>>) dst(%dma_wait3A_37 : memref<10240xf32, #tpu.memory_space<vmem_shared>>)
        tpu.yield
      }) : () -> ()
    }
    %scan3A_13 = arith.constant 80 : i32
    %barrier3A_14 = arith.constant 0 : index
    tpu.barrier barrier_id(%barrier3A_14)
    %mul3A_15 = arith.constant 640 : i32
    %mul3A_16 = arith.muli %arg1, %mul3A_15 : i32
    "tpu.region"() ({
      %run_scoped3A = tpu.sem_alloc : memref<!tpu.dma_semaphore, #tpu.memory_space<semaphore_mem>>
      %dma_start3A = tpu.memref_slice %arg12[%mul3A_16] : memref<10240xf32, #tpu.memory_space<vmem_shared>> -> memref<640xf32, #tpu.memory_space<vmem_shared>>
      %dma_start3A_29 = tpu.memref_slice %arg12[%mul3A_16] : memref<10240xf32, #tpu.memory_space<vmem_shared>> -> memref<640xf32, #tpu.memory_space<vmem_shared>>
      tpu.enqueue_dma source(%dma_start3A_29 : memref<640xf32, #tpu.memory_space<vmem_shared>>) target(%arg11 : memref<640xf32, #tpu.memory_space<vmem>>) target_semaphore(%run_scoped3A : memref<!tpu.dma_semaphore, #tpu.memory_space<semaphore_mem>>)
      %dma_wait3A = tpu.memref_slice %arg12[%mul3A_16] : memref<10240xf32, #tpu.memory_space<vmem_shared>> -> memref<640xf32, #tpu.memory_space<vmem_shared>>
      %dma_wait3A_30 = tpu.memref_slice %arg12[%mul3A_16] : memref<10240xf32, #tpu.memory_space<vmem_shared>> -> memref<640xf32, #tpu.memory_space<vmem_shared>>
      tpu.wait_dma2 semaphore(%run_scoped3A : memref<!tpu.dma_semaphore, #tpu.memory_space<semaphore_mem>>) src(%dma_wait3A_30 : memref<640xf32, #tpu.memory_space<vmem_shared>>) dst(%arg11 : memref<640xf32, #tpu.memory_space<vmem>>)
      tpu.yield
    }) : () -> ()
    %mul3A_17 = arith.constant 10240 : i32
    %mul3A_18 = arith.muli %arg0, %mul3A_17 : i32
    %mul3A_19 = arith.constant 640 : i32
    %mul3A_20 = arith.muli %arg1, %mul3A_19 : i32
    %add3A_21 = arith.addi %mul3A_18, %mul3A_20 : i32
    "tpu.region"() ({
      %run_scoped3A = tpu.sem_alloc : memref<!tpu.dma_semaphore, #tpu.memory_space<semaphore_mem>>
      %dma_start3A = tpu.memref_slice %arg6[%add3A_21] : memref<20480xf32, #tpu.memory_space<hbm>> -> memref<640xf32, #tpu.memory_space<hbm>>
      %dma_start3A_29 = tpu.memref_slice %arg6[%add3A_21] : memref<20480xf32, #tpu.memory_space<hbm>> -> memref<640xf32, #tpu.memory_space<hbm>>
      tpu.enqueue_dma source(%arg11 : memref<640xf32, #tpu.memory_space<vmem>>) target(%dma_start3A_29 : memref<640xf32, #tpu.memory_space<hbm>>) target_semaphore(%run_scoped3A : memref<!tpu.dma_semaphore, #tpu.memory_space<semaphore_mem>>)
      %dma_wait3A = tpu.memref_slice %arg6[%add3A_21] : memref<20480xf32, #tpu.memory_space<hbm>> -> memref<640xf32, #tpu.memory_space<hbm>>
      %dma_wait3A_30 = tpu.memref_slice %arg6[%add3A_21] : memref<20480xf32, #tpu.memory_space<hbm>> -> memref<640xf32, #tpu.memory_space<hbm>>
      tpu.wait_dma2 semaphore(%run_scoped3A : memref<!tpu.dma_semaphore, #tpu.memory_space<semaphore_mem>>) src(%arg11 : memref<640xf32, #tpu.memory_space<vmem>>) dst(%dma_wait3A_30 : memref<640xf32, #tpu.memory_space<hbm>>)
      tpu.yield
    }) : () -> ()
    %mul3A_22 = arith.constant 640 : i32
    %mul3A_23 = arith.muli %arg1, %mul3A_22 : i32
    "tpu.region"() ({
      %run_scoped3A = tpu.sem_alloc : memref<!tpu.dma_semaphore, #tpu.memory_space<semaphore_mem>>
      %dma_start3A = tpu.memref_slice %arg13[%mul3A_23] : memref<10240xf32, #tpu.memory_space<vmem_shared>> -> memref<640xf32, #tpu.memory_space<vmem_shared>>
      %dma_start3A_29 = tpu.memref_slice %arg13[%mul3A_23] : memref<10240xf32, #tpu.memory_space<vmem_shared>> -> memref<640xf32, #tpu.memory_space<vmem_shared>>
      tpu.enqueue_dma source(%dma_start3A_29 : memref<640xf32, #tpu.memory_space<vmem_shared>>) target(%arg11 : memref<640xf32, #tpu.memory_space<vmem>>) target_semaphore(%run_scoped3A : memref<!tpu.dma_semaphore, #tpu.memory_space<semaphore_mem>>)
      %dma_wait3A = tpu.memref_slice %arg13[%mul3A_23] : memref<10240xf32, #tpu.memory_space<vmem_shared>> -> memref<640xf32, #tpu.memory_space<vmem_shared>>
      %dma_wait3A_30 = tpu.memref_slice %arg13[%mul3A_23] : memref<10240xf32, #tpu.memory_space<vmem_shared>> -> memref<640xf32, #tpu.memory_space<vmem_shared>>
      tpu.wait_dma2 semaphore(%run_scoped3A : memref<!tpu.dma_semaphore, #tpu.memory_space<semaphore_mem>>) src(%dma_wait3A_30 : memref<640xf32, #tpu.memory_space<vmem_shared>>) dst(%arg11 : memref<640xf32, #tpu.memory_space<vmem>>)
      tpu.yield
    }) : () -> ()
    %mul3A_24 = arith.constant 10240 : i32
    %mul3A_25 = arith.muli %arg0, %mul3A_24 : i32
    %mul3A_26 = arith.constant 640 : i32
    %mul3A_27 = arith.muli %arg1, %mul3A_26 : i32
    %add3A_28 = arith.addi %mul3A_25, %mul3A_27 : i32
    "tpu.region"() ({
      %run_scoped3A = tpu.sem_alloc : memref<!tpu.dma_semaphore, #tpu.memory_space<semaphore_mem>>
      %dma_start3A = tpu.memref_slice %arg7[%add3A_28] : memref<20480xf32, #tpu.memory_space<hbm>> -> memref<640xf32, #tpu.memory_space<hbm>>
      %dma_start3A_29 = tpu.memref_slice %arg7[%add3A_28] : memref<20480xf32, #tpu.memory_space<hbm>> -> memref<640xf32, #tpu.memory_space<hbm>>
      tpu.enqueue_dma source(%arg11 : memref<640xf32, #tpu.memory_space<vmem>>) target(%dma_start3A_29 : memref<640xf32, #tpu.memory_space<hbm>>) target_semaphore(%run_scoped3A : memref<!tpu.dma_semaphore, #tpu.memory_space<semaphore_mem>>)
      %dma_wait3A = tpu.memref_slice %arg7[%add3A_28] : memref<20480xf32, #tpu.memory_space<hbm>> -> memref<640xf32, #tpu.memory_space<hbm>>
      %dma_wait3A_30 = tpu.memref_slice %arg7[%add3A_28] : memref<20480xf32, #tpu.memory_space<hbm>> -> memref<640xf32, #tpu.memory_space<hbm>>
      tpu.wait_dma2 semaphore(%run_scoped3A : memref<!tpu.dma_semaphore, #tpu.memory_space<semaphore_mem>>) src(%arg11 : memref<640xf32, #tpu.memory_space<vmem>>) dst(%dma_wait3A_30 : memref<640xf32, #tpu.memory_space<hbm>>)
      tpu.yield
    }) : () -> ()
    return
  }
}

#map = affine_map<(d0, d1) -> (0, 0)>
module attributes {stable_mosaic.version = 14 : i64} {
  func.func @agg(%arg0: i32, %arg1: i32, %arg2: memref<2560x128xi32, #tpu.memory_space<hbm>>, %arg3: memref<2560x128xi32, #tpu.memory_space<hbm>>, %arg4: memref<10240x128xf32, #tpu.memory_space<hbm>>, %arg5: memref<128x128xf32, #tpu.memory_space<hbm>>, %arg6: memref<20480x128xf32, #tpu.memory_space<hbm>>, %arg7: memref<40x128xi32, #tpu.memory_space<vmem>>, %arg8: memref<40x128xi32, #tpu.memory_space<vmem>>, %arg9: memref<128x128xf32, #tpu.memory_space<vmem>>, %arg10: memref<128x128xf32, #tpu.memory_space<vmem>>, %arg11: memref<10240x128xf32, #tpu.memory_space<vmem_shared>>, %arg12: memref<!tpu.dma_semaphore, #tpu.memory_space<semaphore_mem>>, %arg13: memref<!tpu.dma_semaphore, #tpu.memory_space<semaphore_mem>>) attributes {dimension_semantics = [#tpu.dimension_semantics<core_parallel>, #tpu.dimension_semantics<subcore_parallel>], iteration_bounds = array<i64: 2, 16>, scalar_prefetch = 0 : i64, scratch_operands = 7 : i64, tpu.core_type = #tpu.core_type<sc_vector_subcore>, window_params = [{transform_indices = #map}, {transform_indices = #map}, {transform_indices = #map}, {transform_indices = #map}, {transform_indices = #map}]} {
    %mul3A = arith.constant 16 : i32
    %mul3A_0 = arith.muli %arg0, %mul3A : i32
    %add3A = arith.addi %mul3A_0, %arg1 : i32
    "tpu.region"() ({
      %run_scoped3A = tpu.sem_alloc : memref<!tpu.dma_semaphore, #tpu.memory_space<semaphore_mem>>
      tpu.enqueue_dma source(%arg5 : memref<128x128xf32, #tpu.memory_space<hbm>>) target(%arg9 : memref<128x128xf32, #tpu.memory_space<vmem>>) target_semaphore(%run_scoped3A : memref<!tpu.dma_semaphore, #tpu.memory_space<semaphore_mem>>)
      tpu.wait_dma2 semaphore(%run_scoped3A : memref<!tpu.dma_semaphore, #tpu.memory_space<semaphore_mem>>) src(%arg5 : memref<128x128xf32, #tpu.memory_space<hbm>>) dst(%arg9 : memref<128x128xf32, #tpu.memory_space<vmem>>)
      tpu.yield
    }) : () -> ()
    %mul3A_1 = arith.constant 640 : i32
    %mul3A_2 = arith.muli %arg1, %mul3A_1 : i32
    %add3A_3 = arith.constant 0 : i32
    %add3A_4 = arith.addi %mul3A_2, %add3A_3 : i32
    "tpu.region"() ({
      %run_scoped3A = tpu.sem_alloc : memref<!tpu.dma_semaphore, #tpu.memory_space<semaphore_mem>>
      %dma_start3A = arith.constant 0 : i32
      %dma_start3A_62 = tpu.memref_slice %arg11[%add3A_4, %dma_start3A] : memref<10240x128xf32, #tpu.memory_space<vmem_shared>> -> memref<128x128xf32, #tpu.memory_space<vmem_shared>>
      %dma_start3A_63 = arith.constant 0 : i32
      %dma_start3A_64 = tpu.memref_slice %arg11[%add3A_4, %dma_start3A_63] : memref<10240x128xf32, #tpu.memory_space<vmem_shared>> -> memref<128x128xf32, #tpu.memory_space<vmem_shared>>
      tpu.enqueue_dma source(%arg9 : memref<128x128xf32, #tpu.memory_space<vmem>>) target(%dma_start3A_64 : memref<128x128xf32, #tpu.memory_space<vmem_shared>>) target_semaphore(%run_scoped3A : memref<!tpu.dma_semaphore, #tpu.memory_space<semaphore_mem>>)
      %dma_wait3A = arith.constant 0 : i32
      %dma_wait3A_65 = tpu.memref_slice %arg11[%add3A_4, %dma_wait3A] : memref<10240x128xf32, #tpu.memory_space<vmem_shared>> -> memref<128x128xf32, #tpu.memory_space<vmem_shared>>
      %dma_wait3A_66 = arith.constant 0 : i32
      %dma_wait3A_67 = tpu.memref_slice %arg11[%add3A_4, %dma_wait3A_66] : memref<10240x128xf32, #tpu.memory_space<vmem_shared>> -> memref<128x128xf32, #tpu.memory_space<vmem_shared>>
      tpu.wait_dma2 semaphore(%run_scoped3A : memref<!tpu.dma_semaphore, #tpu.memory_space<semaphore_mem>>) src(%arg9 : memref<128x128xf32, #tpu.memory_space<vmem>>) dst(%dma_wait3A_67 : memref<128x128xf32, #tpu.memory_space<vmem_shared>>)
      tpu.yield
    }) : () -> ()
    %mul3A_5 = arith.constant 640 : i32
    %mul3A_6 = arith.muli %arg1, %mul3A_5 : i32
    %add3A_7 = arith.constant 128 : i32
    %add3A_8 = arith.addi %mul3A_6, %add3A_7 : i32
    "tpu.region"() ({
      %run_scoped3A = tpu.sem_alloc : memref<!tpu.dma_semaphore, #tpu.memory_space<semaphore_mem>>
      %dma_start3A = arith.constant 0 : i32
      %dma_start3A_62 = tpu.memref_slice %arg11[%add3A_8, %dma_start3A] : memref<10240x128xf32, #tpu.memory_space<vmem_shared>> -> memref<128x128xf32, #tpu.memory_space<vmem_shared>>
      %dma_start3A_63 = arith.constant 0 : i32
      %dma_start3A_64 = tpu.memref_slice %arg11[%add3A_8, %dma_start3A_63] : memref<10240x128xf32, #tpu.memory_space<vmem_shared>> -> memref<128x128xf32, #tpu.memory_space<vmem_shared>>
      tpu.enqueue_dma source(%arg9 : memref<128x128xf32, #tpu.memory_space<vmem>>) target(%dma_start3A_64 : memref<128x128xf32, #tpu.memory_space<vmem_shared>>) target_semaphore(%run_scoped3A : memref<!tpu.dma_semaphore, #tpu.memory_space<semaphore_mem>>)
      %dma_wait3A = arith.constant 0 : i32
      %dma_wait3A_65 = tpu.memref_slice %arg11[%add3A_8, %dma_wait3A] : memref<10240x128xf32, #tpu.memory_space<vmem_shared>> -> memref<128x128xf32, #tpu.memory_space<vmem_shared>>
      %dma_wait3A_66 = arith.constant 0 : i32
      %dma_wait3A_67 = tpu.memref_slice %arg11[%add3A_8, %dma_wait3A_66] : memref<10240x128xf32, #tpu.memory_space<vmem_shared>> -> memref<128x128xf32, #tpu.memory_space<vmem_shared>>
      tpu.wait_dma2 semaphore(%run_scoped3A : memref<!tpu.dma_semaphore, #tpu.memory_space<semaphore_mem>>) src(%arg9 : memref<128x128xf32, #tpu.memory_space<vmem>>) dst(%dma_wait3A_67 : memref<128x128xf32, #tpu.memory_space<vmem_shared>>)
      tpu.yield
    }) : () -> ()
    %mul3A_9 = arith.constant 640 : i32
    %mul3A_10 = arith.muli %arg1, %mul3A_9 : i32
    %add3A_11 = arith.constant 256 : i32
    %add3A_12 = arith.addi %mul3A_10, %add3A_11 : i32
    "tpu.region"() ({
      %run_scoped3A = tpu.sem_alloc : memref<!tpu.dma_semaphore, #tpu.memory_space<semaphore_mem>>
      %dma_start3A = arith.constant 0 : i32
      %dma_start3A_62 = tpu.memref_slice %arg11[%add3A_12, %dma_start3A] : memref<10240x128xf32, #tpu.memory_space<vmem_shared>> -> memref<128x128xf32, #tpu.memory_space<vmem_shared>>
      %dma_start3A_63 = arith.constant 0 : i32
      %dma_start3A_64 = tpu.memref_slice %arg11[%add3A_12, %dma_start3A_63] : memref<10240x128xf32, #tpu.memory_space<vmem_shared>> -> memref<128x128xf32, #tpu.memory_space<vmem_shared>>
      tpu.enqueue_dma source(%arg9 : memref<128x128xf32, #tpu.memory_space<vmem>>) target(%dma_start3A_64 : memref<128x128xf32, #tpu.memory_space<vmem_shared>>) target_semaphore(%run_scoped3A : memref<!tpu.dma_semaphore, #tpu.memory_space<semaphore_mem>>)
      %dma_wait3A = arith.constant 0 : i32
      %dma_wait3A_65 = tpu.memref_slice %arg11[%add3A_12, %dma_wait3A] : memref<10240x128xf32, #tpu.memory_space<vmem_shared>> -> memref<128x128xf32, #tpu.memory_space<vmem_shared>>
      %dma_wait3A_66 = arith.constant 0 : i32
      %dma_wait3A_67 = tpu.memref_slice %arg11[%add3A_12, %dma_wait3A_66] : memref<10240x128xf32, #tpu.memory_space<vmem_shared>> -> memref<128x128xf32, #tpu.memory_space<vmem_shared>>
      tpu.wait_dma2 semaphore(%run_scoped3A : memref<!tpu.dma_semaphore, #tpu.memory_space<semaphore_mem>>) src(%arg9 : memref<128x128xf32, #tpu.memory_space<vmem>>) dst(%dma_wait3A_67 : memref<128x128xf32, #tpu.memory_space<vmem_shared>>)
      tpu.yield
    }) : () -> ()
    %mul3A_13 = arith.constant 640 : i32
    %mul3A_14 = arith.muli %arg1, %mul3A_13 : i32
    %add3A_15 = arith.constant 384 : i32
    %add3A_16 = arith.addi %mul3A_14, %add3A_15 : i32
    "tpu.region"() ({
      %run_scoped3A = tpu.sem_alloc : memref<!tpu.dma_semaphore, #tpu.memory_space<semaphore_mem>>
      %dma_start3A = arith.constant 0 : i32
      %dma_start3A_62 = tpu.memref_slice %arg11[%add3A_16, %dma_start3A] : memref<10240x128xf32, #tpu.memory_space<vmem_shared>> -> memref<128x128xf32, #tpu.memory_space<vmem_shared>>
      %dma_start3A_63 = arith.constant 0 : i32
      %dma_start3A_64 = tpu.memref_slice %arg11[%add3A_16, %dma_start3A_63] : memref<10240x128xf32, #tpu.memory_space<vmem_shared>> -> memref<128x128xf32, #tpu.memory_space<vmem_shared>>
      tpu.enqueue_dma source(%arg9 : memref<128x128xf32, #tpu.memory_space<vmem>>) target(%dma_start3A_64 : memref<128x128xf32, #tpu.memory_space<vmem_shared>>) target_semaphore(%run_scoped3A : memref<!tpu.dma_semaphore, #tpu.memory_space<semaphore_mem>>)
      %dma_wait3A = arith.constant 0 : i32
      %dma_wait3A_65 = tpu.memref_slice %arg11[%add3A_16, %dma_wait3A] : memref<10240x128xf32, #tpu.memory_space<vmem_shared>> -> memref<128x128xf32, #tpu.memory_space<vmem_shared>>
      %dma_wait3A_66 = arith.constant 0 : i32
      %dma_wait3A_67 = tpu.memref_slice %arg11[%add3A_16, %dma_wait3A_66] : memref<10240x128xf32, #tpu.memory_space<vmem_shared>> -> memref<128x128xf32, #tpu.memory_space<vmem_shared>>
      tpu.wait_dma2 semaphore(%run_scoped3A : memref<!tpu.dma_semaphore, #tpu.memory_space<semaphore_mem>>) src(%arg9 : memref<128x128xf32, #tpu.memory_space<vmem>>) dst(%dma_wait3A_67 : memref<128x128xf32, #tpu.memory_space<vmem_shared>>)
      tpu.yield
    }) : () -> ()
    %mul3A_17 = arith.constant 640 : i32
    %mul3A_18 = arith.muli %arg1, %mul3A_17 : i32
    %add3A_19 = arith.constant 512 : i32
    %add3A_20 = arith.addi %mul3A_18, %add3A_19 : i32
    "tpu.region"() ({
      %run_scoped3A = tpu.sem_alloc : memref<!tpu.dma_semaphore, #tpu.memory_space<semaphore_mem>>
      %dma_start3A = arith.constant 0 : i32
      %dma_start3A_62 = tpu.memref_slice %arg11[%add3A_20, %dma_start3A] : memref<10240x128xf32, #tpu.memory_space<vmem_shared>> -> memref<128x128xf32, #tpu.memory_space<vmem_shared>>
      %dma_start3A_63 = arith.constant 0 : i32
      %dma_start3A_64 = tpu.memref_slice %arg11[%add3A_20, %dma_start3A_63] : memref<10240x128xf32, #tpu.memory_space<vmem_shared>> -> memref<128x128xf32, #tpu.memory_space<vmem_shared>>
      tpu.enqueue_dma source(%arg9 : memref<128x128xf32, #tpu.memory_space<vmem>>) target(%dma_start3A_64 : memref<128x128xf32, #tpu.memory_space<vmem_shared>>) target_semaphore(%run_scoped3A : memref<!tpu.dma_semaphore, #tpu.memory_space<semaphore_mem>>)
      %dma_wait3A = arith.constant 0 : i32
      %dma_wait3A_65 = tpu.memref_slice %arg11[%add3A_20, %dma_wait3A] : memref<10240x128xf32, #tpu.memory_space<vmem_shared>> -> memref<128x128xf32, #tpu.memory_space<vmem_shared>>
      %dma_wait3A_66 = arith.constant 0 : i32
      %dma_wait3A_67 = tpu.memref_slice %arg11[%add3A_20, %dma_wait3A_66] : memref<10240x128xf32, #tpu.memory_space<vmem_shared>> -> memref<128x128xf32, #tpu.memory_space<vmem_shared>>
      tpu.wait_dma2 semaphore(%run_scoped3A : memref<!tpu.dma_semaphore, #tpu.memory_space<semaphore_mem>>) src(%arg9 : memref<128x128xf32, #tpu.memory_space<vmem>>) dst(%dma_wait3A_67 : memref<128x128xf32, #tpu.memory_space<vmem_shared>>)
      tpu.yield
    }) : () -> ()
    %barrier3A = arith.constant 0 : index
    tpu.barrier barrier_id(%barrier3A)
    %scan3A = arith.constant 0 : i32
    %scan3A_21 = arith.constant 0 : i32
    %scan3A_22 = arith.constant 2 : i32
    %scan3A_23 = arith.addi %scan3A_21, %scan3A_22 : i32
    %scan3A_24 = arith.constant 1 : i32
    scf.for %scan3A_62 = %scan3A_21 to %scan3A_23 step %scan3A_24  : i32 {
      %mul3A_63 = arith.constant 80 : i32
      %mul3A_64 = arith.muli %add3A, %mul3A_63 : i32
      %mul3A_65 = arith.constant 40 : i32
      %mul3A_66 = arith.muli %scan3A_62, %mul3A_65 : i32
      %add3A_67 = arith.addi %mul3A_64, %mul3A_66 : i32
      "tpu.region"() ({
        %run_scoped3A = tpu.sem_alloc : memref<!tpu.dma_semaphore, #tpu.memory_space<semaphore_mem>>
        %dma_start3A_103 = arith.constant 0 : i32
        %dma_start3A_104 = tpu.memref_slice %arg2[%add3A_67, %dma_start3A_103] : memref<2560x128xi32, #tpu.memory_space<hbm>> -> memref<40x128xi32, #tpu.memory_space<hbm>>
        %dma_start3A_105 = arith.constant 0 : i32
        %dma_start3A_106 = tpu.memref_slice %arg2[%add3A_67, %dma_start3A_105] : memref<2560x128xi32, #tpu.memory_space<hbm>> -> memref<40x128xi32, #tpu.memory_space<hbm>>
        tpu.enqueue_dma source(%dma_start3A_106 : memref<40x128xi32, #tpu.memory_space<hbm>>) target(%arg7 : memref<40x128xi32, #tpu.memory_space<vmem>>) target_semaphore(%run_scoped3A : memref<!tpu.dma_semaphore, #tpu.memory_space<semaphore_mem>>)
        %dma_wait3A_107 = arith.constant 0 : i32
        %dma_wait3A_108 = tpu.memref_slice %arg2[%add3A_67, %dma_wait3A_107] : memref<2560x128xi32, #tpu.memory_space<hbm>> -> memref<40x128xi32, #tpu.memory_space<hbm>>
        %dma_wait3A_109 = arith.constant 0 : i32
        %dma_wait3A_110 = tpu.memref_slice %arg2[%add3A_67, %dma_wait3A_109] : memref<2560x128xi32, #tpu.memory_space<hbm>> -> memref<40x128xi32, #tpu.memory_space<hbm>>
        tpu.wait_dma2 semaphore(%run_scoped3A : memref<!tpu.dma_semaphore, #tpu.memory_space<semaphore_mem>>) src(%dma_wait3A_110 : memref<40x128xi32, #tpu.memory_space<hbm>>) dst(%arg7 : memref<40x128xi32, #tpu.memory_space<vmem>>)
        tpu.yield
      }) : () -> ()
      %mul3A_68 = arith.constant 80 : i32
      %mul3A_69 = arith.muli %add3A, %mul3A_68 : i32
      %mul3A_70 = arith.constant 40 : i32
      %mul3A_71 = arith.muli %scan3A_62, %mul3A_70 : i32
      %add3A_72 = arith.addi %mul3A_69, %mul3A_71 : i32
      "tpu.region"() ({
        %run_scoped3A = tpu.sem_alloc : memref<!tpu.dma_semaphore, #tpu.memory_space<semaphore_mem>>
        %dma_start3A_103 = arith.constant 0 : i32
        %dma_start3A_104 = tpu.memref_slice %arg3[%add3A_72, %dma_start3A_103] : memref<2560x128xi32, #tpu.memory_space<hbm>> -> memref<40x128xi32, #tpu.memory_space<hbm>>
        %dma_start3A_105 = arith.constant 0 : i32
        %dma_start3A_106 = tpu.memref_slice %arg3[%add3A_72, %dma_start3A_105] : memref<2560x128xi32, #tpu.memory_space<hbm>> -> memref<40x128xi32, #tpu.memory_space<hbm>>
        tpu.enqueue_dma source(%dma_start3A_106 : memref<40x128xi32, #tpu.memory_space<hbm>>) target(%arg8 : memref<40x128xi32, #tpu.memory_space<vmem>>) target_semaphore(%run_scoped3A : memref<!tpu.dma_semaphore, #tpu.memory_space<semaphore_mem>>)
        %dma_wait3A_107 = arith.constant 0 : i32
        %dma_wait3A_108 = tpu.memref_slice %arg3[%add3A_72, %dma_wait3A_107] : memref<2560x128xi32, #tpu.memory_space<hbm>> -> memref<40x128xi32, #tpu.memory_space<hbm>>
        %dma_wait3A_109 = arith.constant 0 : i32
        %dma_wait3A_110 = tpu.memref_slice %arg3[%add3A_72, %dma_wait3A_109] : memref<2560x128xi32, #tpu.memory_space<hbm>> -> memref<40x128xi32, #tpu.memory_space<hbm>>
        tpu.wait_dma2 semaphore(%run_scoped3A : memref<!tpu.dma_semaphore, #tpu.memory_space<semaphore_mem>>) src(%dma_wait3A_110 : memref<40x128xi32, #tpu.memory_space<hbm>>) dst(%arg8 : memref<40x128xi32, #tpu.memory_space<vmem>>)
        tpu.yield
      }) : () -> ()
      %dma_start3A = arith.constant 0 : i32
      %dma_start3A_73 = arith.constant 0 : i32
      %dma_start3A_74 = tpu.memref_slice %arg7[%dma_start3A, %dma_start3A_73] : memref<40x128xi32, #tpu.memory_space<vmem>> -> memref<1x128xi32, #tpu.memory_space<vmem>>
      %dma_start3A_75 = tpu.memref_squeeze %dma_start3A_74 : memref<1x128xi32, #tpu.memory_space<vmem>> -> memref<128xi32, #tpu.memory_space<vmem>>
      %dma_start3A_76 = arith.constant 0 : i32
      %dma_start3A_77 = arith.constant 0 : i32
      %dma_start3A_78 = tpu.memref_slice %arg4[%dma_start3A_76, %dma_start3A_77] : memref<10240x128xf32, #tpu.memory_space<hbm>> -> memref<10240x128xf32, #tpu.memory_space<hbm>>
      tpu.enqueue_indirect_dma source(%dma_start3A_78 : memref<10240x128xf32, #tpu.memory_space<hbm>>) target(%arg9 : memref<128x128xf32, #tpu.memory_space<vmem>>) offsets(%dma_start3A_75 : memref<128xi32, #tpu.memory_space<vmem>>) semaphore(%arg12 : memref<!tpu.dma_semaphore, #tpu.memory_space<semaphore_mem>>)
      %dma_start3A_79 = arith.constant 1 : i32
      %dma_start3A_80 = arith.constant 0 : i32
      %dma_start3A_81 = tpu.memref_slice %arg7[%dma_start3A_79, %dma_start3A_80] : memref<40x128xi32, #tpu.memory_space<vmem>> -> memref<1x128xi32, #tpu.memory_space<vmem>>
      %dma_start3A_82 = tpu.memref_squeeze %dma_start3A_81 : memref<1x128xi32, #tpu.memory_space<vmem>> -> memref<128xi32, #tpu.memory_space<vmem>>
      %dma_start3A_83 = arith.constant 0 : i32
      %dma_start3A_84 = arith.constant 0 : i32
      %dma_start3A_85 = tpu.memref_slice %arg4[%dma_start3A_83, %dma_start3A_84] : memref<10240x128xf32, #tpu.memory_space<hbm>> -> memref<10240x128xf32, #tpu.memory_space<hbm>>
      tpu.enqueue_indirect_dma source(%dma_start3A_85 : memref<10240x128xf32, #tpu.memory_space<hbm>>) target(%arg10 : memref<128x128xf32, #tpu.memory_space<vmem>>) offsets(%dma_start3A_82 : memref<128xi32, #tpu.memory_space<vmem>>) semaphore(%arg13 : memref<!tpu.dma_semaphore, #tpu.memory_space<semaphore_mem>>)
      %scan3A_86 = arith.constant 0 : i32
      %scan3A_87 = arith.constant 0 : i32
      %scan3A_88 = arith.constant 20 : i32
      %scan3A_89 = arith.addi %scan3A_87, %scan3A_88 : i32
      %scan3A_90 = arith.constant 1 : i32
      scf.for %scan3A_103 = %scan3A_87 to %scan3A_89 step %scan3A_90  : i32 {
        %mul3A_104 = arith.constant 2 : i32
        %mul3A_105 = arith.muli %scan3A_103, %mul3A_104 : i32
        %dma_wait3A_106 = arith.constant 0 : i32
        %dma_wait3A_107 = arith.constant 0 : i32
        %dma_wait3A_108 = tpu.memref_slice %arg4[%dma_wait3A_106, %dma_wait3A_107] : memref<10240x128xf32, #tpu.memory_space<hbm>> -> memref<128x128xf32, #tpu.memory_space<hbm>>
        %dma_wait3A_109 = arith.constant 0 : i32
        %dma_wait3A_110 = arith.constant 0 : i32
        %dma_wait3A_111 = tpu.memref_slice %arg4[%dma_wait3A_109, %dma_wait3A_110] : memref<10240x128xf32, #tpu.memory_space<hbm>> -> memref<128x128xf32, #tpu.memory_space<hbm>>
        tpu.wait_dma2 semaphore(%arg12 : memref<!tpu.dma_semaphore, #tpu.memory_space<semaphore_mem>>) src(%dma_wait3A_111 : memref<128x128xf32, #tpu.memory_space<hbm>>) dst(%arg9 : memref<128x128xf32, #tpu.memory_space<vmem>>)
        %add3A_112 = arith.constant 0 : i32
        %add3A_113 = arith.addi %mul3A_105, %add3A_112 : i32
        "tpu.region"() ({
          %run_scoped3A = tpu.sem_alloc : memref<!tpu.dma_semaphore, #tpu.memory_space<semaphore_mem>>
          %dma_start3A_145 = arith.constant 0 : i32
          %dma_start3A_146 = tpu.memref_slice %arg8[%add3A_113, %dma_start3A_145] : memref<40x128xi32, #tpu.memory_space<vmem>> -> memref<1x128xi32, #tpu.memory_space<vmem>>
          %dma_start3A_147 = tpu.memref_squeeze %dma_start3A_146 : memref<1x128xi32, #tpu.memory_space<vmem>> -> memref<128xi32, #tpu.memory_space<vmem>>
          %dma_start3A_148 = arith.constant 0 : i32
          %dma_start3A_149 = arith.constant 0 : i32
          %dma_start3A_150 = tpu.memref_slice %arg11[%dma_start3A_148, %dma_start3A_149] : memref<10240x128xf32, #tpu.memory_space<vmem_shared>> -> memref<10240x128xf32, #tpu.memory_space<vmem_shared>>
          tpu.enqueue_indirect_dma source(%arg9 : memref<128x128xf32, #tpu.memory_space<vmem>>) target(%dma_start3A_150 : memref<10240x128xf32, #tpu.memory_space<vmem_shared>>) offsets(%dma_start3A_147 : memref<128xi32, #tpu.memory_space<vmem>>) semaphore(%run_scoped3A : memref<!tpu.dma_semaphore, #tpu.memory_space<semaphore_mem>>) {add = true}
          %dma_wait3A_151 = arith.constant 0 : i32
          %dma_wait3A_152 = tpu.memref_slice %arg8[%add3A_113, %dma_wait3A_151] : memref<40x128xi32, #tpu.memory_space<vmem>> -> memref<1x128xi32, #tpu.memory_space<vmem>>
          %dma_wait3A_153 = tpu.memref_squeeze %dma_wait3A_152 : memref<1x128xi32, #tpu.memory_space<vmem>> -> memref<128xi32, #tpu.memory_space<vmem>>
          %dma_wait3A_154 = arith.constant 0 : i32
          %dma_wait3A_155 = arith.constant 0 : i32
          %dma_wait3A_156 = tpu.memref_slice %arg11[%dma_wait3A_154, %dma_wait3A_155] : memref<10240x128xf32, #tpu.memory_space<vmem_shared>> -> memref<10240x128xf32, #tpu.memory_space<vmem_shared>>
          tpu.wait_indirect_dma semaphore(%run_scoped3A : memref<!tpu.dma_semaphore, #tpu.memory_space<semaphore_mem>>) src(%arg9 : memref<128x128xf32, #tpu.memory_space<vmem>>) dst(%dma_wait3A_156 : memref<10240x128xf32, #tpu.memory_space<vmem_shared>>)
          tpu.yield
        }) : () -> ()
        %add3A_114 = arith.constant 2 : i32
        %add3A_115 = arith.addi %mul3A_105, %add3A_114 : i32
        %add3A_116 = arith.constant 0 : i32
        %add3A_117 = arith.addi %add3A_115, %add3A_116 : i32
        %min3A = arith.constant 39 : i32
        %min3A_118 = arith.minsi %add3A_117, %min3A : i32
        %dma_start3A_119 = arith.constant 0 : i32
        %dma_start3A_120 = tpu.memref_slice %arg7[%min3A_118, %dma_start3A_119] : memref<40x128xi32, #tpu.memory_space<vmem>> -> memref<1x128xi32, #tpu.memory_space<vmem>>
        %dma_start3A_121 = tpu.memref_squeeze %dma_start3A_120 : memref<1x128xi32, #tpu.memory_space<vmem>> -> memref<128xi32, #tpu.memory_space<vmem>>
        %dma_start3A_122 = arith.constant 0 : i32
        %dma_start3A_123 = arith.constant 0 : i32
        %dma_start3A_124 = tpu.memref_slice %arg4[%dma_start3A_122, %dma_start3A_123] : memref<10240x128xf32, #tpu.memory_space<hbm>> -> memref<10240x128xf32, #tpu.memory_space<hbm>>
        tpu.enqueue_indirect_dma source(%dma_start3A_124 : memref<10240x128xf32, #tpu.memory_space<hbm>>) target(%arg9 : memref<128x128xf32, #tpu.memory_space<vmem>>) offsets(%dma_start3A_121 : memref<128xi32, #tpu.memory_space<vmem>>) semaphore(%arg12 : memref<!tpu.dma_semaphore, #tpu.memory_space<semaphore_mem>>)
        %dma_wait3A_125 = arith.constant 0 : i32
        %dma_wait3A_126 = arith.constant 0 : i32
        %dma_wait3A_127 = tpu.memref_slice %arg4[%dma_wait3A_125, %dma_wait3A_126] : memref<10240x128xf32, #tpu.memory_space<hbm>> -> memref<128x128xf32, #tpu.memory_space<hbm>>
        %dma_wait3A_128 = arith.constant 0 : i32
        %dma_wait3A_129 = arith.constant 0 : i32
        %dma_wait3A_130 = tpu.memref_slice %arg4[%dma_wait3A_128, %dma_wait3A_129] : memref<10240x128xf32, #tpu.memory_space<hbm>> -> memref<128x128xf32, #tpu.memory_space<hbm>>
        tpu.wait_dma2 semaphore(%arg13 : memref<!tpu.dma_semaphore, #tpu.memory_space<semaphore_mem>>) src(%dma_wait3A_130 : memref<128x128xf32, #tpu.memory_space<hbm>>) dst(%arg10 : memref<128x128xf32, #tpu.memory_space<vmem>>)
        %add3A_131 = arith.constant 1 : i32
        %add3A_132 = arith.addi %mul3A_105, %add3A_131 : i32
        "tpu.region"() ({
          %run_scoped3A = tpu.sem_alloc : memref<!tpu.dma_semaphore, #tpu.memory_space<semaphore_mem>>
          %dma_start3A_145 = arith.constant 0 : i32
          %dma_start3A_146 = tpu.memref_slice %arg8[%add3A_132, %dma_start3A_145] : memref<40x128xi32, #tpu.memory_space<vmem>> -> memref<1x128xi32, #tpu.memory_space<vmem>>
          %dma_start3A_147 = tpu.memref_squeeze %dma_start3A_146 : memref<1x128xi32, #tpu.memory_space<vmem>> -> memref<128xi32, #tpu.memory_space<vmem>>
          %dma_start3A_148 = arith.constant 0 : i32
          %dma_start3A_149 = arith.constant 0 : i32
          %dma_start3A_150 = tpu.memref_slice %arg11[%dma_start3A_148, %dma_start3A_149] : memref<10240x128xf32, #tpu.memory_space<vmem_shared>> -> memref<10240x128xf32, #tpu.memory_space<vmem_shared>>
          tpu.enqueue_indirect_dma source(%arg10 : memref<128x128xf32, #tpu.memory_space<vmem>>) target(%dma_start3A_150 : memref<10240x128xf32, #tpu.memory_space<vmem_shared>>) offsets(%dma_start3A_147 : memref<128xi32, #tpu.memory_space<vmem>>) semaphore(%run_scoped3A : memref<!tpu.dma_semaphore, #tpu.memory_space<semaphore_mem>>) {add = true}
          %dma_wait3A_151 = arith.constant 0 : i32
          %dma_wait3A_152 = tpu.memref_slice %arg8[%add3A_132, %dma_wait3A_151] : memref<40x128xi32, #tpu.memory_space<vmem>> -> memref<1x128xi32, #tpu.memory_space<vmem>>
          %dma_wait3A_153 = tpu.memref_squeeze %dma_wait3A_152 : memref<1x128xi32, #tpu.memory_space<vmem>> -> memref<128xi32, #tpu.memory_space<vmem>>
          %dma_wait3A_154 = arith.constant 0 : i32
          %dma_wait3A_155 = arith.constant 0 : i32
          %dma_wait3A_156 = tpu.memref_slice %arg11[%dma_wait3A_154, %dma_wait3A_155] : memref<10240x128xf32, #tpu.memory_space<vmem_shared>> -> memref<10240x128xf32, #tpu.memory_space<vmem_shared>>
          tpu.wait_indirect_dma semaphore(%run_scoped3A : memref<!tpu.dma_semaphore, #tpu.memory_space<semaphore_mem>>) src(%arg10 : memref<128x128xf32, #tpu.memory_space<vmem>>) dst(%dma_wait3A_156 : memref<10240x128xf32, #tpu.memory_space<vmem_shared>>)
          tpu.yield
        }) : () -> ()
        %add3A_133 = arith.constant 2 : i32
        %add3A_134 = arith.addi %mul3A_105, %add3A_133 : i32
        %add3A_135 = arith.constant 1 : i32
        %add3A_136 = arith.addi %add3A_134, %add3A_135 : i32
        %min3A_137 = arith.constant 39 : i32
        %min3A_138 = arith.minsi %add3A_136, %min3A_137 : i32
        %dma_start3A_139 = arith.constant 0 : i32
        %dma_start3A_140 = tpu.memref_slice %arg7[%min3A_138, %dma_start3A_139] : memref<40x128xi32, #tpu.memory_space<vmem>> -> memref<1x128xi32, #tpu.memory_space<vmem>>
        %dma_start3A_141 = tpu.memref_squeeze %dma_start3A_140 : memref<1x128xi32, #tpu.memory_space<vmem>> -> memref<128xi32, #tpu.memory_space<vmem>>
        %dma_start3A_142 = arith.constant 0 : i32
        %dma_start3A_143 = arith.constant 0 : i32
        %dma_start3A_144 = tpu.memref_slice %arg4[%dma_start3A_142, %dma_start3A_143] : memref<10240x128xf32, #tpu.memory_space<hbm>> -> memref<10240x128xf32, #tpu.memory_space<hbm>>
        tpu.enqueue_indirect_dma source(%dma_start3A_144 : memref<10240x128xf32, #tpu.memory_space<hbm>>) target(%arg10 : memref<128x128xf32, #tpu.memory_space<vmem>>) offsets(%dma_start3A_141 : memref<128xi32, #tpu.memory_space<vmem>>) semaphore(%arg13 : memref<!tpu.dma_semaphore, #tpu.memory_space<semaphore_mem>>)
      }
      %scan3A_91 = arith.constant 20 : i32
      %dma_wait3A = arith.constant 0 : i32
      %dma_wait3A_92 = arith.constant 0 : i32
      %dma_wait3A_93 = tpu.memref_slice %arg4[%dma_wait3A, %dma_wait3A_92] : memref<10240x128xf32, #tpu.memory_space<hbm>> -> memref<128x128xf32, #tpu.memory_space<hbm>>
      %dma_wait3A_94 = arith.constant 0 : i32
      %dma_wait3A_95 = arith.constant 0 : i32
      %dma_wait3A_96 = tpu.memref_slice %arg4[%dma_wait3A_94, %dma_wait3A_95] : memref<10240x128xf32, #tpu.memory_space<hbm>> -> memref<128x128xf32, #tpu.memory_space<hbm>>
      tpu.wait_dma2 semaphore(%arg12 : memref<!tpu.dma_semaphore, #tpu.memory_space<semaphore_mem>>) src(%dma_wait3A_96 : memref<128x128xf32, #tpu.memory_space<hbm>>) dst(%arg9 : memref<128x128xf32, #tpu.memory_space<vmem>>)
      %dma_wait3A_97 = arith.constant 0 : i32
      %dma_wait3A_98 = arith.constant 0 : i32
      %dma_wait3A_99 = tpu.memref_slice %arg4[%dma_wait3A_97, %dma_wait3A_98] : memref<10240x128xf32, #tpu.memory_space<hbm>> -> memref<128x128xf32, #tpu.memory_space<hbm>>
      %dma_wait3A_100 = arith.constant 0 : i32
      %dma_wait3A_101 = arith.constant 0 : i32
      %dma_wait3A_102 = tpu.memref_slice %arg4[%dma_wait3A_100, %dma_wait3A_101] : memref<10240x128xf32, #tpu.memory_space<hbm>> -> memref<128x128xf32, #tpu.memory_space<hbm>>
      tpu.wait_dma2 semaphore(%arg13 : memref<!tpu.dma_semaphore, #tpu.memory_space<semaphore_mem>>) src(%dma_wait3A_102 : memref<128x128xf32, #tpu.memory_space<hbm>>) dst(%arg10 : memref<128x128xf32, #tpu.memory_space<vmem>>)
    }
    %scan3A_25 = arith.constant 2 : i32
    %barrier3A_26 = arith.constant 0 : index
    tpu.barrier barrier_id(%barrier3A_26)
    %mul3A_27 = arith.constant 640 : i32
    %mul3A_28 = arith.muli %arg1, %mul3A_27 : i32
    %add3A_29 = arith.constant 0 : i32
    %add3A_30 = arith.addi %mul3A_28, %add3A_29 : i32
    "tpu.region"() ({
      %run_scoped3A = tpu.sem_alloc : memref<!tpu.dma_semaphore, #tpu.memory_space<semaphore_mem>>
      %dma_start3A = arith.constant 0 : i32
      %dma_start3A_62 = tpu.memref_slice %arg11[%add3A_30, %dma_start3A] : memref<10240x128xf32, #tpu.memory_space<vmem_shared>> -> memref<128x128xf32, #tpu.memory_space<vmem_shared>>
      %dma_start3A_63 = arith.constant 0 : i32
      %dma_start3A_64 = tpu.memref_slice %arg11[%add3A_30, %dma_start3A_63] : memref<10240x128xf32, #tpu.memory_space<vmem_shared>> -> memref<128x128xf32, #tpu.memory_space<vmem_shared>>
      tpu.enqueue_dma source(%dma_start3A_64 : memref<128x128xf32, #tpu.memory_space<vmem_shared>>) target(%arg9 : memref<128x128xf32, #tpu.memory_space<vmem>>) target_semaphore(%run_scoped3A : memref<!tpu.dma_semaphore, #tpu.memory_space<semaphore_mem>>)
      %dma_wait3A = arith.constant 0 : i32
      %dma_wait3A_65 = tpu.memref_slice %arg11[%add3A_30, %dma_wait3A] : memref<10240x128xf32, #tpu.memory_space<vmem_shared>> -> memref<128x128xf32, #tpu.memory_space<vmem_shared>>
      %dma_wait3A_66 = arith.constant 0 : i32
      %dma_wait3A_67 = tpu.memref_slice %arg11[%add3A_30, %dma_wait3A_66] : memref<10240x128xf32, #tpu.memory_space<vmem_shared>> -> memref<128x128xf32, #tpu.memory_space<vmem_shared>>
      tpu.wait_dma2 semaphore(%run_scoped3A : memref<!tpu.dma_semaphore, #tpu.memory_space<semaphore_mem>>) src(%dma_wait3A_67 : memref<128x128xf32, #tpu.memory_space<vmem_shared>>) dst(%arg9 : memref<128x128xf32, #tpu.memory_space<vmem>>)
      tpu.yield
    }) : () -> ()
    %mul3A_31 = arith.constant 10240 : i32
    %mul3A_32 = arith.muli %arg0, %mul3A_31 : i32
    %add3A_33 = arith.addi %mul3A_32, %add3A_30 : i32
    "tpu.region"() ({
      %run_scoped3A = tpu.sem_alloc : memref<!tpu.dma_semaphore, #tpu.memory_space<semaphore_mem>>
      %dma_start3A = arith.constant 0 : i32
      %dma_start3A_62 = tpu.memref_slice %arg6[%add3A_33, %dma_start3A] : memref<20480x128xf32, #tpu.memory_space<hbm>> -> memref<128x128xf32, #tpu.memory_space<hbm>>
      %dma_start3A_63 = arith.constant 0 : i32
      %dma_start3A_64 = tpu.memref_slice %arg6[%add3A_33, %dma_start3A_63] : memref<20480x128xf32, #tpu.memory_space<hbm>> -> memref<128x128xf32, #tpu.memory_space<hbm>>
      tpu.enqueue_dma source(%arg9 : memref<128x128xf32, #tpu.memory_space<vmem>>) target(%dma_start3A_64 : memref<128x128xf32, #tpu.memory_space<hbm>>) target_semaphore(%run_scoped3A : memref<!tpu.dma_semaphore, #tpu.memory_space<semaphore_mem>>)
      %dma_wait3A = arith.constant 0 : i32
      %dma_wait3A_65 = tpu.memref_slice %arg6[%add3A_33, %dma_wait3A] : memref<20480x128xf32, #tpu.memory_space<hbm>> -> memref<128x128xf32, #tpu.memory_space<hbm>>
      %dma_wait3A_66 = arith.constant 0 : i32
      %dma_wait3A_67 = tpu.memref_slice %arg6[%add3A_33, %dma_wait3A_66] : memref<20480x128xf32, #tpu.memory_space<hbm>> -> memref<128x128xf32, #tpu.memory_space<hbm>>
      tpu.wait_dma2 semaphore(%run_scoped3A : memref<!tpu.dma_semaphore, #tpu.memory_space<semaphore_mem>>) src(%arg9 : memref<128x128xf32, #tpu.memory_space<vmem>>) dst(%dma_wait3A_67 : memref<128x128xf32, #tpu.memory_space<hbm>>)
      tpu.yield
    }) : () -> ()
    %mul3A_34 = arith.constant 640 : i32
    %mul3A_35 = arith.muli %arg1, %mul3A_34 : i32
    %add3A_36 = arith.constant 128 : i32
    %add3A_37 = arith.addi %mul3A_35, %add3A_36 : i32
    "tpu.region"() ({
      %run_scoped3A = tpu.sem_alloc : memref<!tpu.dma_semaphore, #tpu.memory_space<semaphore_mem>>
      %dma_start3A = arith.constant 0 : i32
      %dma_start3A_62 = tpu.memref_slice %arg11[%add3A_37, %dma_start3A] : memref<10240x128xf32, #tpu.memory_space<vmem_shared>> -> memref<128x128xf32, #tpu.memory_space<vmem_shared>>
      %dma_start3A_63 = arith.constant 0 : i32
      %dma_start3A_64 = tpu.memref_slice %arg11[%add3A_37, %dma_start3A_63] : memref<10240x128xf32, #tpu.memory_space<vmem_shared>> -> memref<128x128xf32, #tpu.memory_space<vmem_shared>>
      tpu.enqueue_dma source(%dma_start3A_64 : memref<128x128xf32, #tpu.memory_space<vmem_shared>>) target(%arg9 : memref<128x128xf32, #tpu.memory_space<vmem>>) target_semaphore(%run_scoped3A : memref<!tpu.dma_semaphore, #tpu.memory_space<semaphore_mem>>)
      %dma_wait3A = arith.constant 0 : i32
      %dma_wait3A_65 = tpu.memref_slice %arg11[%add3A_37, %dma_wait3A] : memref<10240x128xf32, #tpu.memory_space<vmem_shared>> -> memref<128x128xf32, #tpu.memory_space<vmem_shared>>
      %dma_wait3A_66 = arith.constant 0 : i32
      %dma_wait3A_67 = tpu.memref_slice %arg11[%add3A_37, %dma_wait3A_66] : memref<10240x128xf32, #tpu.memory_space<vmem_shared>> -> memref<128x128xf32, #tpu.memory_space<vmem_shared>>
      tpu.wait_dma2 semaphore(%run_scoped3A : memref<!tpu.dma_semaphore, #tpu.memory_space<semaphore_mem>>) src(%dma_wait3A_67 : memref<128x128xf32, #tpu.memory_space<vmem_shared>>) dst(%arg9 : memref<128x128xf32, #tpu.memory_space<vmem>>)
      tpu.yield
    }) : () -> ()
    %mul3A_38 = arith.constant 10240 : i32
    %mul3A_39 = arith.muli %arg0, %mul3A_38 : i32
    %add3A_40 = arith.addi %mul3A_39, %add3A_37 : i32
    "tpu.region"() ({
      %run_scoped3A = tpu.sem_alloc : memref<!tpu.dma_semaphore, #tpu.memory_space<semaphore_mem>>
      %dma_start3A = arith.constant 0 : i32
      %dma_start3A_62 = tpu.memref_slice %arg6[%add3A_40, %dma_start3A] : memref<20480x128xf32, #tpu.memory_space<hbm>> -> memref<128x128xf32, #tpu.memory_space<hbm>>
      %dma_start3A_63 = arith.constant 0 : i32
      %dma_start3A_64 = tpu.memref_slice %arg6[%add3A_40, %dma_start3A_63] : memref<20480x128xf32, #tpu.memory_space<hbm>> -> memref<128x128xf32, #tpu.memory_space<hbm>>
      tpu.enqueue_dma source(%arg9 : memref<128x128xf32, #tpu.memory_space<vmem>>) target(%dma_start3A_64 : memref<128x128xf32, #tpu.memory_space<hbm>>) target_semaphore(%run_scoped3A : memref<!tpu.dma_semaphore, #tpu.memory_space<semaphore_mem>>)
      %dma_wait3A = arith.constant 0 : i32
      %dma_wait3A_65 = tpu.memref_slice %arg6[%add3A_40, %dma_wait3A] : memref<20480x128xf32, #tpu.memory_space<hbm>> -> memref<128x128xf32, #tpu.memory_space<hbm>>
      %dma_wait3A_66 = arith.constant 0 : i32
      %dma_wait3A_67 = tpu.memref_slice %arg6[%add3A_40, %dma_wait3A_66] : memref<20480x128xf32, #tpu.memory_space<hbm>> -> memref<128x128xf32, #tpu.memory_space<hbm>>
      tpu.wait_dma2 semaphore(%run_scoped3A : memref<!tpu.dma_semaphore, #tpu.memory_space<semaphore_mem>>) src(%arg9 : memref<128x128xf32, #tpu.memory_space<vmem>>) dst(%dma_wait3A_67 : memref<128x128xf32, #tpu.memory_space<hbm>>)
      tpu.yield
    }) : () -> ()
    %mul3A_41 = arith.constant 640 : i32
    %mul3A_42 = arith.muli %arg1, %mul3A_41 : i32
    %add3A_43 = arith.constant 256 : i32
    %add3A_44 = arith.addi %mul3A_42, %add3A_43 : i32
    "tpu.region"() ({
      %run_scoped3A = tpu.sem_alloc : memref<!tpu.dma_semaphore, #tpu.memory_space<semaphore_mem>>
      %dma_start3A = arith.constant 0 : i32
      %dma_start3A_62 = tpu.memref_slice %arg11[%add3A_44, %dma_start3A] : memref<10240x128xf32, #tpu.memory_space<vmem_shared>> -> memref<128x128xf32, #tpu.memory_space<vmem_shared>>
      %dma_start3A_63 = arith.constant 0 : i32
      %dma_start3A_64 = tpu.memref_slice %arg11[%add3A_44, %dma_start3A_63] : memref<10240x128xf32, #tpu.memory_space<vmem_shared>> -> memref<128x128xf32, #tpu.memory_space<vmem_shared>>
      tpu.enqueue_dma source(%dma_start3A_64 : memref<128x128xf32, #tpu.memory_space<vmem_shared>>) target(%arg9 : memref<128x128xf32, #tpu.memory_space<vmem>>) target_semaphore(%run_scoped3A : memref<!tpu.dma_semaphore, #tpu.memory_space<semaphore_mem>>)
      %dma_wait3A = arith.constant 0 : i32
      %dma_wait3A_65 = tpu.memref_slice %arg11[%add3A_44, %dma_wait3A] : memref<10240x128xf32, #tpu.memory_space<vmem_shared>> -> memref<128x128xf32, #tpu.memory_space<vmem_shared>>
      %dma_wait3A_66 = arith.constant 0 : i32
      %dma_wait3A_67 = tpu.memref_slice %arg11[%add3A_44, %dma_wait3A_66] : memref<10240x128xf32, #tpu.memory_space<vmem_shared>> -> memref<128x128xf32, #tpu.memory_space<vmem_shared>>
      tpu.wait_dma2 semaphore(%run_scoped3A : memref<!tpu.dma_semaphore, #tpu.memory_space<semaphore_mem>>) src(%dma_wait3A_67 : memref<128x128xf32, #tpu.memory_space<vmem_shared>>) dst(%arg9 : memref<128x128xf32, #tpu.memory_space<vmem>>)
      tpu.yield
    }) : () -> ()
    %mul3A_45 = arith.constant 10240 : i32
    %mul3A_46 = arith.muli %arg0, %mul3A_45 : i32
    %add3A_47 = arith.addi %mul3A_46, %add3A_44 : i32
    "tpu.region"() ({
      %run_scoped3A = tpu.sem_alloc : memref<!tpu.dma_semaphore, #tpu.memory_space<semaphore_mem>>
      %dma_start3A = arith.constant 0 : i32
      %dma_start3A_62 = tpu.memref_slice %arg6[%add3A_47, %dma_start3A] : memref<20480x128xf32, #tpu.memory_space<hbm>> -> memref<128x128xf32, #tpu.memory_space<hbm>>
      %dma_start3A_63 = arith.constant 0 : i32
      %dma_start3A_64 = tpu.memref_slice %arg6[%add3A_47, %dma_start3A_63] : memref<20480x128xf32, #tpu.memory_space<hbm>> -> memref<128x128xf32, #tpu.memory_space<hbm>>
      tpu.enqueue_dma source(%arg9 : memref<128x128xf32, #tpu.memory_space<vmem>>) target(%dma_start3A_64 : memref<128x128xf32, #tpu.memory_space<hbm>>) target_semaphore(%run_scoped3A : memref<!tpu.dma_semaphore, #tpu.memory_space<semaphore_mem>>)
      %dma_wait3A = arith.constant 0 : i32
      %dma_wait3A_65 = tpu.memref_slice %arg6[%add3A_47, %dma_wait3A] : memref<20480x128xf32, #tpu.memory_space<hbm>> -> memref<128x128xf32, #tpu.memory_space<hbm>>
      %dma_wait3A_66 = arith.constant 0 : i32
      %dma_wait3A_67 = tpu.memref_slice %arg6[%add3A_47, %dma_wait3A_66] : memref<20480x128xf32, #tpu.memory_space<hbm>> -> memref<128x128xf32, #tpu.memory_space<hbm>>
      tpu.wait_dma2 semaphore(%run_scoped3A : memref<!tpu.dma_semaphore, #tpu.memory_space<semaphore_mem>>) src(%arg9 : memref<128x128xf32, #tpu.memory_space<vmem>>) dst(%dma_wait3A_67 : memref<128x128xf32, #tpu.memory_space<hbm>>)
      tpu.yield
    }) : () -> ()
    %mul3A_48 = arith.constant 640 : i32
    %mul3A_49 = arith.muli %arg1, %mul3A_48 : i32
    %add3A_50 = arith.constant 384 : i32
    %add3A_51 = arith.addi %mul3A_49, %add3A_50 : i32
    "tpu.region"() ({
      %run_scoped3A = tpu.sem_alloc : memref<!tpu.dma_semaphore, #tpu.memory_space<semaphore_mem>>
      %dma_start3A = arith.constant 0 : i32
      %dma_start3A_62 = tpu.memref_slice %arg11[%add3A_51, %dma_start3A] : memref<10240x128xf32, #tpu.memory_space<vmem_shared>> -> memref<128x128xf32, #tpu.memory_space<vmem_shared>>
      %dma_start3A_63 = arith.constant 0 : i32
      %dma_start3A_64 = tpu.memref_slice %arg11[%add3A_51, %dma_start3A_63] : memref<10240x128xf32, #tpu.memory_space<vmem_shared>> -> memref<128x128xf32, #tpu.memory_space<vmem_shared>>
      tpu.enqueue_dma source(%dma_start3A_64 : memref<128x128xf32, #tpu.memory_space<vmem_shared>>) target(%arg9 : memref<128x128xf32, #tpu.memory_space<vmem>>) target_semaphore(%run_scoped3A : memref<!tpu.dma_semaphore, #tpu.memory_space<semaphore_mem>>)
      %dma_wait3A = arith.constant 0 : i32
      %dma_wait3A_65 = tpu.memref_slice %arg11[%add3A_51, %dma_wait3A] : memref<10240x128xf32, #tpu.memory_space<vmem_shared>> -> memref<128x128xf32, #tpu.memory_space<vmem_shared>>
      %dma_wait3A_66 = arith.constant 0 : i32
      %dma_wait3A_67 = tpu.memref_slice %arg11[%add3A_51, %dma_wait3A_66] : memref<10240x128xf32, #tpu.memory_space<vmem_shared>> -> memref<128x128xf32, #tpu.memory_space<vmem_shared>>
      tpu.wait_dma2 semaphore(%run_scoped3A : memref<!tpu.dma_semaphore, #tpu.memory_space<semaphore_mem>>) src(%dma_wait3A_67 : memref<128x128xf32, #tpu.memory_space<vmem_shared>>) dst(%arg9 : memref<128x128xf32, #tpu.memory_space<vmem>>)
      tpu.yield
    }) : () -> ()
    %mul3A_52 = arith.constant 10240 : i32
    %mul3A_53 = arith.muli %arg0, %mul3A_52 : i32
    %add3A_54 = arith.addi %mul3A_53, %add3A_51 : i32
    "tpu.region"() ({
      %run_scoped3A = tpu.sem_alloc : memref<!tpu.dma_semaphore, #tpu.memory_space<semaphore_mem>>
      %dma_start3A = arith.constant 0 : i32
      %dma_start3A_62 = tpu.memref_slice %arg6[%add3A_54, %dma_start3A] : memref<20480x128xf32, #tpu.memory_space<hbm>> -> memref<128x128xf32, #tpu.memory_space<hbm>>
      %dma_start3A_63 = arith.constant 0 : i32
      %dma_start3A_64 = tpu.memref_slice %arg6[%add3A_54, %dma_start3A_63] : memref<20480x128xf32, #tpu.memory_space<hbm>> -> memref<128x128xf32, #tpu.memory_space<hbm>>
      tpu.enqueue_dma source(%arg9 : memref<128x128xf32, #tpu.memory_space<vmem>>) target(%dma_start3A_64 : memref<128x128xf32, #tpu.memory_space<hbm>>) target_semaphore(%run_scoped3A : memref<!tpu.dma_semaphore, #tpu.memory_space<semaphore_mem>>)
      %dma_wait3A = arith.constant 0 : i32
      %dma_wait3A_65 = tpu.memref_slice %arg6[%add3A_54, %dma_wait3A] : memref<20480x128xf32, #tpu.memory_space<hbm>> -> memref<128x128xf32, #tpu.memory_space<hbm>>
      %dma_wait3A_66 = arith.constant 0 : i32
      %dma_wait3A_67 = tpu.memref_slice %arg6[%add3A_54, %dma_wait3A_66] : memref<20480x128xf32, #tpu.memory_space<hbm>> -> memref<128x128xf32, #tpu.memory_space<hbm>>
      tpu.wait_dma2 semaphore(%run_scoped3A : memref<!tpu.dma_semaphore, #tpu.memory_space<semaphore_mem>>) src(%arg9 : memref<128x128xf32, #tpu.memory_space<vmem>>) dst(%dma_wait3A_67 : memref<128x128xf32, #tpu.memory_space<hbm>>)
      tpu.yield
    }) : () -> ()
    %mul3A_55 = arith.constant 640 : i32
    %mul3A_56 = arith.muli %arg1, %mul3A_55 : i32
    %add3A_57 = arith.constant 512 : i32
    %add3A_58 = arith.addi %mul3A_56, %add3A_57 : i32
    "tpu.region"() ({
      %run_scoped3A = tpu.sem_alloc : memref<!tpu.dma_semaphore, #tpu.memory_space<semaphore_mem>>
      %dma_start3A = arith.constant 0 : i32
      %dma_start3A_62 = tpu.memref_slice %arg11[%add3A_58, %dma_start3A] : memref<10240x128xf32, #tpu.memory_space<vmem_shared>> -> memref<128x128xf32, #tpu.memory_space<vmem_shared>>
      %dma_start3A_63 = arith.constant 0 : i32
      %dma_start3A_64 = tpu.memref_slice %arg11[%add3A_58, %dma_start3A_63] : memref<10240x128xf32, #tpu.memory_space<vmem_shared>> -> memref<128x128xf32, #tpu.memory_space<vmem_shared>>
      tpu.enqueue_dma source(%dma_start3A_64 : memref<128x128xf32, #tpu.memory_space<vmem_shared>>) target(%arg9 : memref<128x128xf32, #tpu.memory_space<vmem>>) target_semaphore(%run_scoped3A : memref<!tpu.dma_semaphore, #tpu.memory_space<semaphore_mem>>)
      %dma_wait3A = arith.constant 0 : i32
      %dma_wait3A_65 = tpu.memref_slice %arg11[%add3A_58, %dma_wait3A] : memref<10240x128xf32, #tpu.memory_space<vmem_shared>> -> memref<128x128xf32, #tpu.memory_space<vmem_shared>>
      %dma_wait3A_66 = arith.constant 0 : i32
      %dma_wait3A_67 = tpu.memref_slice %arg11[%add3A_58, %dma_wait3A_66] : memref<10240x128xf32, #tpu.memory_space<vmem_shared>> -> memref<128x128xf32, #tpu.memory_space<vmem_shared>>
      tpu.wait_dma2 semaphore(%run_scoped3A : memref<!tpu.dma_semaphore, #tpu.memory_space<semaphore_mem>>) src(%dma_wait3A_67 : memref<128x128xf32, #tpu.memory_space<vmem_shared>>) dst(%arg9 : memref<128x128xf32, #tpu.memory_space<vmem>>)
      tpu.yield
    }) : () -> ()
    %mul3A_59 = arith.constant 10240 : i32
    %mul3A_60 = arith.muli %arg0, %mul3A_59 : i32
    %add3A_61 = arith.addi %mul3A_60, %add3A_58 : i32
    "tpu.region"() ({
      %run_scoped3A = tpu.sem_alloc : memref<!tpu.dma_semaphore, #tpu.memory_space<semaphore_mem>>
      %dma_start3A = arith.constant 0 : i32
      %dma_start3A_62 = tpu.memref_slice %arg6[%add3A_61, %dma_start3A] : memref<20480x128xf32, #tpu.memory_space<hbm>> -> memref<128x128xf32, #tpu.memory_space<hbm>>
      %dma_start3A_63 = arith.constant 0 : i32
      %dma_start3A_64 = tpu.memref_slice %arg6[%add3A_61, %dma_start3A_63] : memref<20480x128xf32, #tpu.memory_space<hbm>> -> memref<128x128xf32, #tpu.memory_space<hbm>>
      tpu.enqueue_dma source(%arg9 : memref<128x128xf32, #tpu.memory_space<vmem>>) target(%dma_start3A_64 : memref<128x128xf32, #tpu.memory_space<hbm>>) target_semaphore(%run_scoped3A : memref<!tpu.dma_semaphore, #tpu.memory_space<semaphore_mem>>)
      %dma_wait3A = arith.constant 0 : i32
      %dma_wait3A_65 = tpu.memref_slice %arg6[%add3A_61, %dma_wait3A] : memref<20480x128xf32, #tpu.memory_space<hbm>> -> memref<128x128xf32, #tpu.memory_space<hbm>>
      %dma_wait3A_66 = arith.constant 0 : i32
      %dma_wait3A_67 = tpu.memref_slice %arg6[%add3A_61, %dma_wait3A_66] : memref<20480x128xf32, #tpu.memory_space<hbm>> -> memref<128x128xf32, #tpu.memory_space<hbm>>
      tpu.wait_dma2 semaphore(%run_scoped3A : memref<!tpu.dma_semaphore, #tpu.memory_space<semaphore_mem>>) src(%arg9 : memref<128x128xf32, #tpu.memory_space<vmem>>) dst(%dma_wait3A_67 : memref<128x128xf32, #tpu.memory_space<hbm>>)
      tpu.yield
    }) : () -> ()
    return
  }
}

module attributes {stable_mosaic.version = 14 : i64} {
  func.func @_tc1_body(%arg0: i32, %arg1: memref<1024x128xf32, #tpu.memory_space<vmem>>, %arg2: memref<128x128xf32, #tpu.memory_space<vmem>>, %arg3: memref<2x1024x1xf32, #tpu.memory_space<vmem>>, %arg4: memref<1024x128xf32, #tpu.memory_space<vmem>>) attributes {dimension_semantics = [#tpu.dimension_semantics<arbitrary>], iteration_bounds = array<i64: 10>, scalar_prefetch = 0 : i64, scratch_operands = 0 : i64, tpu.core_type = #tpu.core_type<tc>, window_params = [{transform_indices = @transform_0, window_bounds = array<i64: 1024, 128>}, {pipeline_mode = #tpu.pipeline_mode<synchronous>, transform_indices = @transform_1, window_bounds = array<i64: 128, 128>}, {transform_indices = @transform_2, window_bounds = array<i64: 2, 1024, 1>}, {transform_indices = @transform_3, window_bounds = array<i64: 1024, 128>}]} {
    %get3A = arith.constant 0 : index
    %get3A_0 = arith.constant 0 : index
    %get3A_1 = arith.constant 0 : index
    %get3A_2 = vector.load %arg3[%get3A, %get3A_0, %get3A_1] : memref<2x1024x1xf32, #tpu.memory_space<vmem>>, vector<1x1024x1xf32>
    %get3A_3 = vector.shape_cast %get3A_2 : vector<1x1024x1xf32> to vector<1024x1xf32>
    %get3A_4 = arith.constant 1 : index
    %get3A_5 = arith.constant 0 : index
    %get3A_6 = arith.constant 0 : index
    %get3A_7 = vector.load %arg3[%get3A_4, %get3A_5, %get3A_6] : memref<2x1024x1xf32, #tpu.memory_space<vmem>>, vector<1x1024x1xf32>
    %get3A_8 = vector.shape_cast %get3A_7 : vector<1x1024x1xf32> to vector<1024x1xf32>
    %add3A = arith.addf %get3A_3, %get3A_8 : vector<1024x1xf32>
    %max3A = arith.constant 1.000000e+00 : f32
    %max3A_9 = vector.broadcast %max3A : f32 to vector<1024x1xf32>
    %max3A_10 = arith.maximumf %add3A, %max3A_9 : vector<1024x1xf32>
    %rsqrt3A = math.rsqrt %max3A_10 : vector<1024x1xf32>
    %get3A_11 = arith.constant 0 : index
    %get3A_12 = arith.constant 0 : index
    %get3A_13 = vector.load %arg1[%get3A_11, %get3A_12] : memref<1024x128xf32, #tpu.memory_space<vmem>>, vector<1024x128xf32>
    %mul3A = vector.broadcast %rsqrt3A : vector<1024x1xf32> to vector<1024x128xf32>
    %mul3A_14 = arith.mulf %get3A_13, %mul3A : vector<1024x128xf32>
    %get3A_15 = arith.constant 0 : index
    %get3A_16 = arith.constant 0 : index
    %get3A_17 = vector.load %arg2[%get3A_15, %get3A_16] : memref<128x128xf32, #tpu.memory_space<vmem>>, vector<128x128xf32>
    %dot_general3A = arith.constant dense<0.000000e+00> : vector<1024x128xf32>
    %dot_general3A_18 = tpu.matmul %mul3A_14, %get3A_17, %dot_general3A {dimension_numbers = #tpu.dot_dimension_numbers<[1], [0], [0], [1], [0, 0, 1, 1], [], []>, transpose_lhs_hint = false} : vector<1024x128xf32>, vector<128x128xf32>, vector<1024x128xf32> -> vector<1024x128xf32>
    %swap3A = arith.constant 0 : index
    %swap3A_19 = arith.constant 0 : index
    %swap3A_20 = vector.load %arg4[%swap3A, %swap3A_19] : memref<1024x128xf32, #tpu.memory_space<vmem>>, vector<1024x128xf32>
    tpu.vector_store %arg4[%swap3A, %swap3A_19], %dot_general3A_18 {strides = array<i32>} : memref<1024x128xf32, #tpu.memory_space<vmem>>, vector<1024x128xf32>,
    return
  }
  func.func @transform_0(%arg0: i32) -> (i32, i32) {
    %c0_i32 = arith.constant 0 : i32
    %c0_i32_0 = arith.constant 0 : i32
    return %arg0, %c0_i32 : i32, i32
  }
  func.func @transform_1(%arg0: i32) -> (i32, i32) {
    %c0_i32 = arith.constant 0 : i32
    %c0_i32_0 = arith.constant 0 : i32
    %c0_i32_1 = arith.constant 0 : i32
    return %c0_i32, %c0_i32_0 : i32, i32
  }
  func.func @transform_2(%arg0: i32) -> (i32, i32, i32) {
    %c0_i32 = arith.constant 0 : i32
    %c0_i32_0 = arith.constant 0 : i32
    %c0_i32_1 = arith.constant 0 : i32
    return %c0_i32, %arg0, %c0_i32_0 : i32, i32, i32
  }
  func.func @transform_3(%arg0: i32) -> (i32, i32) {
    %c0_i32 = arith.constant 0 : i32
    %c0_i32_0 = arith.constant 0 : i32
    return %arg0, %c0_i32 : i32, i32
  }
}

module attributes {stable_mosaic.version = 14 : i64} {
  func.func @_tc2_body(%arg0: i32, %arg1: memref<2x1024x128xf32, #tpu.memory_space<vmem>>, %arg2: memref<1x128xf32, #tpu.memory_space<vmem>>, %arg3: memref<2x1024x1xf32, #tpu.memory_space<vmem>>, %arg4: memref<2x1024x1xf32, #tpu.memory_space<vmem>>, %arg5: memref<1024x128xf32, #tpu.memory_space<vmem>>) attributes {dimension_semantics = [#tpu.dimension_semantics<arbitrary>], iteration_bounds = array<i64: 10>, scalar_prefetch = 0 : i64, scratch_operands = 0 : i64, tpu.core_type = #tpu.core_type<tc>, window_params = [{transform_indices = @transform_0, window_bounds = array<i64: 2, 1024, 128>}, {pipeline_mode = #tpu.pipeline_mode<synchronous>, transform_indices = @transform_1, window_bounds = array<i64: 1, 128>}, {transform_indices = @transform_2, window_bounds = array<i64: 2, 1024, 1>}, {transform_indices = @transform_3, window_bounds = array<i64: 2, 1024, 1>}, {transform_indices = @transform_4, window_bounds = array<i64: 1024, 128>}]} {
    %get3A = arith.constant 0 : index
    %get3A_0 = arith.constant 0 : index
    %get3A_1 = arith.constant 0 : index
    %get3A_2 = vector.load %arg3[%get3A, %get3A_0, %get3A_1] : memref<2x1024x1xf32, #tpu.memory_space<vmem>>, vector<1x1024x1xf32>
    %get3A_3 = vector.shape_cast %get3A_2 : vector<1x1024x1xf32> to vector<1024x1xf32>
    %get3A_4 = arith.constant 1 : index
    %get3A_5 = arith.constant 0 : index
    %get3A_6 = arith.constant 0 : index
    %get3A_7 = vector.load %arg3[%get3A_4, %get3A_5, %get3A_6] : memref<2x1024x1xf32, #tpu.memory_space<vmem>>, vector<1x1024x1xf32>
    %get3A_8 = vector.shape_cast %get3A_7 : vector<1x1024x1xf32> to vector<1024x1xf32>
    %add3A = arith.addf %get3A_3, %get3A_8 : vector<1024x1xf32>
    %max3A = arith.constant 1.000000e+00 : f32
    %max3A_9 = vector.broadcast %max3A : f32 to vector<1024x1xf32>
    %max3A_10 = arith.maximumf %add3A, %max3A_9 : vector<1024x1xf32>
    %rsqrt3A = math.rsqrt %max3A_10 : vector<1024x1xf32>
    %get3A_11 = arith.constant 0 : index
    %get3A_12 = arith.constant 0 : index
    %get3A_13 = arith.constant 0 : index
    %get3A_14 = vector.load %arg4[%get3A_11, %get3A_12, %get3A_13] : memref<2x1024x1xf32, #tpu.memory_space<vmem>>, vector<1x1024x1xf32>
    %get3A_15 = vector.shape_cast %get3A_14 : vector<1x1024x1xf32> to vector<1024x1xf32>
    %get3A_16 = arith.constant 1 : index
    %get3A_17 = arith.constant 0 : index
    %get3A_18 = arith.constant 0 : index
    %get3A_19 = vector.load %arg4[%get3A_16, %get3A_17, %get3A_18] : memref<2x1024x1xf32, #tpu.memory_space<vmem>>, vector<1x1024x1xf32>
    %get3A_20 = vector.shape_cast %get3A_19 : vector<1x1024x1xf32> to vector<1024x1xf32>
    %add3A_21 = arith.addf %get3A_15, %get3A_20 : vector<1024x1xf32>
    %max3A_22 = arith.constant 1.000000e+00 : f32
    %max3A_23 = vector.broadcast %max3A_22 : f32 to vector<1024x1xf32>
    %max3A_24 = arith.maximumf %add3A_21, %max3A_23 : vector<1024x1xf32>
    %rsqrt3A_25 = math.rsqrt %max3A_24 : vector<1024x1xf32>
    %get3A_26 = arith.constant 0 : index
    %get3A_27 = arith.constant 0 : index
    %get3A_28 = arith.constant 0 : index
    %get3A_29 = vector.load %arg1[%get3A_26, %get3A_27, %get3A_28] : memref<2x1024x128xf32, #tpu.memory_space<vmem>>, vector<1x1024x128xf32>
    %get3A_30 = vector.shape_cast %get3A_29 : vector<1x1024x128xf32> to vector<1024x128xf32>
    %get3A_31 = arith.constant 1 : index
    %get3A_32 = arith.constant 0 : index
    %get3A_33 = arith.constant 0 : index
    %get3A_34 = vector.load %arg1[%get3A_31, %get3A_32, %get3A_33] : memref<2x1024x128xf32, #tpu.memory_space<vmem>>, vector<1x1024x128xf32>
    %get3A_35 = vector.shape_cast %get3A_34 : vector<1x1024x128xf32> to vector<1024x128xf32>
    %add3A_36 = arith.addf %get3A_30, %get3A_35 : vector<1024x128xf32>
    %mul3A = vector.broadcast %rsqrt3A : vector<1024x1xf32> to vector<1024x128xf32>
    %mul3A_37 = arith.mulf %add3A_36, %mul3A : vector<1024x128xf32>
    %get3A_38 = arith.constant 0 : index
    %get3A_39 = arith.constant 0 : index
    %get3A_40 = vector.load %arg2[%get3A_38, %get3A_39] : memref<1x128xf32, #tpu.memory_space<vmem>>, vector<1x128xf32>
    %add3A_41 = vector.broadcast %get3A_40 : vector<1x128xf32> to vector<1024x128xf32>
    %add3A_42 = arith.addf %mul3A_37, %add3A_41 : vector<1024x128xf32>
    %gt3A = arith.constant 0.000000e+00 : f32
    %gt3A_43 = vector.broadcast %gt3A : f32 to vector<1024x128xf32>
    %gt3A_44 = arith.cmpf ogt, %add3A_42, %gt3A_43 : vector<1024x128xf32>
    %min3A = arith.constant 0.000000e+00 : f32
    %min3A_45 = vector.broadcast %min3A : f32 to vector<1024x128xf32>
    %min3A_46 = arith.minimumf %add3A_42, %min3A_45 : vector<1024x128xf32>
    %exp3A = math.exp %min3A_46 : vector<1024x128xf32>
    %sub3A = arith.constant 1.000000e+00 : f32
    %sub3A_47 = vector.broadcast %sub3A : f32 to vector<1024x128xf32>
    %sub3A_48 = arith.subf %exp3A, %sub3A_47 : vector<1024x128xf32>
    %select_n3A = arith.select %gt3A_44, %add3A_42, %sub3A_48 : vector<1024x128xi1>, vector<1024x128xf32>
    %mul3A_49 = vector.broadcast %rsqrt3A_25 : vector<1024x1xf32> to vector<1024x128xf32>
    %mul3A_50 = arith.mulf %select_n3A, %mul3A_49 : vector<1024x128xf32>
    %swap3A = arith.constant 0 : index
    %swap3A_51 = arith.constant 0 : index
    %swap3A_52 = vector.load %arg5[%swap3A, %swap3A_51] : memref<1024x128xf32, #tpu.memory_space<vmem>>, vector<1024x128xf32>
    tpu.vector_store %arg5[%swap3A, %swap3A_51], %mul3A_50 {strides = array<i32>} : memref<1024x128xf32, #tpu.memory_space<vmem>>, vector<1024x128xf32>,
    return
  }
  func.func @transform_0(%arg0: i32) -> (i32, i32, i32) {
    %c0_i32 = arith.constant 0 : i32
    %c0_i32_0 = arith.constant 0 : i32
    %c0_i32_1 = arith.constant 0 : i32
    return %c0_i32, %arg0, %c0_i32_0 : i32, i32, i32
  }
  func.func @transform_1(%arg0: i32) -> (i32, i32) {
    %c0_i32 = arith.constant 0 : i32
    %c0_i32_0 = arith.constant 0 : i32
    %c0_i32_1 = arith.constant 0 : i32
    return %c0_i32, %c0_i32_0 : i32, i32
  }
  func.func @transform_2(%arg0: i32) -> (i32, i32, i32) {
    %c0_i32 = arith.constant 0 : i32
    %c0_i32_0 = arith.constant 0 : i32
    %c0_i32_1 = arith.constant 0 : i32
    return %c0_i32, %arg0, %c0_i32_0 : i32, i32, i32
  }
  func.func @transform_3(%arg0: i32) -> (i32, i32, i32) {
    %c0_i32 = arith.constant 0 : i32
    %c0_i32_0 = arith.constant 0 : i32
    %c0_i32_1 = arith.constant 0 : i32
    return %c0_i32, %arg0, %c0_i32_0 : i32, i32, i32
  }
  func.func @transform_4(%arg0: i32) -> (i32, i32) {
    %c0_i32 = arith.constant 0 : i32
    %c0_i32_0 = arith.constant 0 : i32
    return %arg0, %c0_i32 : i32, i32
  }
}

module attributes {stable_mosaic.version = 14 : i64} {
  func.func @_tc3_body(%arg0: i32, %arg1: memref<2x1024x128xf32, #tpu.memory_space<vmem>>, %arg2: memref<128x200xf32, #tpu.memory_space<vmem>>, %arg3: memref<1x200xf32, #tpu.memory_space<vmem>>, %arg4: memref<200x128xf32, #tpu.memory_space<vmem>>, %arg5: memref<2x1024x1xf32, #tpu.memory_space<vmem>>, %arg6: memref<2x1024x1xf32, #tpu.memory_space<vmem>>, %arg7: memref<1024x128xf32, #tpu.memory_space<vmem>>) attributes {dimension_semantics = [#tpu.dimension_semantics<arbitrary>], iteration_bounds = array<i64: 10>, scalar_prefetch = 0 : i64, scratch_operands = 0 : i64, tpu.core_type = #tpu.core_type<tc>, window_params = [{transform_indices = @transform_0, window_bounds = array<i64: 2, 1024, 128>}, {pipeline_mode = #tpu.pipeline_mode<synchronous>, transform_indices = @transform_1, window_bounds = array<i64: 128, 200>}, {pipeline_mode = #tpu.pipeline_mode<synchronous>, transform_indices = @transform_2, window_bounds = array<i64: 1, 200>}, {pipeline_mode = #tpu.pipeline_mode<synchronous>, transform_indices = @transform_3, window_bounds = array<i64: 200, 128>}, {transform_indices = @transform_4, window_bounds = array<i64: 2, 1024, 1>}, {transform_indices = @transform_5, window_bounds = array<i64: 2, 1024, 1>}, {transform_indices = @transform_6, window_bounds = array<i64: 1024, 128>}]} {
    %get3A = arith.constant 0 : index
    %get3A_0 = arith.constant 0 : index
    %get3A_1 = arith.constant 0 : index
    %get3A_2 = vector.load %arg5[%get3A, %get3A_0, %get3A_1] : memref<2x1024x1xf32, #tpu.memory_space<vmem>>, vector<1x1024x1xf32>
    %get3A_3 = vector.shape_cast %get3A_2 : vector<1x1024x1xf32> to vector<1024x1xf32>
    %get3A_4 = arith.constant 1 : index
    %get3A_5 = arith.constant 0 : index
    %get3A_6 = arith.constant 0 : index
    %get3A_7 = vector.load %arg5[%get3A_4, %get3A_5, %get3A_6] : memref<2x1024x1xf32, #tpu.memory_space<vmem>>, vector<1x1024x1xf32>
    %get3A_8 = vector.shape_cast %get3A_7 : vector<1x1024x1xf32> to vector<1024x1xf32>
    %add3A = arith.addf %get3A_3, %get3A_8 : vector<1024x1xf32>
    %max3A = arith.constant 1.000000e+00 : f32
    %max3A_9 = vector.broadcast %max3A : f32 to vector<1024x1xf32>
    %max3A_10 = arith.maximumf %add3A, %max3A_9 : vector<1024x1xf32>
    %rsqrt3A = math.rsqrt %max3A_10 : vector<1024x1xf32>
    %get3A_11 = arith.constant 0 : index
    %get3A_12 = arith.constant 0 : index
    %get3A_13 = arith.constant 0 : index
    %get3A_14 = vector.load %arg6[%get3A_11, %get3A_12, %get3A_13] : memref<2x1024x1xf32, #tpu.memory_space<vmem>>, vector<1x1024x1xf32>
    %get3A_15 = vector.shape_cast %get3A_14 : vector<1x1024x1xf32> to vector<1024x1xf32>
    %get3A_16 = arith.constant 1 : index
    %get3A_17 = arith.constant 0 : index
    %get3A_18 = arith.constant 0 : index
    %get3A_19 = vector.load %arg6[%get3A_16, %get3A_17, %get3A_18] : memref<2x1024x1xf32, #tpu.memory_space<vmem>>, vector<1x1024x1xf32>
    %get3A_20 = vector.shape_cast %get3A_19 : vector<1x1024x1xf32> to vector<1024x1xf32>
    %add3A_21 = arith.addf %get3A_15, %get3A_20 : vector<1024x1xf32>
    %max3A_22 = arith.constant 1.000000e+00 : f32
    %max3A_23 = vector.broadcast %max3A_22 : f32 to vector<1024x1xf32>
    %max3A_24 = arith.maximumf %add3A_21, %max3A_23 : vector<1024x1xf32>
    %rsqrt3A_25 = math.rsqrt %max3A_24 : vector<1024x1xf32>
    %get3A_26 = arith.constant 0 : index
    %get3A_27 = arith.constant 0 : index
    %get3A_28 = arith.constant 0 : index
    %get3A_29 = vector.load %arg1[%get3A_26, %get3A_27, %get3A_28] : memref<2x1024x128xf32, #tpu.memory_space<vmem>>, vector<1x1024x128xf32>
    %get3A_30 = vector.shape_cast %get3A_29 : vector<1x1024x128xf32> to vector<1024x128xf32>
    %get3A_31 = arith.constant 1 : index
    %get3A_32 = arith.constant 0 : index
    %get3A_33 = arith.constant 0 : index
    %get3A_34 = vector.load %arg1[%get3A_31, %get3A_32, %get3A_33] : memref<2x1024x128xf32, #tpu.memory_space<vmem>>, vector<1x1024x128xf32>
    %get3A_35 = vector.shape_cast %get3A_34 : vector<1x1024x128xf32> to vector<1024x128xf32>
    %add3A_36 = arith.addf %get3A_30, %get3A_35 : vector<1024x128xf32>
    %mul3A = vector.broadcast %rsqrt3A : vector<1024x1xf32> to vector<1024x128xf32>
    %mul3A_37 = arith.mulf %add3A_36, %mul3A : vector<1024x128xf32>
    %get3A_38 = arith.constant 0 : index
    %get3A_39 = arith.constant 0 : index
    %get3A_40 = vector.load %arg2[%get3A_38, %get3A_39] : memref<128x200xf32, #tpu.memory_space<vmem>>, vector<128x200xf32>
    %dot_general3A = arith.constant dense<0.000000e+00> : vector<1024x200xf32>
    %dot_general3A_41 = tpu.matmul %mul3A_37, %get3A_40, %dot_general3A {dimension_numbers = #tpu.dot_dimension_numbers<[1], [0], [0], [1], [0, 0, 1, 1], [], []>, transpose_lhs_hint = false} : vector<1024x128xf32>, vector<128x200xf32>, vector<1024x200xf32> -> vector<1024x200xf32>
    %get3A_42 = arith.constant 0 : index
    %get3A_43 = arith.constant 0 : index
    %get3A_44 = vector.load %arg3[%get3A_42, %get3A_43] : memref<1x200xf32, #tpu.memory_space<vmem>>, vector<1x200xf32>
    %add3A_45 = vector.broadcast %get3A_44 : vector<1x200xf32> to vector<1024x200xf32>
    %add3A_46 = arith.addf %dot_general3A_41, %add3A_45 : vector<1024x200xf32>
    %gt3A = arith.constant 0.000000e+00 : f32
    %gt3A_47 = vector.broadcast %gt3A : f32 to vector<1024x200xf32>
    %gt3A_48 = arith.cmpf ogt, %add3A_46, %gt3A_47 : vector<1024x200xf32>
    %min3A = arith.constant 0.000000e+00 : f32
    %min3A_49 = vector.broadcast %min3A : f32 to vector<1024x200xf32>
    %min3A_50 = arith.minimumf %add3A_46, %min3A_49 : vector<1024x200xf32>
    %exp3A = math.exp %min3A_50 : vector<1024x200xf32>
    %sub3A = arith.constant 1.000000e+00 : f32
    %sub3A_51 = vector.broadcast %sub3A : f32 to vector<1024x200xf32>
    %sub3A_52 = arith.subf %exp3A, %sub3A_51 : vector<1024x200xf32>
    %select_n3A = arith.select %gt3A_48, %add3A_46, %sub3A_52 : vector<1024x200xi1>, vector<1024x200xf32>
    %mul3A_53 = vector.broadcast %rsqrt3A_25 : vector<1024x1xf32> to vector<1024x200xf32>
    %mul3A_54 = arith.mulf %select_n3A, %mul3A_53 : vector<1024x200xf32>
    %get3A_55 = arith.constant 0 : index
    %get3A_56 = arith.constant 0 : index
    %get3A_57 = vector.load %arg4[%get3A_55, %get3A_56] : memref<200x128xf32, #tpu.memory_space<vmem>>, vector<200x128xf32>
    %dot_general3A_58 = arith.constant dense<0.000000e+00> : vector<1024x128xf32>
    %dot_general3A_59 = tpu.matmul %mul3A_54, %get3A_57, %dot_general3A_58 {dimension_numbers = #tpu.dot_dimension_numbers<[1], [0], [0], [1], [0, 0, 1, 1], [], []>, transpose_lhs_hint = false} : vector<1024x200xf32>, vector<200x128xf32>, vector<1024x128xf32> -> vector<1024x128xf32>
    %swap3A = arith.constant 0 : index
    %swap3A_60 = arith.constant 0 : index
    %swap3A_61 = vector.load %arg7[%swap3A, %swap3A_60] : memref<1024x128xf32, #tpu.memory_space<vmem>>, vector<1024x128xf32>
    tpu.vector_store %arg7[%swap3A, %swap3A_60], %dot_general3A_59 {strides = array<i32>} : memref<1024x128xf32, #tpu.memory_space<vmem>>, vector<1024x128xf32>,
    return
  }
  func.func @transform_0(%arg0: i32) -> (i32, i32, i32) {
    %c0_i32 = arith.constant 0 : i32
    %c0_i32_0 = arith.constant 0 : i32
    %c0_i32_1 = arith.constant 0 : i32
    return %c0_i32, %arg0, %c0_i32_0 : i32, i32, i32
  }
  func.func @transform_1(%arg0: i32) -> (i32, i32) {
    %c0_i32 = arith.constant 0 : i32
    %c0_i32_0 = arith.constant 0 : i32
    %c0_i32_1 = arith.constant 0 : i32
    return %c0_i32, %c0_i32_0 : i32, i32
  }
  func.func @transform_2(%arg0: i32) -> (i32, i32) {
    %c0_i32 = arith.constant 0 : i32
    %c0_i32_0 = arith.constant 0 : i32
    %c0_i32_1 = arith.constant 0 : i32
    return %c0_i32, %c0_i32_0 : i32, i32
  }
  func.func @transform_3(%arg0: i32) -> (i32, i32) {
    %c0_i32 = arith.constant 0 : i32
    %c0_i32_0 = arith.constant 0 : i32
    %c0_i32_1 = arith.constant 0 : i32
    return %c0_i32, %c0_i32_0 : i32, i32
  }
  func.func @transform_4(%arg0: i32) -> (i32, i32, i32) {
    %c0_i32 = arith.constant 0 : i32
    %c0_i32_0 = arith.constant 0 : i32
    %c0_i32_1 = arith.constant 0 : i32
    return %c0_i32, %arg0, %c0_i32_0 : i32, i32, i32
  }
  func.func @transform_5(%arg0: i32) -> (i32, i32, i32) {
    %c0_i32 = arith.constant 0 : i32
    %c0_i32_0 = arith.constant 0 : i32
    %c0_i32_1 = arith.constant 0 : i32
    return %c0_i32, %arg0, %c0_i32_0 : i32, i32, i32
  }
  func.func @transform_6(%arg0: i32) -> (i32, i32) {
    %c0_i32 = arith.constant 0 : i32
    %c0_i32_0 = arith.constant 0 : i32
    return %arg0, %c0_i32 : i32, i32
  }
}

module attributes {stable_mosaic.version = 14 : i64} {
  func.func @_tc4_body(%arg0: i32, %arg1: memref<2x1024x128xf32, #tpu.memory_space<vmem>>, %arg2: memref<1x128xf32, #tpu.memory_space<vmem>>, %arg3: memref<2x1024x1xf32, #tpu.memory_space<vmem>>, %arg4: memref<1024x128xf32, #tpu.memory_space<vmem>>) attributes {dimension_semantics = [#tpu.dimension_semantics<arbitrary>], iteration_bounds = array<i64: 10>, scalar_prefetch = 0 : i64, scratch_operands = 0 : i64, tpu.core_type = #tpu.core_type<tc>, window_params = [{transform_indices = @transform_0, window_bounds = array<i64: 2, 1024, 128>}, {pipeline_mode = #tpu.pipeline_mode<synchronous>, transform_indices = @transform_1, window_bounds = array<i64: 1, 128>}, {transform_indices = @transform_2, window_bounds = array<i64: 2, 1024, 1>}, {transform_indices = @transform_3, window_bounds = array<i64: 1024, 128>}]} {
    %get3A = arith.constant 0 : index
    %get3A_0 = arith.constant 0 : index
    %get3A_1 = arith.constant 0 : index
    %get3A_2 = vector.load %arg3[%get3A, %get3A_0, %get3A_1] : memref<2x1024x1xf32, #tpu.memory_space<vmem>>, vector<1x1024x1xf32>
    %get3A_3 = vector.shape_cast %get3A_2 : vector<1x1024x1xf32> to vector<1024x1xf32>
    %get3A_4 = arith.constant 1 : index
    %get3A_5 = arith.constant 0 : index
    %get3A_6 = arith.constant 0 : index
    %get3A_7 = vector.load %arg3[%get3A_4, %get3A_5, %get3A_6] : memref<2x1024x1xf32, #tpu.memory_space<vmem>>, vector<1x1024x1xf32>
    %get3A_8 = vector.shape_cast %get3A_7 : vector<1x1024x1xf32> to vector<1024x1xf32>
    %add3A = arith.addf %get3A_3, %get3A_8 : vector<1024x1xf32>
    %max3A = arith.constant 1.000000e+00 : f32
    %max3A_9 = vector.broadcast %max3A : f32 to vector<1024x1xf32>
    %max3A_10 = arith.maximumf %add3A, %max3A_9 : vector<1024x1xf32>
    %rsqrt3A = math.rsqrt %max3A_10 : vector<1024x1xf32>
    %get3A_11 = arith.constant 0 : index
    %get3A_12 = arith.constant 0 : index
    %get3A_13 = arith.constant 0 : index
    %get3A_14 = vector.load %arg1[%get3A_11, %get3A_12, %get3A_13] : memref<2x1024x128xf32, #tpu.memory_space<vmem>>, vector<1x1024x128xf32>
    %get3A_15 = vector.shape_cast %get3A_14 : vector<1x1024x128xf32> to vector<1024x128xf32>
    %get3A_16 = arith.constant 1 : index
    %get3A_17 = arith.constant 0 : index
    %get3A_18 = arith.constant 0 : index
    %get3A_19 = vector.load %arg1[%get3A_16, %get3A_17, %get3A_18] : memref<2x1024x128xf32, #tpu.memory_space<vmem>>, vector<1x1024x128xf32>
    %get3A_20 = vector.shape_cast %get3A_19 : vector<1x1024x128xf32> to vector<1024x128xf32>
    %add3A_21 = arith.addf %get3A_15, %get3A_20 : vector<1024x128xf32>
    %mul3A = vector.broadcast %rsqrt3A : vector<1024x1xf32> to vector<1024x128xf32>
    %mul3A_22 = arith.mulf %add3A_21, %mul3A : vector<1024x128xf32>
    %get3A_23 = arith.constant 0 : index
    %get3A_24 = arith.constant 0 : index
    %get3A_25 = vector.load %arg2[%get3A_23, %get3A_24] : memref<1x128xf32, #tpu.memory_space<vmem>>, vector<1x128xf32>
    %add3A_26 = vector.broadcast %get3A_25 : vector<1x128xf32> to vector<1024x128xf32>
    %add3A_27 = arith.addf %mul3A_22, %add3A_26 : vector<1024x128xf32>
    %neg3A = arith.constant 0.000000e+00 : f32
    %neg3A_28 = vector.broadcast %neg3A : f32 to vector<1024x128xf32>
    %neg3A_29 = arith.subf %neg3A_28, %add3A_27 : vector<1024x128xf32>
    %exp3A = math.exp %neg3A_29 : vector<1024x128xf32>
    %add3A_30 = arith.constant 1.000000e+00 : f32
    %add3A_31 = vector.broadcast %add3A_30 : f32 to vector<1024x128xf32>
    %add3A_32 = arith.addf %add3A_31, %exp3A : vector<1024x128xf32>
    %div3A = arith.constant 1.000000e+00 : f32
    %div3A_33 = vector.broadcast %div3A : f32 to vector<1024x128xf32>
    %div3A_34 = arith.divf %div3A_33, %add3A_32 : vector<1024x128xf32>
    %swap3A = arith.constant 0 : index
    %swap3A_35 = arith.constant 0 : index
    %swap3A_36 = vector.load %arg4[%swap3A, %swap3A_35] : memref<1024x128xf32, #tpu.memory_space<vmem>>, vector<1024x128xf32>
    tpu.vector_store %arg4[%swap3A, %swap3A_35], %div3A_34 {strides = array<i32>} : memref<1024x128xf32, #tpu.memory_space<vmem>>, vector<1024x128xf32>,
    return
  }
  func.func @transform_0(%arg0: i32) -> (i32, i32, i32) {
    %c0_i32 = arith.constant 0 : i32
    %c0_i32_0 = arith.constant 0 : i32
    %c0_i32_1 = arith.constant 0 : i32
    return %c0_i32, %arg0, %c0_i32_0 : i32, i32, i32
  }
  func.func @transform_1(%arg0: i32) -> (i32, i32) {
    %c0_i32 = arith.constant 0 : i32
    %c0_i32_0 = arith.constant 0 : i32
    %c0_i32_1 = arith.constant 0 : i32
    return %c0_i32, %c0_i32_0 : i32, i32
  }
  func.func @transform_2(%arg0: i32) -> (i32, i32, i32) {
    %c0_i32 = arith.constant 0 : i32
    %c0_i32_0 = arith.constant 0 : i32
    %c0_i32_1 = arith.constant 0 : i32
    return %c0_i32, %arg0, %c0_i32_0 : i32, i32, i32
  }
  func.func @transform_3(%arg0: i32) -> (i32, i32) {
    %c0_i32 = arith.constant 0 : i32
    %c0_i32_0 = arith.constant 0 : i32
    return %arg0, %c0_i32 : i32, i32
  }
}

</mosaic_0001>

<sc_bundles>
// kernel: kernel.10.cloned.1.call-start
scs
__scs_entry_jumppad:
0x0: {  	(pc) =	sbr.rel $0x88, $3  }
0x1: {  	(tag) =	ssettag $0x0;
	lr =	simm.s32 $0x1  }
0x2: {  	[smem:$0x3F99] =	sst lr;
	_ =	strace $0xD0000000  }
0x3: {  	_ = 	snop  }
0x4: {  	_ = 	snop  }
0x5: {  	_ = 	snop  }
0x6: {  	_ = 	snop  }
0x7: {  	_ = 	snop  }
__scs_overlays_trampoline_lowered:
0x8: {  	[smem:$0x3FA8] =	sst s0  }
0x9: {  	[smem:$0x3FA9] =	sst s1  }
0xa: {  	[smem:$0x3FAA] =	sst s2  }
0xb: {  	[smem:$0x3FAB] =	sst s3  }
0xc: {  	[smem:$0x3FAC] =	sst s4  }
0xd: {  	[smem:$0x3FAD] =	sst s5  }
0xe: {  	[smem:$0x3FAE] =	sst s6  }
0xf: {  	[smem:$0x3FAF] =	sst s7  }
0x10: {  	[smem:$0x3FB0] =	sst s8  }
0x11: {  	[smem:$0x3FB1] =	sst s9;
	s0 =	simm.s32 @!p0 $0x0  }
0x12: {  	s1 =	sld [smem:$0x3F97];
	s0 =	simm.s32 @p0 $0x1  }
0x13: {  	[smem:$0x3FB2] =	sst s0;
	s0 =	simm.s32 @!p1 $0x0  }
0x14: {  	s2 =	sld [smem:$0x3F96];
	s0 =	simm.s32 @p1 $0x1  }
0x15: {  	[smem:$0x3FB3] =	sst s0;
	s0 =	simm.s32 @!p2 $0x0  }
0x16: {  	s3 =	sld [smem:$0x3FDB];
	s0 =	simm.s32 @p2 $0x1  }
0x17: {  	s4 =	simm.s32 $0x1BF5;
	[smem:$0x3FB5] =	sst s0  }
0x18: {  	s0 =	sld [smem:$0x3F98];
	_ =	swait.ge [sflag:s4], $0x0  }
0x19: {  	s7 =	sld [smem:$0x3F99]  }
0x1a: {  	s8 =	sadd.s32 $0xFFFFE003, lr  }
0x1b: {  	s9 =	sadd.s32 $0xFFFFFEF7, lr;
	s5 =	simm.s32 $0xFFFFFFFF;
	p2 =	slt.u32 s8, $0xFFFFF086  }
0x1c: {  	p1 =	slt.u32 s9, $0xF7A;
	s5 =	simm.s32 @!p2 $0x0  }
0x1d: {  	s5 =	simm.s32 @p1 $0x1;
	p0 =	seq.s32 s7, s2  }
0x1e: {  	s7 =	smul.u32 @!p0 $0xF7A, s2;
	p2 =	seq.s32 @!p0 s5, $0x0  }
0x1f: {  	s9 =	smul.u32 $0xF7A, s1;
	s8 =	simm.s32 @!p0 $0x1BF5;
	p2 =	por !p2, p0  }
0x20: {  	[sflag:s8] =	ssyncset.s32 @!p0 $0xFFFFF086;
	s6 =	sadd.s32 @!p0 s3, s7;
	s7 =	simm.s32 @!p0 $0x108  }
0x21: {  	s3 =	sadd.s32 s3, s9;
	s6 =	sadd.s32 @!p0 $0x88, s6;
	s7 =	simm.s32 @p2 $0x1082  }
0x22: {  	[simem:s7], [sflag:s8] =	dma.local @!p0 [hbm:s6], $0xF7A  }
0x23: {  	s9 =	sor.u32 $0xD0000000, s2;
	s6 =	simm.s32 $0x108;
	_ =	swait.ge @!p0 [sflag:s8], $0x0  }
0x24: {  	s3 =	sadd.s32 $0x88, s3;
	s6 =	simm.s32 @!p1 $0x1082;
	[sflag:s4] =	ssyncset.s32 $0xFFFFF086  }
0x25: {  	[simem:s6], [sflag:s4] =	dma.local [hbm:s3], $0xF7A  }
0x26: {  	[smem:$0x3F99] =	sst s1;
	(tag) =	ssettag s2;
	_ =	strace s9  }
0x27: {  	s1 =	sld [smem:$0x3FA9]  }
0x28: {  	s2 =	sld [smem:$0x3FAA]  }
0x29: {  	s4 =	sld [smem:$0x3FAC]  }
0x2a: {  	p0 =	seq.s32 s5, $0x0;
	s5 =	sld [smem:$0x3FAD]  }
0x2b: {  	s6 =	sld [smem:$0x3FAE]  }
0x2c: {  	s7 =	sld [smem:$0x3FAF]  }
0x2d: {  	s3 =	simm.s32 $0x108;
	s8 =	sld [smem:$0x3FB0]  }
0x2e: {  	s3 =	simm.s32 @!p0 $0x1082;
	s9 =	sld [smem:$0x3FB1]  }
0x2f: {  	lr =	sadd.s32 s0, s3;
	s0 =	sld [smem:$0x3FA8]  }
0x30: {  	s3 =	sld [smem:$0x3FAB]  }
0x31: {  	[smem:$0x3FB4] =	sst s10  }
0x32: {  	s10 =	sld [smem:$0x3FB2];
	_ =	sdelay $0x3  }
0x33: {  	p0 =	seq.s32 s10, $0x1;
	s10 =	sld [smem:$0x3FB4];
	_ =	sdelay $0x3  }
0x34: {  	[smem:$0x3FB4] =	sst s10  }
0x35: {  	s10 =	sld [smem:$0x3FB3];
	_ =	sdelay $0x3  }
0x36: {  	p1 =	seq.s32 s10, $0x1;
	s10 =	sld [smem:$0x3FB4];
	_ =	sdelay $0x3  }
0x37: {  	[smem:$0x3FB4] =	sst s10  }
0x38: {  	s10 =	sld [smem:$0x3FB5]  }
0x39: {  	_ = 	snop;
	(pc) =	sbr.ind lr, $3  }
0x3a: {  	_ = 	snop  }
0x3b: {  	_ = 	snop  }
0x3c: {  	p2 =	seq.s32 s10, $0x1;
	s10 =	sld [smem:$0x3FB4]  }
0x3d: {  	_ =	shalt  }
0x3e: {  	_ =	shalt  }
0x3f: {  	_ =	shalt  }
0x40: {  	_ =	shalt  }
0x41: {  	_ =	shalt  }
0x42: {  	_ =	shalt  }
0x43: {  	_ =	shalt  }
0x44: {  	_ =	shalt  }
0x45: {  	_ =	shalt  }
0x46: {  	_ =	shalt  }
0x47: {  	_ =	shalt  }
0x48: {  	_ =	shalt  }
0x49: {  	_ =	shalt  }
0x4a: {  	_ =	shalt  }
0x4b: {  	_ =	shalt  }
0x4c: {  	_ =	shalt  }
0x4d: {  	_ =	shalt  }
0x4e: {  	_ =	shalt  }
0x4f: {  	_ =	shalt  }
0x50: {  	_ =	shalt  }
0x51: {  	_ =	shalt  }
0x52: {  	_ =	shalt  }
0x53: {  	_ =	shalt  }
0x54: {  	_ =	shalt  }
0x55: {  	_ =	shalt  }
0x56: {  	_ =	shalt  }
0x57: {  	_ =	shalt  }
0x58: {  	_ =	shalt  }
0x59: {  	_ =	shalt  }
0x5a: {  	_ =	shalt  }
0x5b: {  	_ =	shalt  }
0x5c: {  	_ =	shalt  }
0x5d: {  	_ =	shalt  }
0x5e: {  	_ =	shalt  }
0x5f: {  	_ =	shalt  }
0x60: {  	_ =	shalt  }
0x61: {  	_ =	shalt  }
0x62: {  	_ =	shalt  }
0x63: {  	_ =	shalt  }
0x64: {  	_ =	shalt  }
0x65: {  	_ =	shalt  }
0x66: {  	_ =	shalt  }
0x67: {  	_ =	shalt  }
0x68: {  	_ =	shalt  }
0x69: {  	_ =	shalt  }
0x6a: {  	_ =	shalt  }
0x6b: {  	_ =	shalt  }
0x6c: {  	_ =	shalt  }
0x6d: {  	_ =	shalt  }
0x6e: {  	_ =	shalt  }
0x6f: {  	_ =	shalt  }
0x70: {  	_ =	shalt  }
0x71: {  	_ =	shalt  }
0x72: {  	_ =	shalt  }
0x73: {  	_ =	shalt  }
0x74: {  	_ =	shalt  }
0x75: {  	_ =	shalt  }
0x76: {  	_ =	shalt  }
0x77: {  	_ =	shalt  }
0x78: {  	_ =	shalt  }
0x79: {  	_ =	shalt  }
0x7a: {  	_ =	shalt  }
0x7b: {  	_ =	shalt  }
0x7c: {  	_ =	shalt  }
0x7d: {  	_ =	shalt  }
0x7e: {  	_ =	shalt  }
0x7f: {  	_ =	shalt  }
0x80: {  	_ =	shalt  }
0x81: {  	_ =	shalt  }
0x82: {  	_ =	shalt  }
0x83: {  	_ =	shalt  }
0x84: {  	_ =	shalt  }
0x85: {  	_ =	shalt  }
0x86: {  	_ =	shalt  }
0x87: {  	_ =	shalt  }
.Lfunc_end0:
.L_simem_size_0:
called_computation_lowered:
.L_overlay_start_0:
0x88: {  	s2 =	sld [smem:$0x3FD9]  }
0x89: {  	s3 =	sld [smem:$0x3FFE];
	_ =	sdelay $0x1  }
0x8a: {  	s1 =	srdreg.scid  }
0x8b: {  	s0 =	sand.u32 $0x1, s1  }
0x8c: {  	s17 =	sshll.u32 s0, $0xA;
	s2 =	sadd.s32 s3, s2  }
0x8d: {  	s2 =	sadd.s32 s2, s17  }
0x8e: {  	[smem:$0x3FC0] =	sst s2  }
0x8f: {  	_ = 	snop  }
0x90: {  	s2 =	sld [smem:$0x3FD0];
	(tm) =	ssettm $0x1  }
0x91: {  	s18 =	sld [smem:$0x3FFB];
	_ =	sdelay $0x3  }
0x92: {  	_ =	strace s18  }
0x93: {  	s3 =	sld [smem:$0x3FFC];
	_ =	sdelay $0x3  }
0x94: {  	_ =	strace s3  }
0x95: {  	s3 =	sld [smem:$0x3FFD];
	_ =	sdelay $0x3  }
0x96: {  	_ =	strace s3  }
0x97: {  	_ =	strace $0x8FFFFFFF  }
0x98: {  	s19 =	sld [smem:$0x3FDB];
	_ =	sdelay $0x1  }
0x99: {  	s4 =	simm.s32 $_scs_section_size  }
0x9a: {  	s5 =	simm.s32 $_size__tile_overlayer_lowered;
	s6 =	simm.s32 $_tile_overlayer_lowered  }
0x9b: {  	s22 =	simm.s32 $0x1BFF;
	s21 =	sshll.u32 s6, $0x1;
	s3 =	sadd.s32 s4, s19  }
0x9c: {  	s7 =	simm.s32 $0x0;
	s20 =	sshll.u32 s5, $0x1;
	s5 =	sadd.s32 s21, s3  }
0x9d: {  	[timem:s7], [sflag:s22] =	dma.local [hbm:s5], s20  }
0x9e: {  	_ =	swait.ge [sflag:s22], s20  }
0x9f: {  	s4 =	ssub.s32 $0x0, s20;
	[sflag:s22] =	ssyncset.done $0x0  }
0xa0: {  	[sflag:s22] =	ssyncadd.s32 s4;
	_ =	sdelay $0x1  }
0xa1: {  	s23 =	simm.s32 $0x1B8B  }
0xa2: {  	_ =	swait.ge [sflag:s23], $0x1  }
0xa3: {  	[sflag:s23] =	ssyncset.done $0x0  }
0xa4: {  	s25 =	simm.s32 $0x1B8E;
	s24 =	sld [smem:$0x3FFE];
	[sflag:s23] =	ssyncadd.s32 $0xFFFFFFFF  }
0xa5: {  	s26 =	simm.s32 $execute0_lowered;
	[smem:$0x3FD2] =	sst s25  }
0xa6: {  	s5 =	sshll.u32 s26, $0x1;
	_ =	strace $0x80000046;
	[dreg:$0x1] =	wrdreg $0xFFFFFFFF  }
0xa7: {  	s28 =	simm.s32 $_size_execute0_lowered;
	s3 =	sadd.s32 s3, s5;
	[dreg:$0x0] =	wrdreg $0x0  }
0xa8: {  	s5 =	sshll.u32 s28, $0x1;
	[dreg:$0x2] =	wrdreg s3  }
0xa9: {  	[dreg:$0x3] =	wrdreg s5  }
0xaa: {  	[dreg:$0x4] =	wrdreg $0xC0  }
0xab: {  	_ =	task [dreg:s7], $0x5FFFF  }
0xac: {  	[dreg:$0x1] =	wrdreg $0xFFFFFFFF  }
0xad: {  	[dreg:$0x0] =	wrdreg $0x60  }
0xae: {  	[dreg:$0x2] =	wrdreg s24  }
0xaf: {  	[dreg:$0x3] =	wrdreg s2  }
0xb0: {  	[dreg:$0x4] =	wrdreg $0x53000  }
0xb1: {  	[dreg:$0x5] =	wrdreg $0x55800  }
0xb2: {  	[dreg:$0x6] =	wrdreg $0x9  }
0xb3: {  	_ =	task.clear_ibuf [dreg:s7], $0x7FFFF;
	_ =	strace $0x90000046  }
0xb4: {  	s29 =	simm.s32 $0x9;
	_ =	strace $0x80000048  }
0xb5: {  	_ =	swait.ge [sflag:s29], $0x1  }
0xb6: {  	[sflag:s29] =	ssyncadd.s32 $0xFFFFFFFF  }
0xb7: {  	_ =	strace $0x90000048  }
0xb8: {  	_ =	sfence  }
0xb9: {  	s30 =	sld [smem:$0x0];
	_ =	sdelay $0x2  }
0xba: {  	s31 =	sshll.u32 s1, $0xD;
	s1 =	sshrl.u32 s1, $0x2  }
0xbb: {  	s3 =	sand.u32 $0x4000, s31;
	s1 =	sadd.s32 s1, s30  }
0xbc: {  	s0 =	sor.u32 s3, s0;
	s1 =	sshll.u32 s1, $0x11  }
0xbd: {  	s0 =	sor.u32 s1, s0  }
0xbe: {  	s0 =	sadd.s32 $0x8F2B, s0  }
0xbf: {  	[sflag:s0] =	ssyncadd.remote.s32 $0x1  }
0xc0: {  	_ =	sfence.sel $0xFFFF  }
0xc1: {  	[dreg:$0x0] =	wrdreg $0xFFFFFFFF;
	(pc) =	sbr.abs _section_cstart, $3  }
0xc2: {  	[dreg:$0x1] =	wrdreg $0xFFFFFFFF  }
0xc3: {  	_ =	task.clear_ibuf [dreg:s7], $0x2FFFF;
	_ =	strace $0x9FFFFFFF  }
0xc4: {  	(tm) =	ssettm $0x7FFFFFFF  }
0xc5: {  	_ =	shalt  }
tec
execute0_lowered:
.L_overlay_start_1:
0x0: {  	(tag) =	ssettag $0x1  }
0x1: {  	s7 =	rddreg [dreg:$0x0]  }
0x2: {  	s10 =	rddreg [dreg:$0x1]  }
0x3: {  	s2 =	rddreg [dreg:$0x2]  }
0x4: {  	s0 =	srdreg.scid;
	s3 =	rddreg [dreg:$0x3]  }
0x5: {  	s4 =	simm.s32 $0x0;
	s16 =	simm.s32 $0x5080;
	s17 =	simm.s32 $0x2800  }
0x6: {  	s18 =	simm.s32 $0x80;
	s6 =	sand.u32 $0x1, s0;
	s0 =	stileid.u32  }
0x7: {  	s19 =	simm.s32 $0x0;
	[smem:$0x7FF] =	sst s4;
	s8 =	smul.u32 $0x280, s0  }
0x8: {  	s5 =	sadd.s32 $0xD400, s7;
	s1 =	sshll.u32 s6, $0x4;
	s9 =	smul.u32 $0x2800, s6  }
0x9: {  	s13 =	ssub.s32 $0x2, s6;
	s6 =	sadd.s32 $0xD200, s7;
	s1 =	sor.u32 s0, s1  }
0xa: {  	s14 =	sshrl.u32 s13, $0x1;
	s11 =	smul.u32 $0x500, s1;
	s1 =	rddreg [dreg:$0x4]  }
0xb: {  	_ =	strace $0x80000047;
	s9 =	sadd.s32 s8, s9;
	s13 =	ssub.s32 s13, s14  }
0xc: {  	s14 =	simm.s32 $0x5000;
	s9 =	sshrl.u32 s9, $0x3;
	s13 =	smax.u32 s13, $0x1  }
0xd: {  	s12 =	sadd.s32 s11, s7;
	s15 =	sadd.s32 s9, s7;
	s7 =	sadd.s32 s8, s2  }
0xe: {  	s8 =	sadd.s32 s8, s3;
	s10 =	sadd.s32 s10, s11;
	s9 =	sadd.s32 $0x3200, s12  }
0xf: {  	s11 =	sadd.s32 $0xD600, s15;
	s12 =	sadd.s32 $0xE000, s15;
	s15 =	simm.s32 $0x1  }
.LBB2_1:
0x10: {  	[tilespmem:s14], [sflag:$0x1] =	stream.linear.gather [hbm4b:s5+s4], $0x80, $0x38;
	[tilespmem:$0x5800] =	vst v63  }
0x11: {  	_ =	swait.ge [sflag:s15], $0x80  }
0x12: {  	[sflag:s15] =	ssyncset.done $0x0  }
0x13: {  	[sflag:s15] =	ssyncadd.s32 $0xFFFFFF80  }
0x14: {  	[tilespmem:s16], [sflag:$0x1] =	stream.linear.gather [hbm4b:s6+s4], $0x280, $0x38;
	[tilespmem:$0x5800] =	vst v63  }
0x15: {  	_ =	swait.ge [sflag:s15], $0x280  }
0x16: {  	[sflag:s15] =	ssyncset.done $0x0  }
0x17: {  	[sflag:s15] =	ssyncadd.s32 $0xFFFFFD80  }
0x18: {  	[spmem:s7] =	stream.linear.scatter [tilespmem:s16], [sflag:$0x1], $0x280, $0x38;
	[tilespmem:$0x5800] =	vst v63  }
0x19: {  	_ =	swait.ge [sflag:s15], $0x280  }
0x1a: {  	[sflag:s15] =	ssyncset.done $0x0  }
0x1b: {  	[sflag:s15] =	ssyncadd.s32 $0xFFFFFD80  }
0x1c: {  	[spmem:s8] =	stream.linear.scatter [tilespmem:s16], [sflag:$0x1], $0x280, $0x38;
	[tilespmem:$0x5800] =	vst v63  }
0x1d: {  	_ =	swait.ge [sflag:s15], $0x280  }
0x1e: {  	[sflag:s15] =	ssyncset.done $0x0  }
0x1f: {  	[sflag:s15] =	ssyncadd.s32 $0xFFFFFD80  }
0x20: {  	[tilespmem:s4], [sflag:$0x1] =	stream.linear.gather [hbm4b:s9+s4], $0x2800, $0x38;
	[tilespmem:$0x5800] =	vst v63  }
0x21: {  	_ =	swait.ge [sflag:s15], $0x2800  }
0x22: {  	[sflag:s15] =	ssyncset.done $0x0  }
0x23: {  	[sflag:s15] =	ssyncadd.s32 $0xFFFFD800  }
0x24: {  	[tilespmem:s17], [sflag:$0x1] =	stream.linear.gather [hbm4b:s10+s4], $0x2800, $0x38;
	[tilespmem:$0x5800] =	vst v63  }
0x25: {  	_ =	swait.ge [sflag:s15], $0x2800  }
0x26: {  	[sflag:s15] =	ssyncset.done $0x0  }
0x27: {  	[sflag:s15] =	ssyncadd.s32 $0xFFFFD800  }
0x28: {  	s20 =	simm.s32 $0x0;
	[bflag:$0x0] =	sbarrier.arrive $0xFFFF  }
0x29: {  	[spmem:s2] =	stream.indirect.scatter.add.f32 [tilespmem:s14], [sflag:$0x1], $0x1, s20, s18, $0xb8;
	[tilespmem:$0x5800] =	vst v63  }
0x2a: {  	_ =	swait.ge [sflag:s15], $0x80  }
0x2b: {  	[sflag:s15] =	ssyncset.done $0x0  }
0x2c: {  	s31 =	simm.s32 $0x2800;
	[sflag:s15] =	ssyncadd.s32 $0xFFFFFF80  }
0x2d: {  	[spmem:s3] =	stream.indirect.scatter.add.f32 [tilespmem:s14], [sflag:$0x1], $0x1, s31, s18, $0xb8;
	[tilespmem:$0x5800] =	vst v63  }
0x2e: {  	_ =	swait.ge [sflag:s15], $0x80  }
0x2f: {  	s21 =	simm.s32 $0x400;
	s20 =	simm.s32 $0x200;
	[sflag:s15] =	ssyncset.done $0x0  }
.LBB2_2:
0x30: {  	s22 =	sshra.s32 s20, $0x2  }
0x31: {  	[sflag:s15] =	ssyncadd.s32 $0xFFFFFF80;
	s20 =	smov.u32 s21;
	s23 =	sadd.s32 $0x200, s21  }
0x32: {  	[spmem:s2] =	stream.indirect.scatter.add.f32 [tilespmem:s14], [sflag:$0x1], $0x1, s22, s18, $0xb8;
	[tilespmem:$0x5800] =	vst v63  }
0x33: {  	p0 =	sne.s32 s21, $0x9E00;
	_ =	swait.ge [sflag:s15], $0x80  }
.Ltmp0:
0x34: {  	[sflag:s15] =	ssyncset.done $0x0;
	(pc) =	sbr.rel @p0 .LBB2_2-.Ltmp0, $4  }
0x35: {  	s21 =	sadd.s32 $0x2800, s22;
	[sflag:s15] =	ssyncadd.s32 $0xFFFFFF80  }
0x36: {  	[spmem:s3] =	stream.indirect.scatter.add.f32 [tilespmem:s14], [sflag:$0x1], $0x1, s21, s18, $0xb8;
	[tilespmem:$0x5800] =	vst v63  }
0x37: {  	_ =	swait.ge [sflag:s15], $0x80  }
0x38: {  	s21 =	smov.u32 s23;
	[sflag:s15] =	ssyncset.done $0x0  }
0x39: {  	s20 =	sshra.s32 s20, $0x2;
	[sflag:s15] =	ssyncadd.s32 $0xFFFFFF80  }
0x3a: {  	[spmem:s2] =	stream.indirect.scatter.add.f32 [tilespmem:s14], [sflag:$0x1], $0x1, s20, s18, $0xb8;
	[tilespmem:$0x5800] =	vst v63  }
0x3b: {  	_ =	swait.ge [sflag:s15], $0x80  }
0x3c: {  	[sflag:s15] =	ssyncset.done $0x0  }
0x3d: {  	s20 =	sadd.s32 $0x2800, s20;
	[sflag:s15] =	ssyncadd.s32 $0xFFFFFF80  }
0x3e: {  	[spmem:s3] =	stream.indirect.scatter.add.f32 [tilespmem:s14], [sflag:$0x1], $0x1, s20, s18, $0xb8;
	[tilespmem:$0x5800] =	vst v63  }
0x3f: {  	_ =	swait.ge [sflag:s15], $0x80  }
0x40: {  	[sflag:s15] =	ssyncset.done $0x0  }
0x41: {  	[sflag:s15] =	ssyncadd.s32 $0xFFFFFF80  }
0x42: {  	[bflag:$0x0] =	sbarrier.arrive $0xFFFF  }
0x43: {  	[tilespmem:s16], [sflag:$0x1] =	stream.linear.gather [spmem:s7], $0x280, $0x38;
	[tilespmem:$0x5800] =	vst v63  }
0x44: {  	_ =	swait.ge [sflag:s15], $0x280  }
0x45: {  	[sflag:s15] =	ssyncset.done $0x0  }
0x46: {  	[sflag:s15] =	ssyncadd.s32 $0xFFFFFD80  }
0x47: {  	[hbm4b:s11+s4] =	stream.linear.scatter [tilespmem:s16], [sflag:$0x1], $0x280, $0x38;
	[tilespmem:$0x5800] =	vst v63  }
0x48: {  	_ =	swait.ge [sflag:s15], $0x280  }
0x49: {  	[sflag:s15] =	ssyncset.done $0x0  }
0x4a: {  	[sflag:s15] =	ssyncadd.s32 $0xFFFFFD80  }
0x4b: {  	[tilespmem:s16], [sflag:$0x1] =	stream.linear.gather [spmem:s8], $0x280, $0x38;
	[tilespmem:$0x5800] =	vst v63  }
0x4c: {  	s19 =	sadd.s32 $0x1, s19;
	_ =	swait.ge [sflag:s15], $0x280  }
0x4d: {  	p0 =	sne.s32 s19, s13;
	[sflag:s15] =	ssyncset.done $0x0  }
.Ltmp1:
0x4e: {  	[sflag:s15] =	ssyncadd.s32 $0xFFFFFD80;
	(pc) =	sbr.rel @p0 .LBB2_1-.Ltmp1, $4  }
0x4f: {  	[hbm4b:s12+s4] =	stream.linear.scatter [tilespmem:s16], [sflag:$0x1], $0x280, $0x38;
	[tilespmem:$0x5800] =	vst v63  }
0x50: {  	_ =	swait.ge [sflag:s15], $0x280  }
0x51: {  	[sflag:s15] =	ssyncset.done $0x0  }
0x52: {  	[sflag:s15] =	ssyncadd.s32 $0xFFFFFD80  }
0x53: {  	_ =	sfence.sel $0x180000  }
0x54: {  	[bflag:$0x0] =	sbarrier.arrive $0xFFFF  }
0x55: {  	p0 =	sne.s32 s0, $0x0;
	_ =	strace $0x90000047  }
0x56: {  	s0 =	sadd.s32 @!p0 $0x100000, s1;
	[bflag:$0x2] =	sbarrier.arrive $0xFFFF  }
0x57: {  	[sflag:s0] =	ssyncadd.tile.s32 @!p0 $0x1;
	_ =	shalt  }
.Lfunc_end2:
_tile_overlayer_lowered:
.L_overlay_start_2:
0x58: {  	(tag) =	ssettag $0x2  }
0x59: {  	s0 =	rddreg [dreg:$0x0];
	s2 =	stileid.u32  }
0x5a: {  	s1 =	rddreg [dreg:$0x1];
	p0 =	sne.s32 s2, $0x0  }
0x5b: {  	s3 =	rddreg [dreg:$0x2];
	[bflag:$0x3] =	sbarrier.arrive $0xFFFF;
	s2 =	simm.s32 @!p0 $0x1C01  }
0x5c: {  	[timem:s3], [sflag:s2] =	dma.local @!p0 [hbm:s0], s1  }
0x5d: {  	s0 =	simm.s32 @!p0 $0x1  }
0x5e: {  	_ =	swait.ge @!p0 [sflag:s0], s1  }
0x5f: {  	s1 =	ssub.s32 @!p0 $0x0, s1;
	[sflag:s0] =	ssyncset.done @!p0 $0x0  }
0x60: {  	[sflag:s0] =	ssyncadd.s32 @!p0 s1  }
0x61: {  	[bflag:$0x3] =	sbarrier.arrive $0xFFFF  }
0x62: {  	_ =	shalt  }

// kernel: kernel.13.cloned.1.call-start
scs
__scs_entry_jumppad:
0x0: {  	(pc) =	sbr.rel $0x88, $3  }
0x1: {  	(tag) =	ssettag $0x0;
	lr =	simm.s32 $0x1  }
0x2: {  	[smem:$0x3F99] =	sst lr;
	_ =	strace $0xD0000000  }
0x3: {  	_ = 	snop  }
0x4: {  	_ = 	snop  }
0x5: {  	_ = 	snop  }
0x6: {  	_ = 	snop  }
0x7: {  	_ = 	snop  }
__scs_overlays_trampoline_lowered:
0x8: {  	[smem:$0x3FA8] =	sst s0  }
0x9: {  	[smem:$0x3FA9] =	sst s1  }
0xa: {  	[smem:$0x3FAA] =	sst s2  }
0xb: {  	[smem:$0x3FAB] =	sst s3  }
0xc: {  	[smem:$0x3FAC] =	sst s4  }
0xd: {  	[smem:$0x3FAD] =	sst s5  }
0xe: {  	[smem:$0x3FAE] =	sst s6  }
0xf: {  	[smem:$0x3FAF] =	sst s7  }
0x10: {  	[smem:$0x3FB0] =	sst s8  }
0x11: {  	[smem:$0x3FB1] =	sst s9;
	s0 =	simm.s32 @!p0 $0x0  }
0x12: {  	s1 =	sld [smem:$0x3F97];
	s0 =	simm.s32 @p0 $0x1  }
0x13: {  	[smem:$0x3FB2] =	sst s0;
	s0 =	simm.s32 @!p1 $0x0  }
0x14: {  	s2 =	sld [smem:$0x3F96];
	s0 =	simm.s32 @p1 $0x1  }
0x15: {  	[smem:$0x3FB3] =	sst s0;
	s0 =	simm.s32 @!p2 $0x0  }
0x16: {  	s3 =	sld [smem:$0x3FDB];
	s0 =	simm.s32 @p2 $0x1  }
0x17: {  	s4 =	simm.s32 $0x1BF5;
	[smem:$0x3FB5] =	sst s0  }
0x18: {  	s0 =	sld [smem:$0x3F98];
	_ =	swait.ge [sflag:s4], $0x0  }
0x19: {  	s7 =	sld [smem:$0x3F99]  }
0x1a: {  	s8 =	sadd.s32 $0xFFFFE003, lr  }
0x1b: {  	s9 =	sadd.s32 $0xFFFFFEF7, lr;
	s5 =	simm.s32 $0xFFFFFFFF;
	p2 =	slt.u32 s8, $0xFFFFF086  }
0x1c: {  	p1 =	slt.u32 s9, $0xF7A;
	s5 =	simm.s32 @!p2 $0x0  }
0x1d: {  	s5 =	simm.s32 @p1 $0x1;
	p0 =	seq.s32 s7, s2  }
0x1e: {  	s7 =	smul.u32 @!p0 $0xF7A, s2;
	p2 =	seq.s32 @!p0 s5, $0x0  }
0x1f: {  	s9 =	smul.u32 $0xF7A, s1;
	s8 =	simm.s32 @!p0 $0x1BF5;
	p2 =	por !p2, p0  }
0x20: {  	[sflag:s8] =	ssyncset.s32 @!p0 $0xFFFFF086;
	s6 =	sadd.s32 @!p0 s3, s7;
	s7 =	simm.s32 @!p0 $0x108  }
0x21: {  	s3 =	sadd.s32 s3, s9;
	s6 =	sadd.s32 @!p0 $0x88, s6;
	s7 =	simm.s32 @p2 $0x1082  }
0x22: {  	[simem:s7], [sflag:s8] =	dma.local @!p0 [hbm:s6], $0xF7A  }
0x23: {  	s9 =	sor.u32 $0xD0000000, s2;
	s6 =	simm.s32 $0x108;
	_ =	swait.ge @!p0 [sflag:s8], $0x0  }
0x24: {  	s3 =	sadd.s32 $0x88, s3;
	s6 =	simm.s32 @!p1 $0x1082;
	[sflag:s4] =	ssyncset.s32 $0xFFFFF086  }
0x25: {  	[simem:s6], [sflag:s4] =	dma.local [hbm:s3], $0xF7A  }
0x26: {  	[smem:$0x3F99] =	sst s1;
	(tag) =	ssettag s2;
	_ =	strace s9  }
0x27: {  	s1 =	sld [smem:$0x3FA9]  }
0x28: {  	s2 =	sld [smem:$0x3FAA]  }
0x29: {  	s4 =	sld [smem:$0x3FAC]  }
0x2a: {  	p0 =	seq.s32 s5, $0x0;
	s5 =	sld [smem:$0x3FAD]  }
0x2b: {  	s6 =	sld [smem:$0x3FAE]  }
0x2c: {  	s7 =	sld [smem:$0x3FAF]  }
0x2d: {  	s3 =	simm.s32 $0x108;
	s8 =	sld [smem:$0x3FB0]  }
0x2e: {  	s3 =	simm.s32 @!p0 $0x1082;
	s9 =	sld [smem:$0x3FB1]  }
0x2f: {  	lr =	sadd.s32 s0, s3;
	s0 =	sld [smem:$0x3FA8]  }
0x30: {  	s3 =	sld [smem:$0x3FAB]  }
0x31: {  	[smem:$0x3FB4] =	sst s10  }
0x32: {  	s10 =	sld [smem:$0x3FB2];
	_ =	sdelay $0x3  }
0x33: {  	p0 =	seq.s32 s10, $0x1;
	s10 =	sld [smem:$0x3FB4];
	_ =	sdelay $0x3  }
0x34: {  	[smem:$0x3FB4] =	sst s10  }
0x35: {  	s10 =	sld [smem:$0x3FB3];
	_ =	sdelay $0x3  }
0x36: {  	p1 =	seq.s32 s10, $0x1;
	s10 =	sld [smem:$0x3FB4];
	_ =	sdelay $0x3  }
0x37: {  	[smem:$0x3FB4] =	sst s10  }
0x38: {  	s10 =	sld [smem:$0x3FB5]  }
0x39: {  	_ = 	snop;
	(pc) =	sbr.ind lr, $3  }
0x3a: {  	_ = 	snop  }
0x3b: {  	_ = 	snop  }
0x3c: {  	p2 =	seq.s32 s10, $0x1;
	s10 =	sld [smem:$0x3FB4]  }
0x3d: {  	_ =	shalt  }
0x3e: {  	_ =	shalt  }
0x3f: {  	_ =	shalt  }
0x40: {  	_ =	shalt  }
0x41: {  	_ =	shalt  }
0x42: {  	_ =	shalt  }
0x43: {  	_ =	shalt  }
0x44: {  	_ =	shalt  }
0x45: {  	_ =	shalt  }
0x46: {  	_ =	shalt  }
0x47: {  	_ =	shalt  }
0x48: {  	_ =	shalt  }
0x49: {  	_ =	shalt  }
0x4a: {  	_ =	shalt  }
0x4b: {  	_ =	shalt  }
0x4c: {  	_ =	shalt  }
0x4d: {  	_ =	shalt  }
0x4e: {  	_ =	shalt  }
0x4f: {  	_ =	shalt  }
0x50: {  	_ =	shalt  }
0x51: {  	_ =	shalt  }
0x52: {  	_ =	shalt  }
0x53: {  	_ =	shalt  }
0x54: {  	_ =	shalt  }
0x55: {  	_ =	shalt  }
0x56: {  	_ =	shalt  }
0x57: {  	_ =	shalt  }
0x58: {  	_ =	shalt  }
0x59: {  	_ =	shalt  }
0x5a: {  	_ =	shalt  }
0x5b: {  	_ =	shalt  }
0x5c: {  	_ =	shalt  }
0x5d: {  	_ =	shalt  }
0x5e: {  	_ =	shalt  }
0x5f: {  	_ =	shalt  }
0x60: {  	_ =	shalt  }
0x61: {  	_ =	shalt  }
0x62: {  	_ =	shalt  }
0x63: {  	_ =	shalt  }
0x64: {  	_ =	shalt  }
0x65: {  	_ =	shalt  }
0x66: {  	_ =	shalt  }
0x67: {  	_ =	shalt  }
0x68: {  	_ =	shalt  }
0x69: {  	_ =	shalt  }
0x6a: {  	_ =	shalt  }
0x6b: {  	_ =	shalt  }
0x6c: {  	_ =	shalt  }
0x6d: {  	_ =	shalt  }
0x6e: {  	_ =	shalt  }
0x6f: {  	_ =	shalt  }
0x70: {  	_ =	shalt  }
0x71: {  	_ =	shalt  }
0x72: {  	_ =	shalt  }
0x73: {  	_ =	shalt  }
0x74: {  	_ =	shalt  }
0x75: {  	_ =	shalt  }
0x76: {  	_ =	shalt  }
0x77: {  	_ =	shalt  }
0x78: {  	_ =	shalt  }
0x79: {  	_ =	shalt  }
0x7a: {  	_ =	shalt  }
0x7b: {  	_ =	shalt  }
0x7c: {  	_ =	shalt  }
0x7d: {  	_ =	shalt  }
0x7e: {  	_ =	shalt  }
0x7f: {  	_ =	shalt  }
0x80: {  	_ =	shalt  }
0x81: {  	_ =	shalt  }
0x82: {  	_ =	shalt  }
0x83: {  	_ =	shalt  }
0x84: {  	_ =	shalt  }
0x85: {  	_ =	shalt  }
0x86: {  	_ =	shalt  }
0x87: {  	_ =	shalt  }
.Lfunc_end0:
.L_simem_size_0:
called_computation.1_lowered:
.L_overlay_start_0:
0x88: {  	s2 =	sld [smem:$0x3FD9]  }
0x89: {  	s3 =	sld [smem:$0x3FFE];
	_ =	sdelay $0x1  }
0x8a: {  	s1 =	srdreg.scid  }
0x8b: {  	s0 =	sand.u32 $0x1, s1  }
0x8c: {  	s17 =	sshll.u32 s0, $0xA;
	s2 =	sadd.s32 s3, s2  }
0x8d: {  	s2 =	sadd.s32 s2, s17  }
0x8e: {  	[smem:$0x3FC0] =	sst s2  }
0x8f: {  	_ = 	snop  }
0x90: {  	s2 =	sld [smem:$0x3FD0];
	(tm) =	ssettm $0x1  }
0x91: {  	s18 =	sld [smem:$0x3FFB];
	_ =	sdelay $0x3  }
0x92: {  	_ =	strace s18  }
0x93: {  	s3 =	sld [smem:$0x3FFC];
	_ =	sdelay $0x3  }
0x94: {  	_ =	strace s3  }
0x95: {  	s3 =	sld [smem:$0x3FFD];
	_ =	sdelay $0x3  }
0x96: {  	_ =	strace s3  }
0x97: {  	_ =	strace $0x8FFFFFFF  }
0x98: {  	s19 =	sld [smem:$0x3FDB];
	_ =	sdelay $0x1  }
0x99: {  	s4 =	simm.s32 $_scs_section_size  }
0x9a: {  	s5 =	simm.s32 $_size__tile_overlayer_lowered;
	s6 =	simm.s32 $_tile_overlayer_lowered  }
0x9b: {  	s22 =	simm.s32 $0x1BFF;
	s21 =	sshll.u32 s6, $0x1;
	s3 =	sadd.s32 s4, s19  }
0x9c: {  	s7 =	simm.s32 $0x0;
	s20 =	sshll.u32 s5, $0x1;
	s5 =	sadd.s32 s21, s3  }
0x9d: {  	[timem:s7], [sflag:s22] =	dma.local [hbm:s5], s20  }
0x9e: {  	_ =	swait.ge [sflag:s22], s20  }
0x9f: {  	s4 =	ssub.s32 $0x0, s20;
	[sflag:s22] =	ssyncset.done $0x0  }
0xa0: {  	[sflag:s22] =	ssyncadd.s32 s4;
	_ =	sdelay $0x1  }
0xa1: {  	s23 =	simm.s32 $0x1B8B  }
0xa2: {  	_ =	swait.ge [sflag:s23], $0x1  }
0xa3: {  	[sflag:s23] =	ssyncset.done $0x0  }
0xa4: {  	s25 =	simm.s32 $0x1B8E;
	s24 =	sld [smem:$0x3FFE];
	[sflag:s23] =	ssyncadd.s32 $0xFFFFFFFF  }
0xa5: {  	s26 =	simm.s32 $execute0_lowered;
	[smem:$0x3FD2] =	sst s25  }
0xa6: {  	s5 =	sshll.u32 s26, $0x1;
	_ =	strace $0x80000049;
	[dreg:$0x1] =	wrdreg $0xFFFFFFFF  }
0xa7: {  	s28 =	simm.s32 $_size_execute0_lowered;
	s3 =	sadd.s32 s3, s5;
	[dreg:$0x0] =	wrdreg $0x0  }
0xa8: {  	s5 =	sshll.u32 s28, $0x1;
	[dreg:$0x2] =	wrdreg s3  }
0xa9: {  	[dreg:$0x3] =	wrdreg s5  }
0xaa: {  	[dreg:$0x4] =	wrdreg $0xC0  }
0xab: {  	_ =	task [dreg:s7], $0x5FFFF  }
0xac: {  	[dreg:$0x1] =	wrdreg $0xFFFFFFFF  }
0xad: {  	[dreg:$0x0] =	wrdreg $0x60  }
0xae: {  	[dreg:$0x2] =	wrdreg s24  }
0xaf: {  	[dreg:$0x3] =	wrdreg s2  }
0xb0: {  	[dreg:$0x4] =	wrdreg $0xA8000  }
0xb1: {  	[dreg:$0x5] =	wrdreg $0x9  }
0xb2: {  	_ =	task.clear_ibuf [dreg:s7], $0x6FFFF;
	_ =	strace $0x90000049  }
0xb3: {  	s29 =	simm.s32 $0x9;
	_ =	strace $0x8000004B  }
0xb4: {  	_ =	swait.ge [sflag:s29], $0x1  }
0xb5: {  	[sflag:s29] =	ssyncadd.s32 $0xFFFFFFFF  }
0xb6: {  	_ =	strace $0x9000004B  }
0xb7: {  	_ =	sfence  }
0xb8: {  	s30 =	sld [smem:$0x0];
	_ =	sdelay $0x2  }
0xb9: {  	s31 =	sshll.u32 s1, $0xD;
	s1 =	sshrl.u32 s1, $0x2  }
0xba: {  	s3 =	sand.u32 $0x4000, s31;
	s1 =	sadd.s32 s1, s30  }
0xbb: {  	s0 =	sor.u32 s3, s0;
	s1 =	sshll.u32 s1, $0x11  }
0xbc: {  	s0 =	sor.u32 s1, s0  }
0xbd: {  	s0 =	sadd.s32 $0x8F2B, s0  }
0xbe: {  	[sflag:s0] =	ssyncadd.remote.s32 $0x1  }
0xbf: {  	_ =	sfence.sel $0xFFFF  }
0xc0: {  	[dreg:$0x0] =	wrdreg $0xFFFFFFFF;
	(pc) =	sbr.abs _section_cstart, $3  }
0xc1: {  	[dreg:$0x1] =	wrdreg $0xFFFFFFFF  }
0xc2: {  	_ =	task.clear_ibuf [dreg:s7], $0x2FFFF;
	_ =	strace $0x9FFFFFFF  }
0xc3: {  	(tm) =	ssettm $0x7FFFFFFF  }
tec
execute0_lowered:
.L_overlay_start_1:
0x0: {  	(tag) =	ssettag $0x1  }
0x1: {  	s0 =	rddreg [dreg:$0x0]  }
0x2: {  	s1 =	rddreg [dreg:$0x1]  }
0x3: {  	s2 =	rddreg [dreg:$0x2];
	s4 =	simm.s32 $0x0  }
0x4: {  	s3 =	srdreg.scid;
	s10 =	stileid.u32;
	s28 =	simm.s32 $0x2600  }
0x5: {  	s29 =	simm.s32 $0x1300;
	s30 =	simm.s32 $0x2680;
	s31 =	simm.s32 $0x1380  }
0x6: {  	[smem:$0x7FF] =	sst s4;
	s3 =	sand.u32 $0x1, s3;
	s12 =	smul.u32 $0x280, s10  }
0x7: {  	s5 =	sadd.s32 $0x3200, s0;
	s6 =	sadd.s32 $0x5EA00, s0;
	s9 =	smul.u32 $0x50000, s10  }
0x8: {  	s11 =	sadd.s32 $0xD200, s0;
	s0 =	sadd.s32 $0x86A00, s0;
	_ =	strace $0x8000004A  }
0x9: {  	s7 =	ssub.s32 $0x2, s3;
	[dreg:$0x4] =	wrdreg s11;
	s17 =	sshll.u32 s3, $0x4  }
0xa: {  	s3 =	smul.u32 $0x2800, s3;
	s8 =	sshrl.u32 s7, $0x1;
	s9 =	sshrl.u32 s9, $0x2  }
0xb: {  	s13 =	sadd.s32 $0x80, s12;
	s14 =	sor.u32 s10, s17;
	s15 =	sadd.s32 $0x100, s12  }
0xc: {  	s16 =	sadd.s32 $0x180, s12;
	s17 =	sadd.s32 $0x200, s12;
	s7 =	ssub.s32 s7, s8  }
0xd: {  	s8 =	sadd.s32 s9, s2;
	s18 =	sshll.u32 s13, $0x7;
	s19 =	sshll.u32 s15, $0x7  }
0xe: {  	s20 =	sshll.u32 s16, $0x7;
	s13 =	sadd.s32 s3, s13;
	s25 =	sadd.s32 s3, s15  }
0xf: {  	s26 =	sadd.s32 s3, s16;
	s9 =	sadd.s32 s18, s2;
	s10 =	sadd.s32 s19, s2  }
0x10: {  	s11 =	sadd.s32 s20, s2;
	s18 =	sshll.u32 s17, $0x7;
	s19 =	sadd.s32 s12, s3  }
0x11: {  	s22 =	sshll.u32 s13, $0x4;
	s13 =	smul.u32 $0x50, s14;
	s3 =	sadd.s32 s3, s17  }
0x12: {  	s14 =	sshll.u32 s25, $0x4;
	s15 =	sshll.u32 s26, $0x4;
	s20 =	simm.s32 $0x2800  }
0x13: {  	s25 =	simm.s32 $0x1;
	s26 =	simm.s32 $0x2;
	s12 =	sadd.s32 s18, s2  }
0x14: {  	s21 =	sshll.u32 s19, $0x4;
	s24 =	sadd.s32 s0, s22;
	s3 =	sshll.u32 s3, $0x4  }
0x15: {  	s14 =	sadd.s32 s0, s14;
	s17 =	sadd.s32 s0, s15;
	s19 =	smax.u32 s7, $0x1  }
0x16: {  	s22 =	simm.s32 $0x1400;
	s7 =	simm.s32 $0x0;
	[dreg:$0x6] =	wrdreg s24  }
0x17: {  	s23 =	sadd.s32 s0, s21;
	[dreg:$0x7] =	wrdreg s14;
	s18 =	sadd.s32 s0, s3  }
0x18: {  	s21 =	simm.s32 $0x3;
	s24 =	simm.s32 $0x6800;
	s0 =	simm.s32 $0x2700  }
0x19: {  	s3 =	simm.s32 $0x2780;
	[dreg:$0x5] =	wrdreg s23;
	s23 =	simm.s32 $0x80  }
.LBB2_1:
0x1a: {  	s14 =	rddreg [dreg:$0x4]  }
0x1b: {  	[tilespmem:s20], [sflag:$0x3] =	stream.linear.gather [hbm4b:s14+s4], $0x4000, $0x38;
	[tilespmem:$0x1E800] =	vst v63  }
0x1c: {  	_ =	swait.ge [sflag:s21], $0x4000  }
0x1d: {  	[sflag:s21] =	ssyncset.done $0x0  }
0x1e: {  	[sflag:s21] =	ssyncadd.s32 $0xFFFFC000  }
0x1f: {  	[spmem:s8] =	stream.linear.scatter [tilespmem:s20], [sflag:$0x3], $0x4000, $0x38;
	[tilespmem:$0x1E800] =	vst v63  }
0x20: {  	_ =	swait.ge [sflag:s21], $0x4000  }
0x21: {  	[sflag:s21] =	ssyncset.done $0x0  }
0x22: {  	[sflag:s21] =	ssyncadd.s32 $0xFFFFC000  }
0x23: {  	[spmem:s9] =	stream.linear.scatter [tilespmem:s20], [sflag:$0x3], $0x4000, $0x38;
	[tilespmem:$0x1E800] =	vst v63  }
0x24: {  	_ =	swait.ge [sflag:s21], $0x4000  }
0x25: {  	[sflag:s21] =	ssyncset.done $0x0  }
0x26: {  	[sflag:s21] =	ssyncadd.s32 $0xFFFFC000  }
0x27: {  	[spmem:s10] =	stream.linear.scatter [tilespmem:s20], [sflag:$0x3], $0x4000, $0x38;
	[tilespmem:$0x1E800] =	vst v63  }
0x28: {  	_ =	swait.ge [sflag:s21], $0x4000  }
0x29: {  	[sflag:s21] =	ssyncset.done $0x0  }
0x2a: {  	[sflag:s21] =	ssyncadd.s32 $0xFFFFC000  }
0x2b: {  	[spmem:s11] =	stream.linear.scatter [tilespmem:s20], [sflag:$0x3], $0x4000, $0x38;
	[tilespmem:$0x1E800] =	vst v63  }
0x2c: {  	_ =	swait.ge [sflag:s21], $0x4000  }
0x2d: {  	[sflag:s21] =	ssyncset.done $0x0  }
0x2e: {  	[sflag:s21] =	ssyncadd.s32 $0xFFFFC000  }
0x2f: {  	[spmem:s12] =	stream.linear.scatter [tilespmem:s20], [sflag:$0x3], $0x4000, $0x38;
	[tilespmem:$0x1E800] =	vst v63  }
0x30: {  	_ =	swait.ge [sflag:s21], $0x4000  }
0x31: {  	[sflag:s21] =	ssyncset.done $0x0  }
0x32: {  	[sflag:s21] =	ssyncadd.s32 $0xFFFFC000  }
0x33: {  	p1 =	por $0x1, $0x1;
	s14 =	simm.s32 $0x0;
	[bflag:$0x0] =	sbarrier.arrive $0xFFFF  }
.LBB2_2:
0x34: {  	s14 =	sadd.s32 s13, s14  }
0x35: {  	s14 =	sshll.u32 s14, $0x4  }
0x36: {  	s16 =	simm.s32 $0x0;
	s15 =	sadd.s32 s5, s14  }
0x37: {  	[tilespmem:s16], [sflag:$0x3] =	stream.linear.gather [hbm4b:s15+s16], $0x1400, $0x38;
	[tilespmem:$0x1E800] =	vst v63  }
0x38: {  	_ =	swait.ge [sflag:s21], $0x1400  }
0x39: {  	[sflag:s21] =	ssyncset.done $0x0  }
0x3a: {  	s14 =	sadd.s32 s1, s14;
	[sflag:s21] =	ssyncadd.s32 $0xFFFFEC00  }
0x3b: {  	[tilespmem:s22], [sflag:$0x3] =	stream.linear.gather [hbm4b:s14+s16], $0x1400, $0x38;
	[tilespmem:$0x1E800] =	vst v63  }
0x3c: {  	_ =	swait.ge [sflag:s21], $0x1400  }
0x3d: {  	[sflag:s21] =	ssyncset.done $0x0  }
0x3e: {  	[sflag:s21] =	ssyncadd.s32 $0xFFFFEC00  }
0x3f: {  	[tilespmem:s20], [sflag:$0x1] =	stream.indirect.gather [hbm4b:s6+s23], $0x80, s16, s23, $0xb8;
	[tilespmem:$0x1E800] =	vst v63  }
0x40: {  	_ = 	snop  }
0x41: {  	[tilespmem:s24], [sflag:$0x2] =	stream.indirect.gather [hbm4b:s6+s23], $0x80, s23, s23, $0xb8;
	[tilespmem:$0x1E800] =	vst v63  }
0x42: {  	_ =	swait.ge [sflag:s25], $0x4000  }
0x43: {  	[sflag:s25] =	ssyncset.done $0x0  }
0x44: {  	s16 =	simm.s32 $0x1400;
	[sflag:s25] =	ssyncadd.s32 $0xFFFFC000  }
0x45: {  	[spmem:s2] =	stream.indirect.scatter.add.f32 [tilespmem:s20], [sflag:$0x3], $0x80, s16, s23, $0xb8;
	[tilespmem:$0x1E800] =	vst v63  }
0x46: {  	_ =	swait.ge [sflag:s21], $0x4000  }
0x47: {  	[sflag:s21] =	ssyncset.done $0x0  }
0x48: {  	s15 =	simm.s32 $0x100;
	[sflag:s21] =	ssyncadd.s32 $0xFFFFC000  }
0x49: {  	[tilespmem:s20], [sflag:$0x1] =	stream.indirect.gather [hbm4b:s6+s23], $0x80, s15, s23, $0xb8;
	[tilespmem:$0x1E800] =	vst v63  }
0x4a: {  	_ =	swait.ge [sflag:s26], $0x4000  }
0x4b: {  	[sflag:s26] =	ssyncset.done $0x0  }
0x4c: {  	s16 =	simm.s32 $0x1480;
	[sflag:s26] =	ssyncadd.s32 $0xFFFFC000  }
0x4d: {  	[spmem:s2] =	stream.indirect.scatter.add.f32 [tilespmem:s24], [sflag:$0x3], $0x80, s16, s23, $0xb8;
	[tilespmem:$0x1E800] =	vst v63  }
0x4e: {  	_ =	swait.ge [sflag:s21], $0x4000  }
0x4f: {  	p0 =	por p1, p1;
	[sflag:s21] =	ssyncset.done $0x0  }
0x50: {  	s14 =	simm.s32 $0x400;
	s15 =	simm.s32 $0x180;
	[sflag:s21] =	ssyncadd.s32 $0xFFFFC000  }
.LBB2_3:
0x51: {  	[tilespmem:s24], [sflag:$0x2] =	stream.indirect.gather [hbm4b:s6+s23], $0x80, s15, s23, $0xb8;
	[tilespmem:$0x1E800] =	vst v63  }
0x52: {  	s15 =	smov.u32 s14  }
0x53: {  	p1 =	sne.s32 s14, $0x4400;
	s14 =	sadd.s32 $0x400, s14;
	_ =	swait.ge [sflag:s25], $0x4000  }
0x54: {  	s15 =	sshra.s32 s15, $0x2;
	[sflag:s25] =	ssyncset.done $0x0  }
0x55: {  	s16 =	sadd.s32 $0x1400, s15;
	[sflag:s25] =	ssyncadd.s32 $0xFFFFC000  }
0x56: {  	[spmem:s2] =	stream.indirect.scatter.add.f32 [tilespmem:s20], [sflag:$0x3], $0x80, s16, s23, $0xb8;
	[tilespmem:$0x1E800] =	vst v63  }
0x57: {  	_ =	swait.ge [sflag:s21], $0x4000  }
0x58: {  	[sflag:s21] =	ssyncset.done $0x0  }
0x59: {  	s16 =	sadd.s32 $0x100, s15;
	[sflag:s21] =	ssyncadd.s32 $0xFFFFC000  }
0x5a: {  	[tilespmem:s20], [sflag:$0x1] =	stream.indirect.gather [hbm4b:s6+s23], $0x80, s16, s23, $0xb8;
	[tilespmem:$0x1E800] =	vst v63  }
0x5b: {  	_ =	swait.ge [sflag:s26], $0x4000  }
0x5c: {  	[sflag:s26] =	ssyncset.done $0x0  }
.Ltmp0:
0x5d: {  	s16 =	sadd.s32 $0x1480, s15;
	[sflag:s26] =	ssyncadd.s32 $0xFFFFC000;
	(pc) =	sbr.rel @p1 .LBB2_3-.Ltmp0, $4  }
0x5e: {  	[spmem:s2] =	stream.indirect.scatter.add.f32 [tilespmem:s24], [sflag:$0x3], $0x80, s16, s23, $0xb8;
	[tilespmem:$0x1E800] =	vst v63  }
0x5f: {  	_ =	swait.ge [sflag:s21], $0x4000  }
0x60: {  	[sflag:s21] =	ssyncset.done $0x0  }
0x61: {  	s15 =	sadd.s32 $0x180, s15;
	[sflag:s21] =	ssyncadd.s32 $0xFFFFC000  }
0x62: {  	[tilespmem:s24], [sflag:$0x2] =	stream.indirect.gather [hbm4b:s6+s23], $0x80, s15, s23, $0xb8;
	[tilespmem:$0x1E800] =	vst v63  }
0x63: {  	_ =	swait.ge [sflag:s25], $0x4000  }
0x64: {  	[sflag:s25] =	ssyncset.done $0x0  }
0x65: {  	[sflag:s25] =	ssyncadd.s32 $0xFFFFC000  }
0x66: {  	[spmem:s2] =	stream.indirect.scatter.add.f32 [tilespmem:s20], [sflag:$0x3], $0x80, s28, s23, $0xb8;
	[tilespmem:$0x1E800] =	vst v63  }
0x67: {  	_ =	swait.ge [sflag:s21], $0x4000  }
0x68: {  	[sflag:s21] =	ssyncset.done $0x0  }
0x69: {  	[sflag:s21] =	ssyncadd.s32 $0xFFFFC000  }
0x6a: {  	[tilespmem:s20], [sflag:$0x1] =	stream.indirect.gather [hbm4b:s6+s23], $0x80, s29, s23, $0xb8;
	[tilespmem:$0x1E800] =	vst v63  }
0x6b: {  	_ =	swait.ge [sflag:s26], $0x4000  }
0x6c: {  	[sflag:s26] =	ssyncset.done $0x0  }
0x6d: {  	[sflag:s26] =	ssyncadd.s32 $0xFFFFC000  }
0x6e: {  	[spmem:s2] =	stream.indirect.scatter.add.f32 [tilespmem:s24], [sflag:$0x3], $0x80, s30, s23, $0xb8;
	[tilespmem:$0x1E800] =	vst v63  }
0x6f: {  	_ =	swait.ge [sflag:s21], $0x4000  }
0x70: {  	[sflag:s21] =	ssyncset.done $0x0  }
0x71: {  	[sflag:s21] =	ssyncadd.s32 $0xFFFFC000  }
0x72: {  	[tilespmem:s24], [sflag:$0x2] =	stream.indirect.gather [hbm4b:s6+s23], $0x80, s31, s23, $0xb8;
	[tilespmem:$0x1E800] =	vst v63  }
0x73: {  	_ =	swait.ge [sflag:s25], $0x4000  }
0x74: {  	[sflag:s25] =	ssyncset.done $0x0  }
0x75: {  	[sflag:s25] =	ssyncadd.s32 $0xFFFFC000  }
0x76: {  	[spmem:s2] =	stream.indirect.scatter.add.f32 [tilespmem:s20], [sflag:$0x3], $0x80, s0, s23, $0xb8;
	[tilespmem:$0x1E800] =	vst v63  }
0x77: {  	_ =	swait.ge [sflag:s21], $0x4000  }
0x78: {  	[sflag:s21] =	ssyncset.done $0x0  }
0x79: {  	[sflag:s21] =	ssyncadd.s32 $0xFFFFC000  }
0x7a: {  	[tilespmem:s20], [sflag:$0x1] =	stream.indirect.gather [hbm4b:s6+s23], $0x80, s31, s23, $0xb8;
	[tilespmem:$0x1E800] =	vst v63  }
0x7b: {  	_ =	swait.ge [sflag:s26], $0x4000  }
0x7c: {  	[sflag:s26] =	ssyncset.done $0x0  }
0x7d: {  	[sflag:s26] =	ssyncadd.s32 $0xFFFFC000  }
0x7e: {  	[spmem:s2] =	stream.indirect.scatter.add.f32 [tilespmem:s24], [sflag:$0x3], $0x80, s3, s23, $0xb8;
	[tilespmem:$0x1E800] =	vst v63  }
0x7f: {  	_ =	swait.ge [sflag:s21], $0x4000  }
0x80: {  	[sflag:s21] =	ssyncset.done $0x0  }
0x81: {  	[sflag:s21] =	ssyncadd.s32 $0xFFFFC000  }
0x82: {  	[tilespmem:s24], [sflag:$0x2] =	stream.indirect.gather [hbm4b:s6+s23], $0x80, s31, s23, $0xb8;
	[tilespmem:$0x1E800] =	vst v63  }
0x83: {  	_ =	swait.ge [sflag:s25], $0x4000  }
.Ltmp1:
0x84: {  	[sflag:s25] =	ssyncset.done $0x0;
	(pc) =	sbr.rel @p0 .LBB2_2-.Ltmp1, $4  }
0x85: {  	[sflag:s25] =	ssyncadd.s32 $0xFFFFC000  }
0x86: {  	_ =	swait.ge [sflag:s26], $0x4000  }
0x87: {  	[sflag:s26] =	ssyncset.done $0x0  }
0x88: {  	s14 =	simm.s32 $0x28;
	p1 =	por $0x0, $0x0;
	[sflag:s26] =	ssyncadd.s32 $0xFFFFC000  }
0x89: {  	[bflag:$0x0] =	sbarrier.arrive $0xFFFF  }
0x8a: {  	[tilespmem:s20], [sflag:$0x3] =	stream.linear.gather [spmem:s8], $0x4000, $0x38;
	[tilespmem:$0x1E800] =	vst v63  }
0x8b: {  	_ =	swait.ge [sflag:s21], $0x4000  }
0x8c: {  	[sflag:s21] =	ssyncset.done $0x0  }
0x8d: {  	s14 =	rddreg [dreg:$0x5];
	[sflag:s21] =	ssyncadd.s32 $0xFFFFC000  }
0x8e: {  	[hbm4b:s14+s4] =	stream.linear.scatter [tilespmem:s20], [sflag:$0x3], $0x4000, $0x38;
	[tilespmem:$0x1E800] =	vst v63  }
0x8f: {  	_ =	swait.ge [sflag:s21], $0x4000  }
0x90: {  	[sflag:s21] =	ssyncset.done $0x0  }
0x91: {  	[sflag:s21] =	ssyncadd.s32 $0xFFFFC000  }
0x92: {  	[tilespmem:s20], [sflag:$0x3] =	stream.linear.gather [spmem:s9], $0x4000, $0x38;
	[tilespmem:$0x1E800] =	vst v63  }
0x93: {  	_ =	swait.ge [sflag:s21], $0x4000  }
0x94: {  	[sflag:s21] =	ssyncset.done $0x0  }
0x95: {  	s15 =	rddreg [dreg:$0x6];
	[sflag:s21] =	ssyncadd.s32 $0xFFFFC000  }
0x96: {  	[hbm4b:s15+s4] =	stream.linear.scatter [tilespmem:s20], [sflag:$0x3], $0x4000, $0x38;
	[tilespmem:$0x1E800] =	vst v63  }
0x97: {  	_ =	swait.ge [sflag:s21], $0x4000  }
0x98: {  	[sflag:s21] =	ssyncset.done $0x0  }
0x99: {  	[sflag:s21] =	ssyncadd.s32 $0xFFFFC000  }
0x9a: {  	[tilespmem:s20], [sflag:$0x3] =	stream.linear.gather [spmem:s10], $0x4000, $0x38;
	[tilespmem:$0x1E800] =	vst v63  }
0x9b: {  	_ =	swait.ge [sflag:s21], $0x4000  }
0x9c: {  	[sflag:s21] =	ssyncset.done $0x0  }
0x9d: {  	s16 =	rddreg [dreg:$0x7];
	[sflag:s21] =	ssyncadd.s32 $0xFFFFC000  }
0x9e: {  	[hbm4b:s16+s4] =	stream.linear.scatter [tilespmem:s20], [sflag:$0x3], $0x4000, $0x38;
	[tilespmem:$0x1E800] =	vst v63  }
0x9f: {  	_ =	swait.ge [sflag:s21], $0x4000  }
0xa0: {  	[sflag:s21] =	ssyncset.done $0x0  }
0xa1: {  	[sflag:s21] =	ssyncadd.s32 $0xFFFFC000  }
0xa2: {  	[tilespmem:s20], [sflag:$0x3] =	stream.linear.gather [spmem:s11], $0x4000, $0x38;
	[tilespmem:$0x1E800] =	vst v63  }
0xa3: {  	_ =	swait.ge [sflag:s21], $0x4000  }
0xa4: {  	[sflag:s21] =	ssyncset.done $0x0  }
0xa5: {  	[sflag:s21] =	ssyncadd.s32 $0xFFFFC000  }
0xa6: {  	[hbm4b:s17+s4] =	stream.linear.scatter [tilespmem:s20], [sflag:$0x3], $0x4000, $0x38;
	[tilespmem:$0x1E800] =	vst v63  }
0xa7: {  	_ =	swait.ge [sflag:s21], $0x4000  }
0xa8: {  	[sflag:s21] =	ssyncset.done $0x0  }
0xa9: {  	[sflag:s21] =	ssyncadd.s32 $0xFFFFC000  }
0xaa: {  	[tilespmem:s20], [sflag:$0x3] =	stream.linear.gather [spmem:s12], $0x4000, $0x38;
	[tilespmem:$0x1E800] =	vst v63  }
0xab: {  	s7 =	sadd.s32 $0x1, s7;
	_ =	swait.ge [sflag:s21], $0x4000  }
0xac: {  	p0 =	sne.s32 s7, s19;
	[sflag:s21] =	ssyncset.done $0x0  }
.Ltmp2:
0xad: {  	[sflag:s21] =	ssyncadd.s32 $0xFFFFC000;
	(pc) =	sbr.rel @p0 .LBB2_1-.Ltmp2, $4  }
0xae: {  	[hbm4b:s18+s4] =	stream.linear.scatter [tilespmem:s20], [sflag:$0x3], $0x4000, $0x38;
	[tilespmem:$0x1E800] =	vst v63  }
0xaf: {  	_ =	swait.ge [sflag:s21], $0x4000  }
0xb0: {  	[sflag:s21] =	ssyncset.done $0x0  }
0xb1: {  	[sflag:s21] =	ssyncadd.s32 $0xFFFFC000  }
0xb2: {  	_ =	sfence.sel $0x180000  }
0xb3: {  	[bflag:$0x0] =	sbarrier.arrive $0xFFFF  }
0xb4: {  	_ =	strace $0x9000004A  }
0xb5: {  	s0 =	stileid.u32;
	[bflag:$0x2] =	sbarrier.arrive $0xFFFF  }
0xb6: {  	p0 =	sne.s32 s0, $0x0;
	s0 =	rddreg [dreg:$0x3]  }
0xb7: {  	s0 =	sadd.s32 @!p0 $0x100000, s0  }
0xb8: {  	[sflag:s0] =	ssyncadd.tile.s32 @!p0 $0x1;
	_ =	shalt  }
.Lfunc_end2:
_tile_overlayer_lowered:
.L_overlay_start_2:
0xb9: {  	(tag) =	ssettag $0x2  }
0xba: {  	s0 =	rddreg [dreg:$0x0];
	s2 =	stileid.u32  }
0xbb: {  	s1 =	rddreg [dreg:$0x1];
	p0 =	sne.s32 s2, $0x0  }
0xbc: {  	s3 =	rddreg [dreg:$0x2];
	[bflag:$0x3] =	sbarrier.arrive $0xFFFF;
	s2 =	simm.s32 @!p0 $0x1C03  }
0xbd: {  	[timem:s3], [sflag:s2] =	dma.local @!p0 [hbm:s0], s1  }
0xbe: {  	s0 =	simm.s32 @!p0 $0x3  }
0xbf: {  	_ =	swait.ge @!p0 [sflag:s0], s1  }
0xc0: {  	s1 =	ssub.s32 @!p0 $0x0, s1;
	[sflag:s0] =	ssyncset.done @!p0 $0x0  }
0xc1: {  	[sflag:s0] =	ssyncadd.s32 @!p0 s1  }
0xc2: {  	[bflag:$0x3] =	sbarrier.arrive $0xFFFF  }
0xc3: {  	_ =	shalt  }

// kernel: kernel.16.cloned.1.call-start
scs
__scs_entry_jumppad:
0x0: {  	(pc) =	sbr.rel $0x88, $3  }
0x1: {  	(tag) =	ssettag $0x0;
	lr =	simm.s32 $0x1  }
0x2: {  	[smem:$0x3F99] =	sst lr;
	_ =	strace $0xD0000000  }
0x3: {  	_ = 	snop  }
0x4: {  	_ = 	snop  }
0x5: {  	_ = 	snop  }
0x6: {  	_ = 	snop  }
0x7: {  	_ = 	snop  }
__scs_overlays_trampoline_lowered:
0x8: {  	[smem:$0x3FA8] =	sst s0  }
0x9: {  	[smem:$0x3FA9] =	sst s1  }
0xa: {  	[smem:$0x3FAA] =	sst s2  }
0xb: {  	[smem:$0x3FAB] =	sst s3  }
0xc: {  	[smem:$0x3FAC] =	sst s4  }
0xd: {  	[smem:$0x3FAD] =	sst s5  }
0xe: {  	[smem:$0x3FAE] =	sst s6  }
0xf: {  	[smem:$0x3FAF] =	sst s7  }
0x10: {  	[smem:$0x3FB0] =	sst s8  }
0x11: {  	[smem:$0x3FB1] =	sst s9;
	s0 =	simm.s32 @!p0 $0x0  }
0x12: {  	s1 =	sld [smem:$0x3F97];
	s0 =	simm.s32 @p0 $0x1  }
0x13: {  	[smem:$0x3FB2] =	sst s0;
	s0 =	simm.s32 @!p1 $0x0  }
0x14: {  	s2 =	sld [smem:$0x3F96];
	s0 =	simm.s32 @p1 $0x1  }
0x15: {  	[smem:$0x3FB3] =	sst s0;
	s0 =	simm.s32 @!p2 $0x0  }
0x16: {  	s3 =	sld [smem:$0x3FDB];
	s0 =	simm.s32 @p2 $0x1  }
0x17: {  	s4 =	simm.s32 $0x1BF5;
	[smem:$0x3FB5] =	sst s0  }
0x18: {  	s0 =	sld [smem:$0x3F98];
	_ =	swait.ge [sflag:s4], $0x0  }
0x19: {  	s7 =	sld [smem:$0x3F99]  }
0x1a: {  	s8 =	sadd.s32 $0xFFFFE003, lr  }
0x1b: {  	s9 =	sadd.s32 $0xFFFFFEF7, lr;
	s5 =	simm.s32 $0xFFFFFFFF;
	p2 =	slt.u32 s8, $0xFFFFF086  }
0x1c: {  	p1 =	slt.u32 s9, $0xF7A;
	s5 =	simm.s32 @!p2 $0x0  }
0x1d: {  	s5 =	simm.s32 @p1 $0x1;
	p0 =	seq.s32 s7, s2  }
0x1e: {  	s7 =	smul.u32 @!p0 $0xF7A, s2;
	p2 =	seq.s32 @!p0 s5, $0x0  }
0x1f: {  	s9 =	smul.u32 $0xF7A, s1;
	s8 =	simm.s32 @!p0 $0x1BF5;
	p2 =	por !p2, p0  }
0x20: {  	[sflag:s8] =	ssyncset.s32 @!p0 $0xFFFFF086;
	s6 =	sadd.s32 @!p0 s3, s7;
	s7 =	simm.s32 @!p0 $0x108  }
0x21: {  	s3 =	sadd.s32 s3, s9;
	s6 =	sadd.s32 @!p0 $0x88, s6;
	s7 =	simm.s32 @p2 $0x1082  }
0x22: {  	[simem:s7], [sflag:s8] =	dma.local @!p0 [hbm:s6], $0xF7A  }
0x23: {  	s9 =	sor.u32 $0xD0000000, s2;
	s6 =	simm.s32 $0x108;
	_ =	swait.ge @!p0 [sflag:s8], $0x0  }
0x24: {  	s3 =	sadd.s32 $0x88, s3;
	s6 =	simm.s32 @!p1 $0x1082;
	[sflag:s4] =	ssyncset.s32 $0xFFFFF086  }
0x25: {  	[simem:s6], [sflag:s4] =	dma.local [hbm:s3], $0xF7A  }
0x26: {  	[smem:$0x3F99] =	sst s1;
	(tag) =	ssettag s2;
	_ =	strace s9  }
0x27: {  	s1 =	sld [smem:$0x3FA9]  }
0x28: {  	s2 =	sld [smem:$0x3FAA]  }
0x29: {  	s4 =	sld [smem:$0x3FAC]  }
0x2a: {  	p0 =	seq.s32 s5, $0x0;
	s5 =	sld [smem:$0x3FAD]  }
0x2b: {  	s6 =	sld [smem:$0x3FAE]  }
0x2c: {  	s7 =	sld [smem:$0x3FAF]  }
0x2d: {  	s3 =	simm.s32 $0x108;
	s8 =	sld [smem:$0x3FB0]  }
0x2e: {  	s3 =	simm.s32 @!p0 $0x1082;
	s9 =	sld [smem:$0x3FB1]  }
0x2f: {  	lr =	sadd.s32 s0, s3;
	s0 =	sld [smem:$0x3FA8]  }
0x30: {  	s3 =	sld [smem:$0x3FAB]  }
0x31: {  	[smem:$0x3FB4] =	sst s10  }
0x32: {  	s10 =	sld [smem:$0x3FB2];
	_ =	sdelay $0x3  }
0x33: {  	p0 =	seq.s32 s10, $0x1;
	s10 =	sld [smem:$0x3FB4];
	_ =	sdelay $0x3  }
0x34: {  	[smem:$0x3FB4] =	sst s10  }
0x35: {  	s10 =	sld [smem:$0x3FB3];
	_ =	sdelay $0x3  }
0x36: {  	p1 =	seq.s32 s10, $0x1;
	s10 =	sld [smem:$0x3FB4];
	_ =	sdelay $0x3  }
0x37: {  	[smem:$0x3FB4] =	sst s10  }
0x38: {  	s10 =	sld [smem:$0x3FB5]  }
0x39: {  	_ = 	snop;
	(pc) =	sbr.ind lr, $3  }
0x3a: {  	_ = 	snop  }
0x3b: {  	_ = 	snop  }
0x3c: {  	p2 =	seq.s32 s10, $0x1;
	s10 =	sld [smem:$0x3FB4]  }
0x3d: {  	_ =	shalt  }
0x3e: {  	_ =	shalt  }
0x3f: {  	_ =	shalt  }
0x40: {  	_ =	shalt  }
0x41: {  	_ =	shalt  }
0x42: {  	_ =	shalt  }
0x43: {  	_ =	shalt  }
0x44: {  	_ =	shalt  }
0x45: {  	_ =	shalt  }
0x46: {  	_ =	shalt  }
0x47: {  	_ =	shalt  }
0x48: {  	_ =	shalt  }
0x49: {  	_ =	shalt  }
0x4a: {  	_ =	shalt  }
0x4b: {  	_ =	shalt  }
0x4c: {  	_ =	shalt  }
0x4d: {  	_ =	shalt  }
0x4e: {  	_ =	shalt  }
0x4f: {  	_ =	shalt  }
0x50: {  	_ =	shalt  }
0x51: {  	_ =	shalt  }
0x52: {  	_ =	shalt  }
0x53: {  	_ =	shalt  }
0x54: {  	_ =	shalt  }
0x55: {  	_ =	shalt  }
0x56: {  	_ =	shalt  }
0x57: {  	_ =	shalt  }
0x58: {  	_ =	shalt  }
0x59: {  	_ =	shalt  }
0x5a: {  	_ =	shalt  }
0x5b: {  	_ =	shalt  }
0x5c: {  	_ =	shalt  }
0x5d: {  	_ =	shalt  }
0x5e: {  	_ =	shalt  }
0x5f: {  	_ =	shalt  }
0x60: {  	_ =	shalt  }
0x61: {  	_ =	shalt  }
0x62: {  	_ =	shalt  }
0x63: {  	_ =	shalt  }
0x64: {  	_ =	shalt  }
0x65: {  	_ =	shalt  }
0x66: {  	_ =	shalt  }
0x67: {  	_ =	shalt  }
0x68: {  	_ =	shalt  }
0x69: {  	_ =	shalt  }
0x6a: {  	_ =	shalt  }
0x6b: {  	_ =	shalt  }
0x6c: {  	_ =	shalt  }
0x6d: {  	_ =	shalt  }
0x6e: {  	_ =	shalt  }
0x6f: {  	_ =	shalt  }
0x70: {  	_ =	shalt  }
0x71: {  	_ =	shalt  }
0x72: {  	_ =	shalt  }
0x73: {  	_ =	shalt  }
0x74: {  	_ =	shalt  }
0x75: {  	_ =	shalt  }
0x76: {  	_ =	shalt  }
0x77: {  	_ =	shalt  }
0x78: {  	_ =	shalt  }
0x79: {  	_ =	shalt  }
0x7a: {  	_ =	shalt  }
0x7b: {  	_ =	shalt  }
0x7c: {  	_ =	shalt  }
0x7d: {  	_ =	shalt  }
0x7e: {  	_ =	shalt  }
0x7f: {  	_ =	shalt  }
0x80: {  	_ =	shalt  }
0x81: {  	_ =	shalt  }
0x82: {  	_ =	shalt  }
0x83: {  	_ =	shalt  }
0x84: {  	_ =	shalt  }
0x85: {  	_ =	shalt  }
0x86: {  	_ =	shalt  }
0x87: {  	_ =	shalt  }
.Lfunc_end0:
.L_simem_size_0:
called_computation.2_lowered:
.L_overlay_start_0:
0x88: {  	s2 =	sld [smem:$0x3FD9]  }
0x89: {  	s3 =	sld [smem:$0x3FFE];
	_ =	sdelay $0x1  }
0x8a: {  	s1 =	srdreg.scid  }
0x8b: {  	s0 =	sand.u32 $0x1, s1  }
0x8c: {  	s17 =	sshll.u32 s0, $0xA;
	s2 =	sadd.s32 s3, s2  }
0x8d: {  	s2 =	sadd.s32 s2, s17  }
0x8e: {  	[smem:$0x3FC0] =	sst s2  }
0x8f: {  	_ = 	snop  }
0x90: {  	s2 =	sld [smem:$0x3FD0];
	(tm) =	ssettm $0x1  }
0x91: {  	s18 =	sld [smem:$0x3FFB];
	_ =	sdelay $0x3  }
0x92: {  	_ =	strace s18  }
0x93: {  	s3 =	sld [smem:$0x3FFC];
	_ =	sdelay $0x3  }
0x94: {  	_ =	strace s3  }
0x95: {  	s3 =	sld [smem:$0x3FFD];
	_ =	sdelay $0x3  }
0x96: {  	_ =	strace s3  }
0x97: {  	_ =	strace $0x8FFFFFFF  }
0x98: {  	s19 =	sld [smem:$0x3FDB];
	_ =	sdelay $0x1  }
0x99: {  	s4 =	simm.s32 $_scs_section_size  }
0x9a: {  	s5 =	simm.s32 $_size__tile_overlayer_lowered;
	s6 =	simm.s32 $_tile_overlayer_lowered  }
0x9b: {  	s22 =	simm.s32 $0x1BFF;
	s21 =	sshll.u32 s6, $0x1;
	s3 =	sadd.s32 s4, s19  }
0x9c: {  	s7 =	simm.s32 $0x0;
	s20 =	sshll.u32 s5, $0x1;
	s5 =	sadd.s32 s21, s3  }
0x9d: {  	[timem:s7], [sflag:s22] =	dma.local [hbm:s5], s20  }
0x9e: {  	_ =	swait.ge [sflag:s22], s20  }
0x9f: {  	s4 =	ssub.s32 $0x0, s20;
	[sflag:s22] =	ssyncset.done $0x0  }
0xa0: {  	[sflag:s22] =	ssyncadd.s32 s4;
	_ =	sdelay $0x1  }
0xa1: {  	s23 =	simm.s32 $0x1B8B  }
0xa2: {  	_ =	swait.ge [sflag:s23], $0x1  }
0xa3: {  	[sflag:s23] =	ssyncset.done $0x0  }
0xa4: {  	s25 =	simm.s32 $0x1B8E;
	s24 =	sld [smem:$0x3FFE];
	[sflag:s23] =	ssyncadd.s32 $0xFFFFFFFF  }
0xa5: {  	s26 =	simm.s32 $execute0_lowered;
	[smem:$0x3FD2] =	sst s25  }
0xa6: {  	s5 =	sshll.u32 s26, $0x1;
	_ =	strace $0x8000004C;
	[dreg:$0x1] =	wrdreg $0xFFFFFFFF  }
0xa7: {  	s28 =	simm.s32 $_size_execute0_lowered;
	s3 =	sadd.s32 s3, s5;
	[dreg:$0x0] =	wrdreg $0x0  }
0xa8: {  	s5 =	sshll.u32 s28, $0x1;
	[dreg:$0x2] =	wrdreg s3  }
0xa9: {  	[dreg:$0x3] =	wrdreg s5  }
0xaa: {  	[dreg:$0x4] =	wrdreg $0xC0  }
0xab: {  	_ =	task [dreg:s7], $0x5FFFF  }
0xac: {  	[dreg:$0x1] =	wrdreg $0xFFFFFFFF  }
0xad: {  	[dreg:$0x0] =	wrdreg $0x60  }
0xae: {  	[dreg:$0x2] =	wrdreg s24  }
0xaf: {  	[dreg:$0x3] =	wrdreg s2  }
0xb0: {  	[dreg:$0x4] =	wrdreg $0xA8000  }
0xb1: {  	[dreg:$0x5] =	wrdreg $0x9  }
0xb2: {  	_ =	task.clear_ibuf [dreg:s7], $0x6FFFF;
	_ =	strace $0x9000004C  }
0xb3: {  	s29 =	simm.s32 $0x9;
	_ =	strace $0x8000004E  }
0xb4: {  	_ =	swait.ge [sflag:s29], $0x1  }
0xb5: {  	[sflag:s29] =	ssyncadd.s32 $0xFFFFFFFF  }
0xb6: {  	_ =	strace $0x9000004E  }
0xb7: {  	_ =	sfence  }
0xb8: {  	s30 =	sld [smem:$0x0];
	_ =	sdelay $0x2  }
0xb9: {  	s31 =	sshll.u32 s1, $0xD;
	s1 =	sshrl.u32 s1, $0x2  }
0xba: {  	s3 =	sand.u32 $0x4000, s31;
	s1 =	sadd.s32 s1, s30  }
0xbb: {  	s0 =	sor.u32 s3, s0;
	s1 =	sshll.u32 s1, $0x11  }
0xbc: {  	s0 =	sor.u32 s1, s0  }
0xbd: {  	s0 =	sadd.s32 $0x8F2B, s0  }
0xbe: {  	[sflag:s0] =	ssyncadd.remote.s32 $0x1  }
0xbf: {  	_ =	sfence.sel $0xFFFF  }
0xc0: {  	[dreg:$0x0] =	wrdreg $0xFFFFFFFF;
	(pc) =	sbr.abs _section_cstart, $3  }
0xc1: {  	[dreg:$0x1] =	wrdreg $0xFFFFFFFF  }
0xc2: {  	_ =	task.clear_ibuf [dreg:s7], $0x2FFFF;
	_ =	strace $0x9FFFFFFF  }
0xc3: {  	(tm) =	ssettm $0x7FFFFFFF  }
tec
execute0_lowered:
.L_overlay_start_1:
0x0: {  	(tag) =	ssettag $0x1  }
0x1: {  	s0 =	rddreg [dreg:$0x0]  }
0x2: {  	s1 =	rddreg [dreg:$0x1]  }
0x3: {  	s2 =	rddreg [dreg:$0x2];
	s4 =	simm.s32 $0x0  }
0x4: {  	s3 =	srdreg.scid;
	s10 =	stileid.u32;
	s28 =	simm.s32 $0x2600  }
0x5: {  	s29 =	simm.s32 $0x1300;
	s30 =	simm.s32 $0x2680;
	s31 =	simm.s32 $0x1380  }
0x6: {  	[smem:$0x7FF] =	sst s4;
	s3 =	sand.u32 $0x1, s3;
	s12 =	smul.u32 $0x280, s10  }
0x7: {  	s5 =	sadd.s32 $0x3200, s0;
	s6 =	sadd.s32 $0x5EA00, s0;
	s9 =	smul.u32 $0x50000, s10  }
0x8: {  	s11 =	sadd.s32 $0xD200, s0;
	s0 =	sadd.s32 $0x86A00, s0;
	_ =	strace $0x8000004D  }
0x9: {  	s7 =	ssub.s32 $0x2, s3;
	[dreg:$0x4] =	wrdreg s11;
	s17 =	sshll.u32 s3, $0x4  }
0xa: {  	s3 =	smul.u32 $0x2800, s3;
	s8 =	sshrl.u32 s7, $0x1;
	s9 =	sshrl.u32 s9, $0x2  }
0xb: {  	s13 =	sadd.s32 $0x80, s12;
	s14 =	sor.u32 s10, s17;
	s15 =	sadd.s32 $0x100, s12  }
0xc: {  	s16 =	sadd.s32 $0x180, s12;
	s17 =	sadd.s32 $0x200, s12;
	s7 =	ssub.s32 s7, s8  }
0xd: {  	s8 =	sadd.s32 s9, s2;
	s18 =	sshll.u32 s13, $0x7;
	s19 =	sshll.u32 s15, $0x7  }
0xe: {  	s20 =	sshll.u32 s16, $0x7;
	s13 =	sadd.s32 s3, s13;
	s25 =	sadd.s32 s3, s15  }
0xf: {  	s26 =	sadd.s32 s3, s16;
	s9 =	sadd.s32 s18, s2;
	s10 =	sadd.s32 s19, s2  }
0x10: {  	s11 =	sadd.s32 s20, s2;
	s18 =	sshll.u32 s17, $0x7;
	s19 =	sadd.s32 s12, s3  }
0x11: {  	s22 =	sshll.u32 s13, $0x4;
	s13 =	smul.u32 $0x50, s14;
	s3 =	sadd.s32 s3, s17  }
0x12: {  	s14 =	sshll.u32 s25, $0x4;
	s15 =	sshll.u32 s26, $0x4;
	s20 =	simm.s32 $0x2800  }
0x13: {  	s25 =	simm.s32 $0x1;
	s26 =	simm.s32 $0x2;
	s12 =	sadd.s32 s18, s2  }
0x14: {  	s21 =	sshll.u32 s19, $0x4;
	s24 =	sadd.s32 s0, s22;
	s3 =	sshll.u32 s3, $0x4  }
0x15: {  	s14 =	sadd.s32 s0, s14;
	s17 =	sadd.s32 s0, s15;
	s19 =	smax.u32 s7, $0x1  }
0x16: {  	s22 =	simm.s32 $0x1400;
	s7 =	simm.s32 $0x0;
	[dreg:$0x6] =	wrdreg s24  }
0x17: {  	s23 =	sadd.s32 s0, s21;
	[dreg:$0x7] =	wrdreg s14;
	s18 =	sadd.s32 s0, s3  }
0x18: {  	s21 =	simm.s32 $0x3;
	s24 =	simm.s32 $0x6800;
	s0 =	simm.s32 $0x2700  }
0x19: {  	s3 =	simm.s32 $0x2780;
	[dreg:$0x5] =	wrdreg s23;
	s23 =	simm.s32 $0x80  }
.LBB2_1:
0x1a: {  	s14 =	rddreg [dreg:$0x4]  }
0x1b: {  	[tilespmem:s20], [sflag:$0x3] =	stream.linear.gather [hbm4b:s14+s4], $0x4000, $0x38;
	[tilespmem:$0x1E800] =	vst v63  }
0x1c: {  	_ =	swait.ge [sflag:s21], $0x4000  }
0x1d: {  	[sflag:s21] =	ssyncset.done $0x0  }
0x1e: {  	[sflag:s21] =	ssyncadd.s32 $0xFFFFC000  }
0x1f: {  	[spmem:s8] =	stream.linear.scatter [tilespmem:s20], [sflag:$0x3], $0x4000, $0x38;
	[tilespmem:$0x1E800] =	vst v63  }
0x20: {  	_ =	swait.ge [sflag:s21], $0x4000  }
0x21: {  	[sflag:s21] =	ssyncset.done $0x0  }
0x22: {  	[sflag:s21] =	ssyncadd.s32 $0xFFFFC000  }
0x23: {  	[spmem:s9] =	stream.linear.scatter [tilespmem:s20], [sflag:$0x3], $0x4000, $0x38;
	[tilespmem:$0x1E800] =	vst v63  }
0x24: {  	_ =	swait.ge [sflag:s21], $0x4000  }
0x25: {  	[sflag:s21] =	ssyncset.done $0x0  }
0x26: {  	[sflag:s21] =	ssyncadd.s32 $0xFFFFC000  }
0x27: {  	[spmem:s10] =	stream.linear.scatter [tilespmem:s20], [sflag:$0x3], $0x4000, $0x38;
	[tilespmem:$0x1E800] =	vst v63  }
0x28: {  	_ =	swait.ge [sflag:s21], $0x4000  }
0x29: {  	[sflag:s21] =	ssyncset.done $0x0  }
0x2a: {  	[sflag:s21] =	ssyncadd.s32 $0xFFFFC000  }
0x2b: {  	[spmem:s11] =	stream.linear.scatter [tilespmem:s20], [sflag:$0x3], $0x4000, $0x38;
	[tilespmem:$0x1E800] =	vst v63  }
0x2c: {  	_ =	swait.ge [sflag:s21], $0x4000  }
0x2d: {  	[sflag:s21] =	ssyncset.done $0x0  }
0x2e: {  	[sflag:s21] =	ssyncadd.s32 $0xFFFFC000  }
0x2f: {  	[spmem:s12] =	stream.linear.scatter [tilespmem:s20], [sflag:$0x3], $0x4000, $0x38;
	[tilespmem:$0x1E800] =	vst v63  }
0x30: {  	_ =	swait.ge [sflag:s21], $0x4000  }
0x31: {  	[sflag:s21] =	ssyncset.done $0x0  }
0x32: {  	[sflag:s21] =	ssyncadd.s32 $0xFFFFC000  }
0x33: {  	p1 =	por $0x1, $0x1;
	s14 =	simm.s32 $0x0;
	[bflag:$0x0] =	sbarrier.arrive $0xFFFF  }
.LBB2_2:
0x34: {  	s14 =	sadd.s32 s13, s14  }
0x35: {  	s14 =	sshll.u32 s14, $0x4  }
0x36: {  	s16 =	simm.s32 $0x0;
	s15 =	sadd.s32 s5, s14  }
0x37: {  	[tilespmem:s16], [sflag:$0x3] =	stream.linear.gather [hbm4b:s15+s16], $0x1400, $0x38;
	[tilespmem:$0x1E800] =	vst v63  }
0x38: {  	_ =	swait.ge [sflag:s21], $0x1400  }
0x39: {  	[sflag:s21] =	ssyncset.done $0x0  }
0x3a: {  	s14 =	sadd.s32 s1, s14;
	[sflag:s21] =	ssyncadd.s32 $0xFFFFEC00  }
0x3b: {  	[tilespmem:s22], [sflag:$0x3] =	stream.linear.gather [hbm4b:s14+s16], $0x1400, $0x38;
	[tilespmem:$0x1E800] =	vst v63  }
0x3c: {  	_ =	swait.ge [sflag:s21], $0x1400  }
0x3d: {  	[sflag:s21] =	ssyncset.done $0x0  }
0x3e: {  	[sflag:s21] =	ssyncadd.s32 $0xFFFFEC00  }
0x3f: {  	[tilespmem:s20], [sflag:$0x1] =	stream.indirect.gather [hbm4b:s6+s23], $0x80, s16, s23, $0xb8;
	[tilespmem:$0x1E800] =	vst v63  }
0x40: {  	_ = 	snop  }
0x41: {  	[tilespmem:s24], [sflag:$0x2] =	stream.indirect.gather [hbm4b:s6+s23], $0x80, s23, s23, $0xb8;
	[tilespmem:$0x1E800] =	vst v63  }
0x42: {  	_ =	swait.ge [sflag:s25], $0x4000  }
0x43: {  	[sflag:s25] =	ssyncset.done $0x0  }
0x44: {  	s16 =	simm.s32 $0x1400;
	[sflag:s25] =	ssyncadd.s32 $0xFFFFC000  }
0x45: {  	[spmem:s2] =	stream.indirect.scatter.add.f32 [tilespmem:s20], [sflag:$0x3], $0x80, s16, s23, $0xb8;
	[tilespmem:$0x1E800] =	vst v63  }
0x46: {  	_ =	swait.ge [sflag:s21], $0x4000  }
0x47: {  	[sflag:s21] =	ssyncset.done $0x0  }
0x48: {  	s15 =	simm.s32 $0x100;
	[sflag:s21] =	ssyncadd.s32 $0xFFFFC000  }
0x49: {  	[tilespmem:s20], [sflag:$0x1] =	stream.indirect.gather [hbm4b:s6+s23], $0x80, s15, s23, $0xb8;
	[tilespmem:$0x1E800] =	vst v63  }
0x4a: {  	_ =	swait.ge [sflag:s26], $0x4000  }
0x4b: {  	[sflag:s26] =	ssyncset.done $0x0  }
0x4c: {  	s16 =	simm.s32 $0x1480;
	[sflag:s26] =	ssyncadd.s32 $0xFFFFC000  }
0x4d: {  	[spmem:s2] =	stream.indirect.scatter.add.f32 [tilespmem:s24], [sflag:$0x3], $0x80, s16, s23, $0xb8;
	[tilespmem:$0x1E800] =	vst v63  }
0x4e: {  	_ =	swait.ge [sflag:s21], $0x4000  }
0x4f: {  	p0 =	por p1, p1;
	[sflag:s21] =	ssyncset.done $0x0  }
0x50: {  	s14 =	simm.s32 $0x400;
	s15 =	simm.s32 $0x180;
	[sflag:s21] =	ssyncadd.s32 $0xFFFFC000  }
.LBB2_3:
0x51: {  	[tilespmem:s24], [sflag:$0x2] =	stream.indirect.gather [hbm4b:s6+s23], $0x80, s15, s23, $0xb8;
	[tilespmem:$0x1E800] =	vst v63  }
0x52: {  	s15 =	smov.u32 s14  }
0x53: {  	p1 =	sne.s32 s14, $0x4400;
	s14 =	sadd.s32 $0x400, s14;
	_ =	swait.ge [sflag:s25], $0x4000  }
0x54: {  	s15 =	sshra.s32 s15, $0x2;
	[sflag:s25] =	ssyncset.done $0x0  }
0x55: {  	s16 =	sadd.s32 $0x1400, s15;
	[sflag:s25] =	ssyncadd.s32 $0xFFFFC000  }
0x56: {  	[spmem:s2] =	stream.indirect.scatter.add.f32 [tilespmem:s20], [sflag:$0x3], $0x80, s16, s23, $0xb8;
	[tilespmem:$0x1E800] =	vst v63  }
0x57: {  	_ =	swait.ge [sflag:s21], $0x4000  }
0x58: {  	[sflag:s21] =	ssyncset.done $0x0  }
0x59: {  	s16 =	sadd.s32 $0x100, s15;
	[sflag:s21] =	ssyncadd.s32 $0xFFFFC000  }
0x5a: {  	[tilespmem:s20], [sflag:$0x1] =	stream.indirect.gather [hbm4b:s6+s23], $0x80, s16, s23, $0xb8;
	[tilespmem:$0x1E800] =	vst v63  }
0x5b: {  	_ =	swait.ge [sflag:s26], $0x4000  }
0x5c: {  	[sflag:s26] =	ssyncset.done $0x0  }
.Ltmp0:
0x5d: {  	s16 =	sadd.s32 $0x1480, s15;
	[sflag:s26] =	ssyncadd.s32 $0xFFFFC000;
	(pc) =	sbr.rel @p1 .LBB2_3-.Ltmp0, $4  }
0x5e: {  	[spmem:s2] =	stream.indirect.scatter.add.f32 [tilespmem:s24], [sflag:$0x3], $0x80, s16, s23, $0xb8;
	[tilespmem:$0x1E800] =	vst v63  }
0x5f: {  	_ =	swait.ge [sflag:s21], $0x4000  }
0x60: {  	[sflag:s21] =	ssyncset.done $0x0  }
0x61: {  	s15 =	sadd.s32 $0x180, s15;
	[sflag:s21] =	ssyncadd.s32 $0xFFFFC000  }
0x62: {  	[tilespmem:s24], [sflag:$0x2] =	stream.indirect.gather [hbm4b:s6+s23], $0x80, s15, s23, $0xb8;
	[tilespmem:$0x1E800] =	vst v63  }
0x63: {  	_ =	swait.ge [sflag:s25], $0x4000  }
0x64: {  	[sflag:s25] =	ssyncset.done $0x0  }
0x65: {  	[sflag:s25] =	ssyncadd.s32 $0xFFFFC000  }
0x66: {  	[spmem:s2] =	stream.indirect.scatter.add.f32 [tilespmem:s20], [sflag:$0x3], $0x80, s28, s23, $0xb8;
	[tilespmem:$0x1E800] =	vst v63  }
0x67: {  	_ =	swait.ge [sflag:s21], $0x4000  }
0x68: {  	[sflag:s21] =	ssyncset.done $0x0  }
0x69: {  	[sflag:s21] =	ssyncadd.s32 $0xFFFFC000  }
0x6a: {  	[tilespmem:s20], [sflag:$0x1] =	stream.indirect.gather [hbm4b:s6+s23], $0x80, s29, s23, $0xb8;
	[tilespmem:$0x1E800] =	vst v63  }
0x6b: {  	_ =	swait.ge [sflag:s26], $0x4000  }
0x6c: {  	[sflag:s26] =	ssyncset.done $0x0  }
0x6d: {  	[sflag:s26] =	ssyncadd.s32 $0xFFFFC000  }
0x6e: {  	[spmem:s2] =	stream.indirect.scatter.add.f32 [tilespmem:s24], [sflag:$0x3], $0x80, s30, s23, $0xb8;
	[tilespmem:$0x1E800] =	vst v63  }
0x6f: {  	_ =	swait.ge [sflag:s21], $0x4000  }
0x70: {  	[sflag:s21] =	ssyncset.done $0x0  }
0x71: {  	[sflag:s21] =	ssyncadd.s32 $0xFFFFC000  }
0x72: {  	[tilespmem:s24], [sflag:$0x2] =	stream.indirect.gather [hbm4b:s6+s23], $0x80, s31, s23, $0xb8;
	[tilespmem:$0x1E800] =	vst v63  }
0x73: {  	_ =	swait.ge [sflag:s25], $0x4000  }
0x74: {  	[sflag:s25] =	ssyncset.done $0x0  }
0x75: {  	[sflag:s25] =	ssyncadd.s32 $0xFFFFC000  }
0x76: {  	[spmem:s2] =	stream.indirect.scatter.add.f32 [tilespmem:s20], [sflag:$0x3], $0x80, s0, s23, $0xb8;
	[tilespmem:$0x1E800] =	vst v63  }
0x77: {  	_ =	swait.ge [sflag:s21], $0x4000  }
0x78: {  	[sflag:s21] =	ssyncset.done $0x0  }
0x79: {  	[sflag:s21] =	ssyncadd.s32 $0xFFFFC000  }
0x7a: {  	[tilespmem:s20], [sflag:$0x1] =	stream.indirect.gather [hbm4b:s6+s23], $0x80, s31, s23, $0xb8;
	[tilespmem:$0x1E800] =	vst v63  }
0x7b: {  	_ =	swait.ge [sflag:s26], $0x4000  }
0x7c: {  	[sflag:s26] =	ssyncset.done $0x0  }
0x7d: {  	[sflag:s26] =	ssyncadd.s32 $0xFFFFC000  }
0x7e: {  	[spmem:s2] =	stream.indirect.scatter.add.f32 [tilespmem:s24], [sflag:$0x3], $0x80, s3, s23, $0xb8;
	[tilespmem:$0x1E800] =	vst v63  }
0x7f: {  	_ =	swait.ge [sflag:s21], $0x4000  }
0x80: {  	[sflag:s21] =	ssyncset.done $0x0  }
0x81: {  	[sflag:s21] =	ssyncadd.s32 $0xFFFFC000  }
0x82: {  	[tilespmem:s24], [sflag:$0x2] =	stream.indirect.gather [hbm4b:s6+s23], $0x80, s31, s23, $0xb8;
	[tilespmem:$0x1E800] =	vst v63  }
0x83: {  	_ =	swait.ge [sflag:s25], $0x4000  }
.Ltmp1:
0x84: {  	[sflag:s25] =	ssyncset.done $0x0;
	(pc) =	sbr.rel @p0 .LBB2_2-.Ltmp1, $4  }
0x85: {  	[sflag:s25] =	ssyncadd.s32 $0xFFFFC000  }
0x86: {  	_ =	swait.ge [sflag:s26], $0x4000  }
0x87: {  	[sflag:s26] =	ssyncset.done $0x0  }
0x88: {  	s14 =	simm.s32 $0x28;
	p1 =	por $0x0, $0x0;
	[sflag:s26] =	ssyncadd.s32 $0xFFFFC000  }
0x89: {  	[bflag:$0x0] =	sbarrier.arrive $0xFFFF  }
0x8a: {  	[tilespmem:s20], [sflag:$0x3] =	stream.linear.gather [spmem:s8], $0x4000, $0x38;
	[tilespmem:$0x1E800] =	vst v63  }
0x8b: {  	_ =	swait.ge [sflag:s21], $0x4000  }
0x8c: {  	[sflag:s21] =	ssyncset.done $0x0  }
0x8d: {  	s14 =	rddreg [dreg:$0x5];
	[sflag:s21] =	ssyncadd.s32 $0xFFFFC000  }
0x8e: {  	[hbm4b:s14+s4] =	stream.linear.scatter [tilespmem:s20], [sflag:$0x3], $0x4000, $0x38;
	[tilespmem:$0x1E800] =	vst v63  }
0x8f: {  	_ =	swait.ge [sflag:s21], $0x4000  }
0x90: {  	[sflag:s21] =	ssyncset.done $0x0  }
0x91: {  	[sflag:s21] =	ssyncadd.s32 $0xFFFFC000  }
0x92: {  	[tilespmem:s20], [sflag:$0x3] =	stream.linear.gather [spmem:s9], $0x4000, $0x38;
	[tilespmem:$0x1E800] =	vst v63  }
0x93: {  	_ =	swait.ge [sflag:s21], $0x4000  }
0x94: {  	[sflag:s21] =	ssyncset.done $0x0  }
0x95: {  	s15 =	rddreg [dreg:$0x6];
	[sflag:s21] =	ssyncadd.s32 $0xFFFFC000  }
0x96: {  	[hbm4b:s15+s4] =	stream.linear.scatter [tilespmem:s20], [sflag:$0x3], $0x4000, $0x38;
	[tilespmem:$0x1E800] =	vst v63  }
0x97: {  	_ =	swait.ge [sflag:s21], $0x4000  }
0x98: {  	[sflag:s21] =	ssyncset.done $0x0  }
0x99: {  	[sflag:s21] =	ssyncadd.s32 $0xFFFFC000  }
0x9a: {  	[tilespmem:s20], [sflag:$0x3] =	stream.linear.gather [spmem:s10], $0x4000, $0x38;
	[tilespmem:$0x1E800] =	vst v63  }
0x9b: {  	_ =	swait.ge [sflag:s21], $0x4000  }
0x9c: {  	[sflag:s21] =	ssyncset.done $0x0  }
0x9d: {  	s16 =	rddreg [dreg:$0x7];
	[sflag:s21] =	ssyncadd.s32 $0xFFFFC000  }
0x9e: {  	[hbm4b:s16+s4] =	stream.linear.scatter [tilespmem:s20], [sflag:$0x3], $0x4000, $0x38;
	[tilespmem:$0x1E800] =	vst v63  }
0x9f: {  	_ =	swait.ge [sflag:s21], $0x4000  }
0xa0: {  	[sflag:s21] =	ssyncset.done $0x0  }
0xa1: {  	[sflag:s21] =	ssyncadd.s32 $0xFFFFC000  }
0xa2: {  	[tilespmem:s20], [sflag:$0x3] =	stream.linear.gather [spmem:s11], $0x4000, $0x38;
	[tilespmem:$0x1E800] =	vst v63  }
0xa3: {  	_ =	swait.ge [sflag:s21], $0x4000  }
0xa4: {  	[sflag:s21] =	ssyncset.done $0x0  }
0xa5: {  	[sflag:s21] =	ssyncadd.s32 $0xFFFFC000  }
0xa6: {  	[hbm4b:s17+s4] =	stream.linear.scatter [tilespmem:s20], [sflag:$0x3], $0x4000, $0x38;
	[tilespmem:$0x1E800] =	vst v63  }
0xa7: {  	_ =	swait.ge [sflag:s21], $0x4000  }
0xa8: {  	[sflag:s21] =	ssyncset.done $0x0  }
0xa9: {  	[sflag:s21] =	ssyncadd.s32 $0xFFFFC000  }
0xaa: {  	[tilespmem:s20], [sflag:$0x3] =	stream.linear.gather [spmem:s12], $0x4000, $0x38;
	[tilespmem:$0x1E800] =	vst v63  }
0xab: {  	s7 =	sadd.s32 $0x1, s7;
	_ =	swait.ge [sflag:s21], $0x4000  }
0xac: {  	p0 =	sne.s32 s7, s19;
	[sflag:s21] =	ssyncset.done $0x0  }
.Ltmp2:
0xad: {  	[sflag:s21] =	ssyncadd.s32 $0xFFFFC000;
	(pc) =	sbr.rel @p0 .LBB2_1-.Ltmp2, $4  }
0xae: {  	[hbm4b:s18+s4] =	stream.linear.scatter [tilespmem:s20], [sflag:$0x3], $0x4000, $0x38;
	[tilespmem:$0x1E800] =	vst v63  }
0xaf: {  	_ =	swait.ge [sflag:s21], $0x4000  }
0xb0: {  	[sflag:s21] =	ssyncset.done $0x0  }
0xb1: {  	[sflag:s21] =	ssyncadd.s32 $0xFFFFC000  }
0xb2: {  	_ =	sfence.sel $0x180000  }
0xb3: {  	[bflag:$0x0] =	sbarrier.arrive $0xFFFF  }
0xb4: {  	_ =	strace $0x9000004D  }
0xb5: {  	s0 =	stileid.u32;
	[bflag:$0x2] =	sbarrier.arrive $0xFFFF  }
0xb6: {  	p0 =	sne.s32 s0, $0x0;
	s0 =	rddreg [dreg:$0x3]  }
0xb7: {  	s0 =	sadd.s32 @!p0 $0x100000, s0  }
0xb8: {  	[sflag:s0] =	ssyncadd.tile.s32 @!p0 $0x1;
	_ =	shalt  }
.Lfunc_end2:
_tile_overlayer_lowered:
.L_overlay_start_2:
0xb9: {  	(tag) =	ssettag $0x2  }
0xba: {  	s0 =	rddreg [dreg:$0x0];
	s2 =	stileid.u32  }
0xbb: {  	s1 =	rddreg [dreg:$0x1];
	p0 =	sne.s32 s2, $0x0  }
0xbc: {  	s3 =	rddreg [dreg:$0x2];
	[bflag:$0x3] =	sbarrier.arrive $0xFFFF;
	s2 =	simm.s32 @!p0 $0x1C03  }
0xbd: {  	[timem:s3], [sflag:s2] =	dma.local @!p0 [hbm:s0], s1  }
0xbe: {  	s0 =	simm.s32 @!p0 $0x3  }
0xbf: {  	_ =	swait.ge @!p0 [sflag:s0], s1  }
0xc0: {  	s1 =	ssub.s32 @!p0 $0x0, s1;
	[sflag:s0] =	ssyncset.done @!p0 $0x0  }
0xc1: {  	[sflag:s0] =	ssyncadd.s32 @!p0 s1  }
0xc2: {  	[bflag:$0x3] =	sbarrier.arrive $0xFFFF  }
0xc3: {  	_ =	shalt  }

// kernel: kernel.19.cloned.1.call-start
scs
__scs_entry_jumppad:
0x0: {  	(pc) =	sbr.rel $0x88, $3  }
0x1: {  	(tag) =	ssettag $0x0;
	lr =	simm.s32 $0x1  }
0x2: {  	[smem:$0x3F99] =	sst lr;
	_ =	strace $0xD0000000  }
0x3: {  	_ = 	snop  }
0x4: {  	_ = 	snop  }
0x5: {  	_ = 	snop  }
0x6: {  	_ = 	snop  }
0x7: {  	_ = 	snop  }
__scs_overlays_trampoline_lowered:
0x8: {  	[smem:$0x3FA8] =	sst s0  }
0x9: {  	[smem:$0x3FA9] =	sst s1  }
0xa: {  	[smem:$0x3FAA] =	sst s2  }
0xb: {  	[smem:$0x3FAB] =	sst s3  }
0xc: {  	[smem:$0x3FAC] =	sst s4  }
0xd: {  	[smem:$0x3FAD] =	sst s5  }
0xe: {  	[smem:$0x3FAE] =	sst s6  }
0xf: {  	[smem:$0x3FAF] =	sst s7  }
0x10: {  	[smem:$0x3FB0] =	sst s8  }
0x11: {  	[smem:$0x3FB1] =	sst s9;
	s0 =	simm.s32 @!p0 $0x0  }
0x12: {  	s1 =	sld [smem:$0x3F97];
	s0 =	simm.s32 @p0 $0x1  }
0x13: {  	[smem:$0x3FB2] =	sst s0;
	s0 =	simm.s32 @!p1 $0x0  }
0x14: {  	s2 =	sld [smem:$0x3F96];
	s0 =	simm.s32 @p1 $0x1  }
0x15: {  	[smem:$0x3FB3] =	sst s0;
	s0 =	simm.s32 @!p2 $0x0  }
0x16: {  	s3 =	sld [smem:$0x3FDB];
	s0 =	simm.s32 @p2 $0x1  }
0x17: {  	s4 =	simm.s32 $0x1BF5;
	[smem:$0x3FB5] =	sst s0  }
0x18: {  	s0 =	sld [smem:$0x3F98];
	_ =	swait.ge [sflag:s4], $0x0  }
0x19: {  	s7 =	sld [smem:$0x3F99]  }
0x1a: {  	s8 =	sadd.s32 $0xFFFFE003, lr  }
0x1b: {  	s9 =	sadd.s32 $0xFFFFFEF7, lr;
	s5 =	simm.s32 $0xFFFFFFFF;
	p2 =	slt.u32 s8, $0xFFFFF086  }
0x1c: {  	p1 =	slt.u32 s9, $0xF7A;
	s5 =	simm.s32 @!p2 $0x0  }
0x1d: {  	s5 =	simm.s32 @p1 $0x1;
	p0 =	seq.s32 s7, s2  }
0x1e: {  	s7 =	smul.u32 @!p0 $0xF7A, s2;
	p2 =	seq.s32 @!p0 s5, $0x0  }
0x1f: {  	s9 =	smul.u32 $0xF7A, s1;
	s8 =	simm.s32 @!p0 $0x1BF5;
	p2 =	por !p2, p0  }
0x20: {  	[sflag:s8] =	ssyncset.s32 @!p0 $0xFFFFF086;
	s6 =	sadd.s32 @!p0 s3, s7;
	s7 =	simm.s32 @!p0 $0x108  }
0x21: {  	s3 =	sadd.s32 s3, s9;
	s6 =	sadd.s32 @!p0 $0x88, s6;
	s7 =	simm.s32 @p2 $0x1082  }
0x22: {  	[simem:s7], [sflag:s8] =	dma.local @!p0 [hbm:s6], $0xF7A  }
0x23: {  	s9 =	sor.u32 $0xD0000000, s2;
	s6 =	simm.s32 $0x108;
	_ =	swait.ge @!p0 [sflag:s8], $0x0  }
0x24: {  	s3 =	sadd.s32 $0x88, s3;
	s6 =	simm.s32 @!p1 $0x1082;
	[sflag:s4] =	ssyncset.s32 $0xFFFFF086  }
0x25: {  	[simem:s6], [sflag:s4] =	dma.local [hbm:s3], $0xF7A  }
0x26: {  	[smem:$0x3F99] =	sst s1;
	(tag) =	ssettag s2;
	_ =	strace s9  }
0x27: {  	s1 =	sld [smem:$0x3FA9]  }
0x28: {  	s2 =	sld [smem:$0x3FAA]  }
0x29: {  	s4 =	sld [smem:$0x3FAC]  }
0x2a: {  	p0 =	seq.s32 s5, $0x0;
	s5 =	sld [smem:$0x3FAD]  }
0x2b: {  	s6 =	sld [smem:$0x3FAE]  }
0x2c: {  	s7 =	sld [smem:$0x3FAF]  }
0x2d: {  	s3 =	simm.s32 $0x108;
	s8 =	sld [smem:$0x3FB0]  }
0x2e: {  	s3 =	simm.s32 @!p0 $0x1082;
	s9 =	sld [smem:$0x3FB1]  }
0x2f: {  	lr =	sadd.s32 s0, s3;
	s0 =	sld [smem:$0x3FA8]  }
0x30: {  	s3 =	sld [smem:$0x3FAB]  }
0x31: {  	[smem:$0x3FB4] =	sst s10  }
0x32: {  	s10 =	sld [smem:$0x3FB2];
	_ =	sdelay $0x3  }
0x33: {  	p0 =	seq.s32 s10, $0x1;
	s10 =	sld [smem:$0x3FB4];
	_ =	sdelay $0x3  }
0x34: {  	[smem:$0x3FB4] =	sst s10  }
0x35: {  	s10 =	sld [smem:$0x3FB3];
	_ =	sdelay $0x3  }
0x36: {  	p1 =	seq.s32 s10, $0x1;
	s10 =	sld [smem:$0x3FB4];
	_ =	sdelay $0x3  }
0x37: {  	[smem:$0x3FB4] =	sst s10  }
0x38: {  	s10 =	sld [smem:$0x3FB5]  }
0x39: {  	_ = 	snop;
	(pc) =	sbr.ind lr, $3  }
0x3a: {  	_ = 	snop  }
0x3b: {  	_ = 	snop  }
0x3c: {  	p2 =	seq.s32 s10, $0x1;
	s10 =	sld [smem:$0x3FB4]  }
0x3d: {  	_ =	shalt  }
0x3e: {  	_ =	shalt  }
0x3f: {  	_ =	shalt  }
0x40: {  	_ =	shalt  }
0x41: {  	_ =	shalt  }
0x42: {  	_ =	shalt  }
0x43: {  	_ =	shalt  }
0x44: {  	_ =	shalt  }
0x45: {  	_ =	shalt  }
0x46: {  	_ =	shalt  }
0x47: {  	_ =	shalt  }
0x48: {  	_ =	shalt  }
0x49: {  	_ =	shalt  }
0x4a: {  	_ =	shalt  }
0x4b: {  	_ =	shalt  }
0x4c: {  	_ =	shalt  }
0x4d: {  	_ =	shalt  }
0x4e: {  	_ =	shalt  }
0x4f: {  	_ =	shalt  }
0x50: {  	_ =	shalt  }
0x51: {  	_ =	shalt  }
0x52: {  	_ =	shalt  }
0x53: {  	_ =	shalt  }
0x54: {  	_ =	shalt  }
0x55: {  	_ =	shalt  }
0x56: {  	_ =	shalt  }
0x57: {  	_ =	shalt  }
0x58: {  	_ =	shalt  }
0x59: {  	_ =	shalt  }
0x5a: {  	_ =	shalt  }
0x5b: {  	_ =	shalt  }
0x5c: {  	_ =	shalt  }
0x5d: {  	_ =	shalt  }
0x5e: {  	_ =	shalt  }
0x5f: {  	_ =	shalt  }
0x60: {  	_ =	shalt  }
0x61: {  	_ =	shalt  }
0x62: {  	_ =	shalt  }
0x63: {  	_ =	shalt  }
0x64: {  	_ =	shalt  }
0x65: {  	_ =	shalt  }
0x66: {  	_ =	shalt  }
0x67: {  	_ =	shalt  }
0x68: {  	_ =	shalt  }
0x69: {  	_ =	shalt  }
0x6a: {  	_ =	shalt  }
0x6b: {  	_ =	shalt  }
0x6c: {  	_ =	shalt  }
0x6d: {  	_ =	shalt  }
0x6e: {  	_ =	shalt  }
0x6f: {  	_ =	shalt  }
0x70: {  	_ =	shalt  }
0x71: {  	_ =	shalt  }
0x72: {  	_ =	shalt  }
0x73: {  	_ =	shalt  }
0x74: {  	_ =	shalt  }
0x75: {  	_ =	shalt  }
0x76: {  	_ =	shalt  }
0x77: {  	_ =	shalt  }
0x78: {  	_ =	shalt  }
0x79: {  	_ =	shalt  }
0x7a: {  	_ =	shalt  }
0x7b: {  	_ =	shalt  }
0x7c: {  	_ =	shalt  }
0x7d: {  	_ =	shalt  }
0x7e: {  	_ =	shalt  }
0x7f: {  	_ =	shalt  }
0x80: {  	_ =	shalt  }
0x81: {  	_ =	shalt  }
0x82: {  	_ =	shalt  }
0x83: {  	_ =	shalt  }
0x84: {  	_ =	shalt  }
0x85: {  	_ =	shalt  }
0x86: {  	_ =	shalt  }
0x87: {  	_ =	shalt  }
.Lfunc_end0:
.L_simem_size_0:
called_computation.3_lowered:
.L_overlay_start_0:
0x88: {  	s2 =	sld [smem:$0x3FD9]  }
0x89: {  	s3 =	sld [smem:$0x3FFE];
	_ =	sdelay $0x1  }
0x8a: {  	s1 =	srdreg.scid  }
0x8b: {  	s0 =	sand.u32 $0x1, s1  }
0x8c: {  	s17 =	sshll.u32 s0, $0xA;
	s2 =	sadd.s32 s3, s2  }
0x8d: {  	s2 =	sadd.s32 s2, s17  }
0x8e: {  	[smem:$0x3FC0] =	sst s2  }
0x8f: {  	_ = 	snop  }
0x90: {  	s2 =	sld [smem:$0x3FD0];
	(tm) =	ssettm $0x1  }
0x91: {  	s18 =	sld [smem:$0x3FFB];
	_ =	sdelay $0x3  }
0x92: {  	_ =	strace s18  }
0x93: {  	s3 =	sld [smem:$0x3FFC];
	_ =	sdelay $0x3  }
0x94: {  	_ =	strace s3  }
0x95: {  	s3 =	sld [smem:$0x3FFD];
	_ =	sdelay $0x3  }
0x96: {  	_ =	strace s3  }
0x97: {  	_ =	strace $0x8FFFFFFF  }
0x98: {  	s19 =	sld [smem:$0x3FDB];
	_ =	sdelay $0x1  }
0x99: {  	s4 =	simm.s32 $_scs_section_size  }
0x9a: {  	s5 =	simm.s32 $_size__tile_overlayer_lowered;
	s6 =	simm.s32 $_tile_overlayer_lowered  }
0x9b: {  	s22 =	simm.s32 $0x1BFF;
	s21 =	sshll.u32 s6, $0x1;
	s3 =	sadd.s32 s4, s19  }
0x9c: {  	s7 =	simm.s32 $0x0;
	s20 =	sshll.u32 s5, $0x1;
	s5 =	sadd.s32 s21, s3  }
0x9d: {  	[timem:s7], [sflag:s22] =	dma.local [hbm:s5], s20  }
0x9e: {  	_ =	swait.ge [sflag:s22], s20  }
0x9f: {  	s4 =	ssub.s32 $0x0, s20;
	[sflag:s22] =	ssyncset.done $0x0  }
0xa0: {  	[sflag:s22] =	ssyncadd.s32 s4;
	_ =	sdelay $0x1  }
0xa1: {  	s23 =	simm.s32 $0x1B8B  }
0xa2: {  	_ =	swait.ge [sflag:s23], $0x1  }
0xa3: {  	[sflag:s23] =	ssyncset.done $0x0  }
0xa4: {  	s25 =	simm.s32 $0x1B8E;
	s24 =	sld [smem:$0x3FFE];
	[sflag:s23] =	ssyncadd.s32 $0xFFFFFFFF  }
0xa5: {  	s26 =	simm.s32 $execute0_lowered;
	[smem:$0x3FD2] =	sst s25  }
0xa6: {  	s5 =	sshll.u32 s26, $0x1;
	_ =	strace $0x8000004F;
	[dreg:$0x1] =	wrdreg $0xFFFFFFFF  }
0xa7: {  	s28 =	simm.s32 $_size_execute0_lowered;
	s3 =	sadd.s32 s3, s5;
	[dreg:$0x0] =	wrdreg $0x0  }
0xa8: {  	s5 =	sshll.u32 s28, $0x1;
	[dreg:$0x2] =	wrdreg s3  }
0xa9: {  	[dreg:$0x3] =	wrdreg s5  }
0xaa: {  	[dreg:$0x4] =	wrdreg $0xC0  }
0xab: {  	_ =	task [dreg:s7], $0x5FFFF  }
0xac: {  	[dreg:$0x1] =	wrdreg $0xFFFFFFFF  }
0xad: {  	[dreg:$0x0] =	wrdreg $0x60  }
0xae: {  	[dreg:$0x2] =	wrdreg s24  }
0xaf: {  	[dreg:$0x3] =	wrdreg s2  }
0xb0: {  	[dreg:$0x4] =	wrdreg $0xA8000  }
0xb1: {  	[dreg:$0x5] =	wrdreg $0x9  }
0xb2: {  	_ =	task.clear_ibuf [dreg:s7], $0x6FFFF;
	_ =	strace $0x9000004F  }
0xb3: {  	s29 =	simm.s32 $0x9;
	_ =	strace $0x80000051  }
0xb4: {  	_ =	swait.ge [sflag:s29], $0x1  }
0xb5: {  	[sflag:s29] =	ssyncadd.s32 $0xFFFFFFFF  }
0xb6: {  	_ =	strace $0x90000051  }
0xb7: {  	_ =	sfence  }
0xb8: {  	s30 =	sld [smem:$0x0];
	_ =	sdelay $0x2  }
0xb9: {  	s31 =	sshll.u32 s1, $0xD;
	s1 =	sshrl.u32 s1, $0x2  }
0xba: {  	s3 =	sand.u32 $0x4000, s31;
	s1 =	sadd.s32 s1, s30  }
0xbb: {  	s0 =	sor.u32 s3, s0;
	s1 =	sshll.u32 s1, $0x11  }
0xbc: {  	s0 =	sor.u32 s1, s0  }
0xbd: {  	s0 =	sadd.s32 $0x8F2B, s0  }
0xbe: {  	[sflag:s0] =	ssyncadd.remote.s32 $0x1  }
0xbf: {  	_ =	sfence.sel $0xFFFF  }
0xc0: {  	[dreg:$0x0] =	wrdreg $0xFFFFFFFF;
	(pc) =	sbr.abs _section_cstart, $3  }
0xc1: {  	[dreg:$0x1] =	wrdreg $0xFFFFFFFF  }
0xc2: {  	_ =	task.clear_ibuf [dreg:s7], $0x2FFFF;
	_ =	strace $0x9FFFFFFF  }
0xc3: {  	(tm) =	ssettm $0x7FFFFFFF  }
tec
execute0_lowered:
.L_overlay_start_1:
0x0: {  	(tag) =	ssettag $0x1  }
0x1: {  	s0 =	rddreg [dreg:$0x0]  }
0x2: {  	s1 =	rddreg [dreg:$0x1]  }
0x3: {  	s2 =	rddreg [dreg:$0x2];
	s4 =	simm.s32 $0x0  }
0x4: {  	s3 =	srdreg.scid;
	s10 =	stileid.u32;
	s28 =	simm.s32 $0x2600  }
0x5: {  	s29 =	simm.s32 $0x1300;
	s30 =	simm.s32 $0x2680;
	s31 =	simm.s32 $0x1380  }
0x6: {  	[smem:$0x7FF] =	sst s4;
	s3 =	sand.u32 $0x1, s3;
	s12 =	smul.u32 $0x280, s10  }
0x7: {  	s5 =	sadd.s32 $0x3200, s0;
	s6 =	sadd.s32 $0xDA00, s0;
	s9 =	smul.u32 $0x50000, s10  }
0x8: {  	s11 =	sadd.s32 $0xD200, s0;
	s0 =	sadd.s32 $0x35A00, s0;
	_ =	strace $0x80000050  }
0x9: {  	s7 =	ssub.s32 $0x2, s3;
	[dreg:$0x4] =	wrdreg s11;
	s17 =	sshll.u32 s3, $0x4  }
0xa: {  	s3 =	smul.u32 $0x2800, s3;
	s8 =	sshrl.u32 s7, $0x1;
	s9 =	sshrl.u32 s9, $0x2  }
0xb: {  	s13 =	sadd.s32 $0x80, s12;
	s14 =	sor.u32 s10, s17;
	s15 =	sadd.s32 $0x100, s12  }
0xc: {  	s16 =	sadd.s32 $0x180, s12;
	s17 =	sadd.s32 $0x200, s12;
	s7 =	ssub.s32 s7, s8  }
0xd: {  	s8 =	sadd.s32 s9, s2;
	s18 =	sshll.u32 s13, $0x7;
	s19 =	sshll.u32 s15, $0x7  }
0xe: {  	s20 =	sshll.u32 s16, $0x7;
	s13 =	sadd.s32 s3, s13;
	s25 =	sadd.s32 s3, s15  }
0xf: {  	s26 =	sadd.s32 s3, s16;
	s9 =	sadd.s32 s18, s2;
	s10 =	sadd.s32 s19, s2  }
0x10: {  	s11 =	sadd.s32 s20, s2;
	s18 =	sshll.u32 s17, $0x7;
	s19 =	sadd.s32 s12, s3  }
0x11: {  	s22 =	sshll.u32 s13, $0x4;
	s13 =	smul.u32 $0x50, s14;
	s3 =	sadd.s32 s3, s17  }
0x12: {  	s14 =	sshll.u32 s25, $0x4;
	s15 =	sshll.u32 s26, $0x4;
	s20 =	simm.s32 $0x2800  }
0x13: {  	s25 =	simm.s32 $0x1;
	s26 =	simm.s32 $0x2;
	s12 =	sadd.s32 s18, s2  }
0x14: {  	s21 =	sshll.u32 s19, $0x4;
	s24 =	sadd.s32 s0, s22;
	s3 =	sshll.u32 s3, $0x4  }
0x15: {  	s14 =	sadd.s32 s0, s14;
	s17 =	sadd.s32 s0, s15;
	s19 =	smax.u32 s7, $0x1  }
0x16: {  	s22 =	simm.s32 $0x1400;
	s7 =	simm.s32 $0x0;
	[dreg:$0x6] =	wrdreg s24  }
0x17: {  	s23 =	sadd.s32 s0, s21;
	[dreg:$0x7] =	wrdreg s14;
	s18 =	sadd.s32 s0, s3  }
0x18: {  	s21 =	simm.s32 $0x3;
	s24 =	simm.s32 $0x6800;
	s0 =	simm.s32 $0x2700  }
0x19: {  	s3 =	simm.s32 $0x2780;
	[dreg:$0x5] =	wrdreg s23;
	s23 =	simm.s32 $0x80  }
.LBB2_1:
0x1a: {  	s14 =	rddreg [dreg:$0x4]  }
0x1b: {  	[tilespmem:s20], [sflag:$0x3] =	stream.linear.gather [hbm4b:s14+s4], $0x4000, $0x38;
	[tilespmem:$0x1E800] =	vst v63  }
0x1c: {  	_ =	swait.ge [sflag:s21], $0x4000  }
0x1d: {  	[sflag:s21] =	ssyncset.done $0x0  }
0x1e: {  	[sflag:s21] =	ssyncadd.s32 $0xFFFFC000  }
0x1f: {  	[spmem:s8] =	stream.linear.scatter [tilespmem:s20], [sflag:$0x3], $0x4000, $0x38;
	[tilespmem:$0x1E800] =	vst v63  }
0x20: {  	_ =	swait.ge [sflag:s21], $0x4000  }
0x21: {  	[sflag:s21] =	ssyncset.done $0x0  }
0x22: {  	[sflag:s21] =	ssyncadd.s32 $0xFFFFC000  }
0x23: {  	[spmem:s9] =	stream.linear.scatter [tilespmem:s20], [sflag:$0x3], $0x4000, $0x38;
	[tilespmem:$0x1E800] =	vst v63  }
0x24: {  	_ =	swait.ge [sflag:s21], $0x4000  }
0x25: {  	[sflag:s21] =	ssyncset.done $0x0  }
0x26: {  	[sflag:s21] =	ssyncadd.s32 $0xFFFFC000  }
0x27: {  	[spmem:s10] =	stream.linear.scatter [tilespmem:s20], [sflag:$0x3], $0x4000, $0x38;
	[tilespmem:$0x1E800] =	vst v63  }
0x28: {  	_ =	swait.ge [sflag:s21], $0x4000  }
0x29: {  	[sflag:s21] =	ssyncset.done $0x0  }
0x2a: {  	[sflag:s21] =	ssyncadd.s32 $0xFFFFC000  }
0x2b: {  	[spmem:s11] =	stream.linear.scatter [tilespmem:s20], [sflag:$0x3], $0x4000, $0x38;
	[tilespmem:$0x1E800] =	vst v63  }
0x2c: {  	_ =	swait.ge [sflag:s21], $0x4000  }
0x2d: {  	[sflag:s21] =	ssyncset.done $0x0  }
0x2e: {  	[sflag:s21] =	ssyncadd.s32 $0xFFFFC000  }
0x2f: {  	[spmem:s12] =	stream.linear.scatter [tilespmem:s20], [sflag:$0x3], $0x4000, $0x38;
	[tilespmem:$0x1E800] =	vst v63  }
0x30: {  	_ =	swait.ge [sflag:s21], $0x4000  }
0x31: {  	[sflag:s21] =	ssyncset.done $0x0  }
0x32: {  	[sflag:s21] =	ssyncadd.s32 $0xFFFFC000  }
0x33: {  	p1 =	por $0x1, $0x1;
	s14 =	simm.s32 $0x0;
	[bflag:$0x0] =	sbarrier.arrive $0xFFFF  }
.LBB2_2:
0x34: {  	s14 =	sadd.s32 s13, s14  }
0x35: {  	s14 =	sshll.u32 s14, $0x4  }
0x36: {  	s16 =	simm.s32 $0x0;
	s15 =	sadd.s32 s5, s14  }
0x37: {  	[tilespmem:s16], [sflag:$0x3] =	stream.linear.gather [hbm4b:s15+s16], $0x1400, $0x38;
	[tilespmem:$0x1E800] =	vst v63  }
0x38: {  	_ =	swait.ge [sflag:s21], $0x1400  }
0x39: {  	[sflag:s21] =	ssyncset.done $0x0  }
0x3a: {  	s14 =	sadd.s32 s1, s14;
	[sflag:s21] =	ssyncadd.s32 $0xFFFFEC00  }
0x3b: {  	[tilespmem:s22], [sflag:$0x3] =	stream.linear.gather [hbm4b:s14+s16], $0x1400, $0x38;
	[tilespmem:$0x1E800] =	vst v63  }
0x3c: {  	_ =	swait.ge [sflag:s21], $0x1400  }
0x3d: {  	[sflag:s21] =	ssyncset.done $0x0  }
0x3e: {  	[sflag:s21] =	ssyncadd.s32 $0xFFFFEC00  }
0x3f: {  	[tilespmem:s20], [sflag:$0x1] =	stream.indirect.gather [hbm4b:s6+s23], $0x80, s16, s23, $0xb8;
	[tilespmem:$0x1E800] =	vst v63  }
0x40: {  	_ = 	snop  }
0x41: {  	[tilespmem:s24], [sflag:$0x2] =	stream.indirect.gather [hbm4b:s6+s23], $0x80, s23, s23, $0xb8;
	[tilespmem:$0x1E800] =	vst v63  }
0x42: {  	_ =	swait.ge [sflag:s25], $0x4000  }
0x43: {  	[sflag:s25] =	ssyncset.done $0x0  }
0x44: {  	s16 =	simm.s32 $0x1400;
	[sflag:s25] =	ssyncadd.s32 $0xFFFFC000  }
0x45: {  	[spmem:s2] =	stream.indirect.scatter.add.f32 [tilespmem:s20], [sflag:$0x3], $0x80, s16, s23, $0xb8;
	[tilespmem:$0x1E800] =	vst v63  }
0x46: {  	_ =	swait.ge [sflag:s21], $0x4000  }
0x47: {  	[sflag:s21] =	ssyncset.done $0x0  }
0x48: {  	s15 =	simm.s32 $0x100;
	[sflag:s21] =	ssyncadd.s32 $0xFFFFC000  }
0x49: {  	[tilespmem:s20], [sflag:$0x1] =	stream.indirect.gather [hbm4b:s6+s23], $0x80, s15, s23, $0xb8;
	[tilespmem:$0x1E800] =	vst v63  }
0x4a: {  	_ =	swait.ge [sflag:s26], $0x4000  }
0x4b: {  	[sflag:s26] =	ssyncset.done $0x0  }
0x4c: {  	s16 =	simm.s32 $0x1480;
	[sflag:s26] =	ssyncadd.s32 $0xFFFFC000  }
0x4d: {  	[spmem:s2] =	stream.indirect.scatter.add.f32 [tilespmem:s24], [sflag:$0x3], $0x80, s16, s23, $0xb8;
	[tilespmem:$0x1E800] =	vst v63  }
0x4e: {  	_ =	swait.ge [sflag:s21], $0x4000  }
0x4f: {  	p0 =	por p1, p1;
	[sflag:s21] =	ssyncset.done $0x0  }
0x50: {  	s14 =	simm.s32 $0x400;
	s15 =	simm.s32 $0x180;
	[sflag:s21] =	ssyncadd.s32 $0xFFFFC000  }
.LBB2_3:
0x51: {  	[tilespmem:s24], [sflag:$0x2] =	stream.indirect.gather [hbm4b:s6+s23], $0x80, s15, s23, $0xb8;
	[tilespmem:$0x1E800] =	vst v63  }
0x52: {  	s15 =	smov.u32 s14  }
0x53: {  	p1 =	sne.s32 s14, $0x4400;
	s14 =	sadd.s32 $0x400, s14;
	_ =	swait.ge [sflag:s25], $0x4000  }
0x54: {  	s15 =	sshra.s32 s15, $0x2;
	[sflag:s25] =	ssyncset.done $0x0  }
0x55: {  	s16 =	sadd.s32 $0x1400, s15;
	[sflag:s25] =	ssyncadd.s32 $0xFFFFC000  }
0x56: {  	[spmem:s2] =	stream.indirect.scatter.add.f32 [tilespmem:s20], [sflag:$0x3], $0x80, s16, s23, $0xb8;
	[tilespmem:$0x1E800] =	vst v63  }
0x57: {  	_ =	swait.ge [sflag:s21], $0x4000  }
0x58: {  	[sflag:s21] =	ssyncset.done $0x0  }
0x59: {  	s16 =	sadd.s32 $0x100, s15;
	[sflag:s21] =	ssyncadd.s32 $0xFFFFC000  }
0x5a: {  	[tilespmem:s20], [sflag:$0x1] =	stream.indirect.gather [hbm4b:s6+s23], $0x80, s16, s23, $0xb8;
	[tilespmem:$0x1E800] =	vst v63  }
0x5b: {  	_ =	swait.ge [sflag:s26], $0x4000  }
0x5c: {  	[sflag:s26] =	ssyncset.done $0x0  }
.Ltmp0:
0x5d: {  	s16 =	sadd.s32 $0x1480, s15;
	[sflag:s26] =	ssyncadd.s32 $0xFFFFC000;
	(pc) =	sbr.rel @p1 .LBB2_3-.Ltmp0, $4  }
0x5e: {  	[spmem:s2] =	stream.indirect.scatter.add.f32 [tilespmem:s24], [sflag:$0x3], $0x80, s16, s23, $0xb8;
	[tilespmem:$0x1E800] =	vst v63  }
0x5f: {  	_ =	swait.ge [sflag:s21], $0x4000  }
0x60: {  	[sflag:s21] =	ssyncset.done $0x0  }
0x61: {  	s15 =	sadd.s32 $0x180, s15;
	[sflag:s21] =	ssyncadd.s32 $0xFFFFC000  }
0x62: {  	[tilespmem:s24], [sflag:$0x2] =	stream.indirect.gather [hbm4b:s6+s23], $0x80, s15, s23, $0xb8;
	[tilespmem:$0x1E800] =	vst v63  }
0x63: {  	_ =	swait.ge [sflag:s25], $0x4000  }
0x64: {  	[sflag:s25] =	ssyncset.done $0x0  }
0x65: {  	[sflag:s25] =	ssyncadd.s32 $0xFFFFC000  }
0x66: {  	[spmem:s2] =	stream.indirect.scatter.add.f32 [tilespmem:s20], [sflag:$0x3], $0x80, s28, s23, $0xb8;
	[tilespmem:$0x1E800] =	vst v63  }
0x67: {  	_ =	swait.ge [sflag:s21], $0x4000  }
0x68: {  	[sflag:s21] =	ssyncset.done $0x0  }
0x69: {  	[sflag:s21] =	ssyncadd.s32 $0xFFFFC000  }
0x6a: {  	[tilespmem:s20], [sflag:$0x1] =	stream.indirect.gather [hbm4b:s6+s23], $0x80, s29, s23, $0xb8;
	[tilespmem:$0x1E800] =	vst v63  }
0x6b: {  	_ =	swait.ge [sflag:s26], $0x4000  }
0x6c: {  	[sflag:s26] =	ssyncset.done $0x0  }
0x6d: {  	[sflag:s26] =	ssyncadd.s32 $0xFFFFC000  }
0x6e: {  	[spmem:s2] =	stream.indirect.scatter.add.f32 [tilespmem:s24], [sflag:$0x3], $0x80, s30, s23, $0xb8;
	[tilespmem:$0x1E800] =	vst v63  }
0x6f: {  	_ =	swait.ge [sflag:s21], $0x4000  }
0x70: {  	[sflag:s21] =	ssyncset.done $0x0  }
0x71: {  	[sflag:s21] =	ssyncadd.s32 $0xFFFFC000  }
0x72: {  	[tilespmem:s24], [sflag:$0x2] =	stream.indirect.gather [hbm4b:s6+s23], $0x80, s31, s23, $0xb8;
	[tilespmem:$0x1E800] =	vst v63  }
0x73: {  	_ =	swait.ge [sflag:s25], $0x4000  }
0x74: {  	[sflag:s25] =	ssyncset.done $0x0  }
0x75: {  	[sflag:s25] =	ssyncadd.s32 $0xFFFFC000  }
0x76: {  	[spmem:s2] =	stream.indirect.scatter.add.f32 [tilespmem:s20], [sflag:$0x3], $0x80, s0, s23, $0xb8;
	[tilespmem:$0x1E800] =	vst v63  }
0x77: {  	_ =	swait.ge [sflag:s21], $0x4000  }
0x78: {  	[sflag:s21] =	ssyncset.done $0x0  }
0x79: {  	[sflag:s21] =	ssyncadd.s32 $0xFFFFC000  }
0x7a: {  	[tilespmem:s20], [sflag:$0x1] =	stream.indirect.gather [hbm4b:s6+s23], $0x80, s31, s23, $0xb8;
	[tilespmem:$0x1E800] =	vst v63  }
0x7b: {  	_ =	swait.ge [sflag:s26], $0x4000  }
0x7c: {  	[sflag:s26] =	ssyncset.done $0x0  }
0x7d: {  	[sflag:s26] =	ssyncadd.s32 $0xFFFFC000  }
0x7e: {  	[spmem:s2] =	stream.indirect.scatter.add.f32 [tilespmem:s24], [sflag:$0x3], $0x80, s3, s23, $0xb8;
	[tilespmem:$0x1E800] =	vst v63  }
0x7f: {  	_ =	swait.ge [sflag:s21], $0x4000  }
0x80: {  	[sflag:s21] =	ssyncset.done $0x0  }
0x81: {  	[sflag:s21] =	ssyncadd.s32 $0xFFFFC000  }
0x82: {  	[tilespmem:s24], [sflag:$0x2] =	stream.indirect.gather [hbm4b:s6+s23], $0x80, s31, s23, $0xb8;
	[tilespmem:$0x1E800] =	vst v63  }
0x83: {  	_ =	swait.ge [sflag:s25], $0x4000  }
.Ltmp1:
0x84: {  	[sflag:s25] =	ssyncset.done $0x0;
	(pc) =	sbr.rel @p0 .LBB2_2-.Ltmp1, $4  }
0x85: {  	[sflag:s25] =	ssyncadd.s32 $0xFFFFC000  }
0x86: {  	_ =	swait.ge [sflag:s26], $0x4000  }
0x87: {  	[sflag:s26] =	ssyncset.done $0x0  }
0x88: {  	s14 =	simm.s32 $0x28;
	p1 =	por $0x0, $0x0;
	[sflag:s26] =	ssyncadd.s32 $0xFFFFC000  }
0x89: {  	[bflag:$0x0] =	sbarrier.arrive $0xFFFF  }
0x8a: {  	[tilespmem:s20], [sflag:$0x3] =	stream.linear.gather [spmem:s8], $0x4000, $0x38;
	[tilespmem:$0x1E800] =	vst v63  }
0x8b: {  	_ =	swait.ge [sflag:s21], $0x4000  }
0x8c: {  	[sflag:s21] =	ssyncset.done $0x0  }
0x8d: {  	s14 =	rddreg [dreg:$0x5];
	[sflag:s21] =	ssyncadd.s32 $0xFFFFC000  }
0x8e: {  	[hbm4b:s14+s4] =	stream.linear.scatter [tilespmem:s20], [sflag:$0x3], $0x4000, $0x38;
	[tilespmem:$0x1E800] =	vst v63  }
0x8f: {  	_ =	swait.ge [sflag:s21], $0x4000  }
0x90: {  	[sflag:s21] =	ssyncset.done $0x0  }
0x91: {  	[sflag:s21] =	ssyncadd.s32 $0xFFFFC000  }
0x92: {  	[tilespmem:s20], [sflag:$0x3] =	stream.linear.gather [spmem:s9], $0x4000, $0x38;
	[tilespmem:$0x1E800] =	vst v63  }
0x93: {  	_ =	swait.ge [sflag:s21], $0x4000  }
0x94: {  	[sflag:s21] =	ssyncset.done $0x0  }
0x95: {  	s15 =	rddreg [dreg:$0x6];
	[sflag:s21] =	ssyncadd.s32 $0xFFFFC000  }
0x96: {  	[hbm4b:s15+s4] =	stream.linear.scatter [tilespmem:s20], [sflag:$0x3], $0x4000, $0x38;
	[tilespmem:$0x1E800] =	vst v63  }
0x97: {  	_ =	swait.ge [sflag:s21], $0x4000  }
0x98: {  	[sflag:s21] =	ssyncset.done $0x0  }
0x99: {  	[sflag:s21] =	ssyncadd.s32 $0xFFFFC000  }
0x9a: {  	[tilespmem:s20], [sflag:$0x3] =	stream.linear.gather [spmem:s10], $0x4000, $0x38;
	[tilespmem:$0x1E800] =	vst v63  }
0x9b: {  	_ =	swait.ge [sflag:s21], $0x4000  }
0x9c: {  	[sflag:s21] =	ssyncset.done $0x0  }
0x9d: {  	s16 =	rddreg [dreg:$0x7];
	[sflag:s21] =	ssyncadd.s32 $0xFFFFC000  }
0x9e: {  	[hbm4b:s16+s4] =	stream.linear.scatter [tilespmem:s20], [sflag:$0x3], $0x4000, $0x38;
	[tilespmem:$0x1E800] =	vst v63  }
0x9f: {  	_ =	swait.ge [sflag:s21], $0x4000  }
0xa0: {  	[sflag:s21] =	ssyncset.done $0x0  }
0xa1: {  	[sflag:s21] =	ssyncadd.s32 $0xFFFFC000  }
0xa2: {  	[tilespmem:s20], [sflag:$0x3] =	stream.linear.gather [spmem:s11], $0x4000, $0x38;
	[tilespmem:$0x1E800] =	vst v63  }
0xa3: {  	_ =	swait.ge [sflag:s21], $0x4000  }
0xa4: {  	[sflag:s21] =	ssyncset.done $0x0  }
0xa5: {  	[sflag:s21] =	ssyncadd.s32 $0xFFFFC000  }
0xa6: {  	[hbm4b:s17+s4] =	stream.linear.scatter [tilespmem:s20], [sflag:$0x3], $0x4000, $0x38;
	[tilespmem:$0x1E800] =	vst v63  }
0xa7: {  	_ =	swait.ge [sflag:s21], $0x4000  }
0xa8: {  	[sflag:s21] =	ssyncset.done $0x0  }
0xa9: {  	[sflag:s21] =	ssyncadd.s32 $0xFFFFC000  }
0xaa: {  	[tilespmem:s20], [sflag:$0x3] =	stream.linear.gather [spmem:s12], $0x4000, $0x38;
	[tilespmem:$0x1E800] =	vst v63  }
0xab: {  	s7 =	sadd.s32 $0x1, s7;
	_ =	swait.ge [sflag:s21], $0x4000  }
0xac: {  	p0 =	sne.s32 s7, s19;
	[sflag:s21] =	ssyncset.done $0x0  }
.Ltmp2:
0xad: {  	[sflag:s21] =	ssyncadd.s32 $0xFFFFC000;
	(pc) =	sbr.rel @p0 .LBB2_1-.Ltmp2, $4  }
0xae: {  	[hbm4b:s18+s4] =	stream.linear.scatter [tilespmem:s20], [sflag:$0x3], $0x4000, $0x38;
	[tilespmem:$0x1E800] =	vst v63  }
0xaf: {  	_ =	swait.ge [sflag:s21], $0x4000  }
0xb0: {  	[sflag:s21] =	ssyncset.done $0x0  }
0xb1: {  	[sflag:s21] =	ssyncadd.s32 $0xFFFFC000  }
0xb2: {  	_ =	sfence.sel $0x180000  }
0xb3: {  	[bflag:$0x0] =	sbarrier.arrive $0xFFFF  }
0xb4: {  	_ =	strace $0x90000050  }
0xb5: {  	s0 =	stileid.u32;
	[bflag:$0x2] =	sbarrier.arrive $0xFFFF  }
0xb6: {  	p0 =	sne.s32 s0, $0x0;
	s0 =	rddreg [dreg:$0x3]  }
0xb7: {  	s0 =	sadd.s32 @!p0 $0x100000, s0  }
0xb8: {  	[sflag:s0] =	ssyncadd.tile.s32 @!p0 $0x1;
	_ =	shalt  }
.Lfunc_end2:
_tile_overlayer_lowered:
.L_overlay_start_2:
0xb9: {  	(tag) =	ssettag $0x2  }
0xba: {  	s0 =	rddreg [dreg:$0x0];
	s2 =	stileid.u32  }
0xbb: {  	s1 =	rddreg [dreg:$0x1];
	p0 =	sne.s32 s2, $0x0  }
0xbc: {  	s3 =	rddreg [dreg:$0x2];
	[bflag:$0x3] =	sbarrier.arrive $0xFFFF;
	s2 =	simm.s32 @!p0 $0x1C03  }
0xbd: {  	[timem:s3], [sflag:s2] =	dma.local @!p0 [hbm:s0], s1  }
0xbe: {  	s0 =	simm.s32 @!p0 $0x3  }
0xbf: {  	_ =	swait.ge @!p0 [sflag:s0], s1  }
0xc0: {  	s1 =	ssub.s32 @!p0 $0x0, s1;
	[sflag:s0] =	ssyncset.done @!p0 $0x0  }
0xc1: {  	[sflag:s0] =	ssyncadd.s32 @!p0 s1  }
0xc2: {  	[bflag:$0x3] =	sbarrier.arrive $0xFFFF  }
0xc3: {  	_ =	shalt  }

</sc_bundles>
